<compile_context>
chip_gen: v7x
topology: tpu7x:2x2x1
jax: 0.10.2.dev20260603
libtpu: 0.0.44.dev20260713+nightly
codegen_flags: <defaults>
</compile_context>

<pallas_src>
import functools

import jax
import jax.numpy as jnp
from jax import lax
from jax.experimental import pallas as pl
from jax.experimental.pallas import tpu as pltpu
from jax.experimental.pallas import tpu_sc as plsc

N = 10000
E = 320000
F_IN = 128
C = 40
D = 40
NC = 2
NS = 16
NW = NC * NS
EPW = E // NW
CH = 125
NCH = EPW // CH
NPT = N // NS

_mesh = plsc.VectorSubcoreMesh(core_axis_name="c", subcore_axis_name="s")



def _deg_body(col_hbm, degp_hbm, colv, acc):
    cid = lax.axis_index("c")
    sid = lax.axis_index("s")
    wid = cid * NS + sid
    zeros16 = jnp.zeros((16,), jnp.float32)

    def zbody(i, _):
        acc[pl.ds(i * 16, 16)] = zeros16
        return ()
    lax.fori_loop(0, N // 16, zbody, (), unroll=8)

    pltpu.sync_copy(col_hbm.at[pl.ds(wid * EPW, EPW)], colv)
    ones16 = jnp.ones((16,), jnp.float32)

    def body(i, _):
        idx = colv[pl.ds(i * 16, 16)]
        plsc.addupdate_scatter(acc, [idx], ones16)
        return ()
    lax.fori_loop(0, EPW // 16, body, (), unroll=4)

    pltpu.sync_copy(acc, degp_hbm.at[pl.ds(wid * N, N)])


_deg_call = functools.partial(
    pl.kernel,
    out_type=jax.ShapeDtypeStruct((NW * N,), jnp.float32),
    mesh=_mesh,
    scratch_types=[
        pltpu.VMEM((EPW,), jnp.int32),
        pltpu.VMEM((N,), jnp.float32),
    ],
    compiler_params=pltpu.CompilerParams(needs_layout_passes=False, use_tc_tiling_on_sc=False),
)(_deg_body)



NSLOT = 8


def _hop_body(z_hbm, row_hbm, col_hbm, zeros_hbm, s_hbm,
              rowi, coli, bufs, acc_sh, sgs, sss):
    cid = lax.axis_index("c")
    sid = lax.axis_index("s")
    wid = cid * NS + sid

    @pl.when(sid < NS - 1)
    def _():
        st = pl.multiple_of(sid * 640, 8)
        pltpu.sync_copy(zeros_hbm.at[pl.ds(st, 640)], acc_sh.at[pl.ds(st, 640)])

    @pl.when(sid == NS - 1)
    def _():
        pltpu.sync_copy(zeros_hbm.at[pl.ds(9600, 400)],
                        acc_sh.at[pl.ds(9600, 400)])
    pltpu.sync_copy(row_hbm.at[pl.ds(wid * NCH, NCH)], rowi)
    pltpu.sync_copy(col_hbm.at[pl.ds(wid * NCH, NCH)], coli)
    plsc.subcore_barrier()

    for b in range(NSLOT):
        pltpu.async_copy(z_hbm.at[rowi.at[b]], bufs[b], sgs[b])

    def t_body(t, _):
        j = t * NSLOT
        for b in range(NSLOT):
            pltpu.make_async_copy(z_hbm.at[rowi.at[j + b]], bufs[b], sgs[b]).wait()
            pltpu.async_copy(bufs[b], acc_sh.at[coli.at[j + b]], sss[b], add=True)
        for b in range(NSLOT):
            pltpu.make_async_copy(bufs[b], acc_sh.at[coli.at[j + b]], sss[b]).wait()

            @pl.when(t < NCH // NSLOT - 1)
            def _():
                pltpu.async_copy(z_hbm.at[rowi.at[j + NSLOT + b]], bufs[b], sgs[b])
        return ()
    lax.fori_loop(0, NCH // NSLOT, t_body, ())

    plsc.subcore_barrier()

    @pl.when(sid < NS - 1)
    def _():
        st = pl.multiple_of(sid * 640, 8)
        pltpu.sync_copy(acc_sh.at[pl.ds(st, 640)],
                        s_hbm.at[cid, pl.ds(st, 640)])

    @pl.when(sid == NS - 1)
    def _():
        pltpu.sync_copy(acc_sh.at[pl.ds(9600, 400)],
                        s_hbm.at[cid, pl.ds(9600, 400)])


_hop_call = functools.partial(
    pl.kernel,
    out_type=jax.ShapeDtypeStruct((NC, N, D), jnp.float32),
    mesh=_mesh,
    scratch_types=[
        pltpu.VMEM((NCH, CH), jnp.int32),
        pltpu.VMEM((NCH, CH), jnp.int32),
        [pltpu.VMEM((CH, D), jnp.float32) for _ in range(NSLOT)],
        pltpu.VMEM_SHARED((N, D), jnp.float32),
        [pltpu.SemaphoreType.DMA for _ in range(NSLOT)],
        [pltpu.SemaphoreType.DMA for _ in range(NSLOT)],
    ],
    compiler_params=pltpu.CompilerParams(needs_layout_passes=False, use_tc_tiling_on_sc=False),
)(_hop_body)



BN = 1000


def _dinv(degp_blk):
    deg = jnp.sum(degp_blk, axis=1) + 1.0
    return lax.rsqrt(deg)


def _z0_body(degp_ref, x_ref, w_ref, z0_ref):
    dinv = _dinv(degp_ref[...])
    y = jnp.dot(x_ref[...], w_ref[...].T, preferred_element_type=jnp.float32)
    z0_ref[...] = dinv[:, None] * y


_z0_call = pl.pallas_call(
    _z0_body,
    grid=(N // BN,),
    in_specs=[
        pl.BlockSpec((BN, NW), lambda i: (i, 0)),
        pl.BlockSpec((BN, F_IN), lambda i: (i, 0)),
        pl.BlockSpec((D, F_IN), lambda i: (0, 0)),
    ],
    out_specs=pl.BlockSpec((BN, D), lambda i: (i, 0)),
    out_shape=jax.ShapeDtypeStruct((N, D), jnp.float32),
)


def _scale_body(degp_ref, s_ref, z_ref, o_ref):
    deg = jnp.sum(degp_ref[...], axis=1) + 1.0
    o_ref[...] = (1.0 / deg)[:, None] * (s_ref[0] + s_ref[1] + z_ref[...])


_scale_call = pl.pallas_call(
    _scale_body,
    grid=(N // BN,),
    in_specs=[
        pl.BlockSpec((BN, NW), lambda i: (i, 0)),
        pl.BlockSpec((NC, BN, D), lambda i: (0, i, 0)),
        pl.BlockSpec((BN, D), lambda i: (i, 0)),
    ],
    out_specs=pl.BlockSpec((BN, D), lambda i: (i, 0)),
    out_shape=jax.ShapeDtypeStruct((N, D), jnp.float32),
)


def _final_body(degp_ref, s_ref, z_ref, b_ref, o_ref):
    dinv = _dinv(degp_ref[...])
    h = dinv[:, None] * (s_ref[0] + s_ref[1] + z_ref[...])
    logits = h[:, :C] + b_ref[...]
    m = jnp.max(logits, axis=1, keepdims=True)
    lse = jnp.log(jnp.sum(jnp.exp(logits - m), axis=1, keepdims=True))
    o_ref[...] = logits - m - lse


_final_call = pl.pallas_call(
    _final_body,
    grid=(N // BN,),
    in_specs=[
        pl.BlockSpec((BN, NW), lambda i: (i, 0)),
        pl.BlockSpec((NC, BN, D), lambda i: (0, i, 0)),
        pl.BlockSpec((BN, D), lambda i: (i, 0)),
        pl.BlockSpec((1, C), lambda i: (0, 0)),
    ],
    out_specs=pl.BlockSpec((BN, C), lambda i: (i, 0)),
    out_shape=jax.ShapeDtypeStruct((N, C), jnp.float32),
)


def kernel(x, edge_index, W, b):
    row = edge_index[0].astype(jnp.int32)
    col = edge_index[1].astype(jnp.int32)
    row2d = row.reshape(E // CH, CH)
    col2d = col.reshape(E // CH, CH)
    zeros_nd = jnp.zeros((N, D), jnp.float32)

    degp = _deg_call(col).reshape(NW, N).T
    z0 = _z0_call(degp, x, W)
    s1 = _hop_call(z0, row2d, col2d, zeros_nd)
    z1 = _scale_call(degp, s1, z0)
    s2 = _hop_call(z1, row2d, col2d, zeros_nd)
    return _final_call(degp, s2, z1, b.reshape(1, C))

# --- scband reference (transcript-rebuilt; emitter-appended) ---
"""Pipeline reference for scband-sgc-18159121727554 (READ-ONLY COPY).

The authoritative reference and input builder live on the scoring server;
editing this copy changes nothing except your own understanding.
"""

import jax, jax.numpy as jnp
import numpy as np

N = 10000
E = 320000
F_IN = 128
C = 40
K = 2


def setup_inputs(seed: int = 0) -> dict:
    key = jax.random.key(seed)
    k1, k2, k3 = jax.random.split(key, 3)
    x = jax.random.normal(k1, (N, F_IN), dtype=jnp.float32)
    edge_index = jax.random.randint(k2, (2, E), 0, N)
    # SGConv has a single Linear(num_features, num_classes) applied after K-hop propagation
    W = jax.random.normal(k3, (C, F_IN), dtype=jnp.float32) * 0.05
    b = jnp.zeros((C,), dtype=jnp.float32)
    return {"x": x, "edge_index": edge_index, "W": W, "b": b}


def reference(x, edge_index, W, b):
    # --- gcn_norm with self loops (PyG SGConv default: add_self_loops=True) ---
    row = jnp.concatenate([edge_index[0], jnp.arange(N)])
    col = jnp.concatenate([edge_index[1], jnp.arange(N)])
    ones = jnp.ones(row.shape[0], dtype=x.dtype)
    deg = jax.ops.segment_sum(ones, col, num_segments=N)
    dinv = jnp.where(deg > 0, jax.lax.rsqrt(deg), jnp.zeros_like(deg))
    norm = dinv[row] * dinv[col]
    # --- K-hop propagation: x <- A_hat_norm @ x, K times ---
    h = x
    for _ in range(K):
        msg = norm[:, None] * h[row]          # gather from source nodes
        h = jax.ops.segment_sum(msg, col, num_segments=N)  # scatter-add to dst nodes
    # --- final linear + log_softmax ---
    out = h @ W.T + b
    return jax.nn.log_softmax(out, axis=1)

if __name__ == "__main__":
    import jax
    _d = setup_inputs()
    print(jax.jit(kernel)(*tuple(_d.values())))

</pallas_src>

<mosaic_0001>
#map = affine_map<(d0, d1) -> (0, 0)>
#map1 = affine_map<(d0, d1) -> (0, 0, 0)>
module attributes {stable_mosaic.version = 14 : i64} {
  func.func @_hop_body(%arg0: i32, %arg1: i32, %arg2: memref<10000x40xf32, #tpu.memory_space<hbm>>, %arg3: memref<2560x125xi32, #tpu.memory_space<hbm>>, %arg4: memref<2560x125xi32, #tpu.memory_space<hbm>>, %arg5: memref<10000x40xf32, #tpu.memory_space<hbm>>, %arg6: memref<2x10000x40xf32, #tpu.memory_space<hbm>>, %arg7: memref<80x125xi32, #tpu.memory_space<vmem>>, %arg8: memref<80x125xi32, #tpu.memory_space<vmem>>, %arg9: memref<125x40xf32, #tpu.memory_space<vmem>>, %arg10: memref<125x40xf32, #tpu.memory_space<vmem>>, %arg11: memref<125x40xf32, #tpu.memory_space<vmem>>, %arg12: memref<125x40xf32, #tpu.memory_space<vmem>>, %arg13: memref<125x40xf32, #tpu.memory_space<vmem>>, %arg14: memref<125x40xf32, #tpu.memory_space<vmem>>, %arg15: memref<125x40xf32, #tpu.memory_space<vmem>>, %arg16: memref<125x40xf32, #tpu.memory_space<vmem>>, %arg17: memref<10000x40xf32, #tpu.memory_space<vmem_shared>>, %arg18: memref<!tpu.dma_semaphore, #tpu.memory_space<semaphore_mem>>, %arg19: memref<!tpu.dma_semaphore, #tpu.memory_space<semaphore_mem>>, %arg20: memref<!tpu.dma_semaphore, #tpu.memory_space<semaphore_mem>>, %arg21: memref<!tpu.dma_semaphore, #tpu.memory_space<semaphore_mem>>, %arg22: memref<!tpu.dma_semaphore, #tpu.memory_space<semaphore_mem>>, %arg23: memref<!tpu.dma_semaphore, #tpu.memory_space<semaphore_mem>>, %arg24: memref<!tpu.dma_semaphore, #tpu.memory_space<semaphore_mem>>, %arg25: memref<!tpu.dma_semaphore, #tpu.memory_space<semaphore_mem>>, %arg26: memref<!tpu.dma_semaphore, #tpu.memory_space<semaphore_mem>>, %arg27: memref<!tpu.dma_semaphore, #tpu.memory_space<semaphore_mem>>, %arg28: memref<!tpu.dma_semaphore, #tpu.memory_space<semaphore_mem>>, %arg29: memref<!tpu.dma_semaphore, #tpu.memory_space<semaphore_mem>>, %arg30: memref<!tpu.dma_semaphore, #tpu.memory_space<semaphore_mem>>, %arg31: memref<!tpu.dma_semaphore, #tpu.memory_space<semaphore_mem>>, %arg32: memref<!tpu.dma_semaphore, #tpu.memory_space<semaphore_mem>>, %arg33: memref<!tpu.dma_semaphore, #tpu.memory_space<semaphore_mem>>) attributes {dimension_semantics = [#tpu.dimension_semantics<core_parallel>, #tpu.dimension_semantics<subcore_parallel>], iteration_bounds = array<i64: 2, 16>, scalar_prefetch = 0 : i64, scratch_operands = 27 : i64, tpu.core_type = #tpu.core_type<sc_vector_subcore>, window_params = [{transform_indices = #map}, {transform_indices = #map}, {transform_indices = #map}, {transform_indices = #map}, {transform_indices = #map1}]} {
    %mul3A = arith.constant 16 : i32
    %mul3A_0 = arith.muli %arg0, %mul3A : i32
    %add3A = arith.addi %mul3A_0, %arg1 : i32
    %lt3A = arith.constant 15 : i32
    %lt3A_1 = arith.cmpi slt, %arg1, %lt3A : i32
    %convert_element_type3A = arith.extui %lt3A_1 : i1 to i32
    %cond3A = arith.constant 0 : i32
    %cond3A_2 = arith.cmpi ne, %convert_element_type3A, %cond3A : i32
    scf.if %cond3A_2 {
      %mul3A_81 = arith.constant 640 : i32
      %mul3A_82 = arith.muli %arg1, %mul3A_81 : i32
      %multiple_of3A = tpu.assume_multiple %mul3A_82, 8 : i32
      "tpu.region"() ({
        %run_scoped3A = tpu.sem_alloc : memref<!tpu.dma_semaphore, #tpu.memory_space<semaphore_mem>>
        %dma_start3A_83 = arith.constant 0 : i32
        %dma_start3A_84 = tpu.memref_slice %arg17[%multiple_of3A, %dma_start3A_83] : memref<10000x40xf32, #tpu.memory_space<vmem_shared>> -> memref<640x40xf32, #tpu.memory_space<vmem_shared>>
        %dma_start3A_85 = arith.constant 0 : i32
        %dma_start3A_86 = tpu.memref_slice %arg5[%multiple_of3A, %dma_start3A_85] : memref<10000x40xf32, #tpu.memory_space<hbm>> -> memref<640x40xf32, #tpu.memory_space<hbm>>
        tpu.enqueue_dma source(%dma_start3A_86 : memref<640x40xf32, #tpu.memory_space<hbm>>) target(%dma_start3A_84 : memref<640x40xf32, #tpu.memory_space<vmem_shared>>) target_semaphore(%run_scoped3A : memref<!tpu.dma_semaphore, #tpu.memory_space<semaphore_mem>>)
        %dma_wait3A = arith.constant 0 : i32
        %dma_wait3A_87 = tpu.memref_slice %arg17[%multiple_of3A, %dma_wait3A] : memref<10000x40xf32, #tpu.memory_space<vmem_shared>> -> memref<640x40xf32, #tpu.memory_space<vmem_shared>>
        %dma_wait3A_88 = arith.constant 0 : i32
        %dma_wait3A_89 = tpu.memref_slice %arg5[%multiple_of3A, %dma_wait3A_88] : memref<10000x40xf32, #tpu.memory_space<hbm>> -> memref<640x40xf32, #tpu.memory_space<hbm>>
        tpu.wait_dma2 semaphore(%run_scoped3A : memref<!tpu.dma_semaphore, #tpu.memory_space<semaphore_mem>>) src(%dma_wait3A_89 : memref<640x40xf32, #tpu.memory_space<hbm>>) dst(%dma_wait3A_87 : memref<640x40xf32, #tpu.memory_space<vmem_shared>>)
        tpu.yield
      }) : () -> ()
    } else {
    }
    %eq3A = arith.constant 15 : i32
    %eq3A_3 = arith.cmpi eq, %arg1, %eq3A : i32
    %convert_element_type3A_4 = arith.extui %eq3A_3 : i1 to i32
    %cond3A_5 = arith.constant 0 : i32
    %cond3A_6 = arith.cmpi ne, %convert_element_type3A_4, %cond3A_5 : i32
    scf.if %cond3A_6 {
      "tpu.region"() ({
        %run_scoped3A = tpu.sem_alloc : memref<!tpu.dma_semaphore, #tpu.memory_space<semaphore_mem>>
        %dma_start3A_81 = arith.constant 9600 : i32
        %dma_start3A_82 = arith.constant 0 : i32
        %dma_start3A_83 = tpu.memref_slice %arg17[%dma_start3A_81, %dma_start3A_82] : memref<10000x40xf32, #tpu.memory_space<vmem_shared>> -> memref<400x40xf32, #tpu.memory_space<vmem_shared>>
        %dma_start3A_84 = arith.constant 9600 : i32
        %dma_start3A_85 = arith.constant 0 : i32
        %dma_start3A_86 = tpu.memref_slice %arg5[%dma_start3A_84, %dma_start3A_85] : memref<10000x40xf32, #tpu.memory_space<hbm>> -> memref<400x40xf32, #tpu.memory_space<hbm>>
        tpu.enqueue_dma source(%dma_start3A_86 : memref<400x40xf32, #tpu.memory_space<hbm>>) target(%dma_start3A_83 : memref<400x40xf32, #tpu.memory_space<vmem_shared>>) target_semaphore(%run_scoped3A : memref<!tpu.dma_semaphore, #tpu.memory_space<semaphore_mem>>)
        %dma_wait3A = arith.constant 9600 : i32
        %dma_wait3A_87 = arith.constant 0 : i32
        %dma_wait3A_88 = tpu.memref_slice %arg17[%dma_wait3A, %dma_wait3A_87] : memref<10000x40xf32, #tpu.memory_space<vmem_shared>> -> memref<400x40xf32, #tpu.memory_space<vmem_shared>>
        %dma_wait3A_89 = arith.constant 9600 : i32
        %dma_wait3A_90 = arith.constant 0 : i32
        %dma_wait3A_91 = tpu.memref_slice %arg5[%dma_wait3A_89, %dma_wait3A_90] : memref<10000x40xf32, #tpu.memory_space<hbm>> -> memref<400x40xf32, #tpu.memory_space<hbm>>
        tpu.wait_dma2 semaphore(%run_scoped3A : memref<!tpu.dma_semaphore, #tpu.memory_space<semaphore_mem>>) src(%dma_wait3A_91 : memref<400x40xf32, #tpu.memory_space<hbm>>) dst(%dma_wait3A_88 : memref<400x40xf32, #tpu.memory_space<vmem_shared>>)
        tpu.yield
      }) : () -> ()
    } else {
    }
    %mul3A_7 = arith.constant 80 : i32
    %mul3A_8 = arith.muli %add3A, %mul3A_7 : i32
    "tpu.region"() ({
      %run_scoped3A = tpu.sem_alloc : memref<!tpu.dma_semaphore, #tpu.memory_space<semaphore_mem>>
      %dma_start3A_81 = arith.constant 0 : i32
      %dma_start3A_82 = tpu.memref_slice %arg3[%mul3A_8, %dma_start3A_81] : memref<2560x125xi32, #tpu.memory_space<hbm>> -> memref<80x125xi32, #tpu.memory_space<hbm>>
      %dma_start3A_83 = arith.constant 0 : i32
      %dma_start3A_84 = tpu.memref_slice %arg3[%mul3A_8, %dma_start3A_83] : memref<2560x125xi32, #tpu.memory_space<hbm>> -> memref<80x125xi32, #tpu.memory_space<hbm>>
      tpu.enqueue_dma source(%dma_start3A_84 : memref<80x125xi32, #tpu.memory_space<hbm>>) target(%arg7 : memref<80x125xi32, #tpu.memory_space<vmem>>) target_semaphore(%run_scoped3A : memref<!tpu.dma_semaphore, #tpu.memory_space<semaphore_mem>>)
      %dma_wait3A = arith.constant 0 : i32
      %dma_wait3A_85 = tpu.memref_slice %arg3[%mul3A_8, %dma_wait3A] : memref<2560x125xi32, #tpu.memory_space<hbm>> -> memref<80x125xi32, #tpu.memory_space<hbm>>
      %dma_wait3A_86 = arith.constant 0 : i32
      %dma_wait3A_87 = tpu.memref_slice %arg3[%mul3A_8, %dma_wait3A_86] : memref<2560x125xi32, #tpu.memory_space<hbm>> -> memref<80x125xi32, #tpu.memory_space<hbm>>
      tpu.wait_dma2 semaphore(%run_scoped3A : memref<!tpu.dma_semaphore, #tpu.memory_space<semaphore_mem>>) src(%dma_wait3A_87 : memref<80x125xi32, #tpu.memory_space<hbm>>) dst(%arg7 : memref<80x125xi32, #tpu.memory_space<vmem>>)
      tpu.yield
    }) : () -> ()
    %mul3A_9 = arith.constant 80 : i32
    %mul3A_10 = arith.muli %add3A, %mul3A_9 : i32
    "tpu.region"() ({
      %run_scoped3A = tpu.sem_alloc : memref<!tpu.dma_semaphore, #tpu.memory_space<semaphore_mem>>
      %dma_start3A_81 = arith.constant 0 : i32
      %dma_start3A_82 = tpu.memref_slice %arg4[%mul3A_10, %dma_start3A_81] : memref<2560x125xi32, #tpu.memory_space<hbm>> -> memref<80x125xi32, #tpu.memory_space<hbm>>
      %dma_start3A_83 = arith.constant 0 : i32
      %dma_start3A_84 = tpu.memref_slice %arg4[%mul3A_10, %dma_start3A_83] : memref<2560x125xi32, #tpu.memory_space<hbm>> -> memref<80x125xi32, #tpu.memory_space<hbm>>
      tpu.enqueue_dma source(%dma_start3A_84 : memref<80x125xi32, #tpu.memory_space<hbm>>) target(%arg8 : memref<80x125xi32, #tpu.memory_space<vmem>>) target_semaphore(%run_scoped3A : memref<!tpu.dma_semaphore, #tpu.memory_space<semaphore_mem>>)
      %dma_wait3A = arith.constant 0 : i32
      %dma_wait3A_85 = tpu.memref_slice %arg4[%mul3A_10, %dma_wait3A] : memref<2560x125xi32, #tpu.memory_space<hbm>> -> memref<80x125xi32, #tpu.memory_space<hbm>>
      %dma_wait3A_86 = arith.constant 0 : i32
      %dma_wait3A_87 = tpu.memref_slice %arg4[%mul3A_10, %dma_wait3A_86] : memref<2560x125xi32, #tpu.memory_space<hbm>> -> memref<80x125xi32, #tpu.memory_space<hbm>>
      tpu.wait_dma2 semaphore(%run_scoped3A : memref<!tpu.dma_semaphore, #tpu.memory_space<semaphore_mem>>) src(%dma_wait3A_87 : memref<80x125xi32, #tpu.memory_space<hbm>>) dst(%arg8 : memref<80x125xi32, #tpu.memory_space<vmem>>)
      tpu.yield
    }) : () -> ()
    %barrier3A = arith.constant 0 : index
    tpu.barrier barrier_id(%barrier3A)
    %dma_start3A = arith.constant 0 : i32
    %dma_start3A_11 = arith.constant 0 : i32
    %dma_start3A_12 = tpu.memref_slice %arg7[%dma_start3A, %dma_start3A_11] : memref<80x125xi32, #tpu.memory_space<vmem>> -> memref<1x125xi32, #tpu.memory_space<vmem>>
    %dma_start3A_13 = tpu.memref_squeeze %dma_start3A_12 : memref<1x125xi32, #tpu.memory_space<vmem>> -> memref<125xi32, #tpu.memory_space<vmem>>
    %dma_start3A_14 = arith.constant 0 : i32
    %dma_start3A_15 = arith.constant 0 : i32
    %dma_start3A_16 = tpu.memref_slice %arg2[%dma_start3A_14, %dma_start3A_15] : memref<10000x40xf32, #tpu.memory_space<hbm>> -> memref<10000x40xf32, #tpu.memory_space<hbm>>
    tpu.enqueue_indirect_dma source(%dma_start3A_16 : memref<10000x40xf32, #tpu.memory_space<hbm>>) target(%arg9 : memref<125x40xf32, #tpu.memory_space<vmem>>) offsets(%dma_start3A_13 : memref<125xi32, #tpu.memory_space<vmem>>) semaphore(%arg18 : memref<!tpu.dma_semaphore, #tpu.memory_space<semaphore_mem>>)
    %dma_start3A_17 = arith.constant 1 : i32
    %dma_start3A_18 = arith.constant 0 : i32
    %dma_start3A_19 = tpu.memref_slice %arg7[%dma_start3A_17, %dma_start3A_18] : memref<80x125xi32, #tpu.memory_space<vmem>> -> memref<1x125xi32, #tpu.memory_space<vmem>>
    %dma_start3A_20 = tpu.memref_squeeze %dma_start3A_19 : memref<1x125xi32, #tpu.memory_space<vmem>> -> memref<125xi32, #tpu.memory_space<vmem>>
    %dma_start3A_21 = arith.constant 0 : i32
    %dma_start3A_22 = arith.constant 0 : i32
    %dma_start3A_23 = tpu.memref_slice %arg2[%dma_start3A_21, %dma_start3A_22] : memref<10000x40xf32, #tpu.memory_space<hbm>> -> memref<10000x40xf32, #tpu.memory_space<hbm>>
    tpu.enqueue_indirect_dma source(%dma_start3A_23 : memref<10000x40xf32, #tpu.memory_space<hbm>>) target(%arg10 : memref<125x40xf32, #tpu.memory_space<vmem>>) offsets(%dma_start3A_20 : memref<125xi32, #tpu.memory_space<vmem>>) semaphore(%arg19 : memref<!tpu.dma_semaphore, #tpu.memory_space<semaphore_mem>>)
    %dma_start3A_24 = arith.constant 2 : i32
    %dma_start3A_25 = arith.constant 0 : i32
    %dma_start3A_26 = tpu.memref_slice %arg7[%dma_start3A_24, %dma_start3A_25] : memref<80x125xi32, #tpu.memory_space<vmem>> -> memref<1x125xi32, #tpu.memory_space<vmem>>
    %dma_start3A_27 = tpu.memref_squeeze %dma_start3A_26 : memref<1x125xi32, #tpu.memory_space<vmem>> -> memref<125xi32, #tpu.memory_space<vmem>>
    %dma_start3A_28 = arith.constant 0 : i32
    %dma_start3A_29 = arith.constant 0 : i32
    %dma_start3A_30 = tpu.memref_slice %arg2[%dma_start3A_28, %dma_start3A_29] : memref<10000x40xf32, #tpu.memory_space<hbm>> -> memref<10000x40xf32, #tpu.memory_space<hbm>>
    tpu.enqueue_indirect_dma source(%dma_start3A_30 : memref<10000x40xf32, #tpu.memory_space<hbm>>) target(%arg11 : memref<125x40xf32, #tpu.memory_space<vmem>>) offsets(%dma_start3A_27 : memref<125xi32, #tpu.memory_space<vmem>>) semaphore(%arg20 : memref<!tpu.dma_semaphore, #tpu.memory_space<semaphore_mem>>)
    %dma_start3A_31 = arith.constant 3 : i32
    %dma_start3A_32 = arith.constant 0 : i32
    %dma_start3A_33 = tpu.memref_slice %arg7[%dma_start3A_31, %dma_start3A_32] : memref<80x125xi32, #tpu.memory_space<vmem>> -> memref<1x125xi32, #tpu.memory_space<vmem>>
    %dma_start3A_34 = tpu.memref_squeeze %dma_start3A_33 : memref<1x125xi32, #tpu.memory_space<vmem>> -> memref<125xi32, #tpu.memory_space<vmem>>
    %dma_start3A_35 = arith.constant 0 : i32
    %dma_start3A_36 = arith.constant 0 : i32
    %dma_start3A_37 = tpu.memref_slice %arg2[%dma_start3A_35, %dma_start3A_36] : memref<10000x40xf32, #tpu.memory_space<hbm>> -> memref<10000x40xf32, #tpu.memory_space<hbm>>
    tpu.enqueue_indirect_dma source(%dma_start3A_37 : memref<10000x40xf32, #tpu.memory_space<hbm>>) target(%arg12 : memref<125x40xf32, #tpu.memory_space<vmem>>) offsets(%dma_start3A_34 : memref<125xi32, #tpu.memory_space<vmem>>) semaphore(%arg21 : memref<!tpu.dma_semaphore, #tpu.memory_space<semaphore_mem>>)
    %dma_start3A_38 = arith.constant 4 : i32
    %dma_start3A_39 = arith.constant 0 : i32
    %dma_start3A_40 = tpu.memref_slice %arg7[%dma_start3A_38, %dma_start3A_39] : memref<80x125xi32, #tpu.memory_space<vmem>> -> memref<1x125xi32, #tpu.memory_space<vmem>>
    %dma_start3A_41 = tpu.memref_squeeze %dma_start3A_40 : memref<1x125xi32, #tpu.memory_space<vmem>> -> memref<125xi32, #tpu.memory_space<vmem>>
    %dma_start3A_42 = arith.constant 0 : i32
    %dma_start3A_43 = arith.constant 0 : i32
    %dma_start3A_44 = tpu.memref_slice %arg2[%dma_start3A_42, %dma_start3A_43] : memref<10000x40xf32, #tpu.memory_space<hbm>> -> memref<10000x40xf32, #tpu.memory_space<hbm>>
    tpu.enqueue_indirect_dma source(%dma_start3A_44 : memref<10000x40xf32, #tpu.memory_space<hbm>>) target(%arg13 : memref<125x40xf32, #tpu.memory_space<vmem>>) offsets(%dma_start3A_41 : memref<125xi32, #tpu.memory_space<vmem>>) semaphore(%arg22 : memref<!tpu.dma_semaphore, #tpu.memory_space<semaphore_mem>>)
    %dma_start3A_45 = arith.constant 5 : i32
    %dma_start3A_46 = arith.constant 0 : i32
    %dma_start3A_47 = tpu.memref_slice %arg7[%dma_start3A_45, %dma_start3A_46] : memref<80x125xi32, #tpu.memory_space<vmem>> -> memref<1x125xi32, #tpu.memory_space<vmem>>
    %dma_start3A_48 = tpu.memref_squeeze %dma_start3A_47 : memref<1x125xi32, #tpu.memory_space<vmem>> -> memref<125xi32, #tpu.memory_space<vmem>>
    %dma_start3A_49 = arith.constant 0 : i32
    %dma_start3A_50 = arith.constant 0 : i32
    %dma_start3A_51 = tpu.memref_slice %arg2[%dma_start3A_49, %dma_start3A_50] : memref<10000x40xf32, #tpu.memory_space<hbm>> -> memref<10000x40xf32, #tpu.memory_space<hbm>>
    tpu.enqueue_indirect_dma source(%dma_start3A_51 : memref<10000x40xf32, #tpu.memory_space<hbm>>) target(%arg14 : memref<125x40xf32, #tpu.memory_space<vmem>>) offsets(%dma_start3A_48 : memref<125xi32, #tpu.memory_space<vmem>>) semaphore(%arg23 : memref<!tpu.dma_semaphore, #tpu.memory_space<semaphore_mem>>)
    %dma_start3A_52 = arith.constant 6 : i32
    %dma_start3A_53 = arith.constant 0 : i32
    %dma_start3A_54 = tpu.memref_slice %arg7[%dma_start3A_52, %dma_start3A_53] : memref<80x125xi32, #tpu.memory_space<vmem>> -> memref<1x125xi32, #tpu.memory_space<vmem>>
    %dma_start3A_55 = tpu.memref_squeeze %dma_start3A_54 : memref<1x125xi32, #tpu.memory_space<vmem>> -> memref<125xi32, #tpu.memory_space<vmem>>
    %dma_start3A_56 = arith.constant 0 : i32
    %dma_start3A_57 = arith.constant 0 : i32
    %dma_start3A_58 = tpu.memref_slice %arg2[%dma_start3A_56, %dma_start3A_57] : memref<10000x40xf32, #tpu.memory_space<hbm>> -> memref<10000x40xf32, #tpu.memory_space<hbm>>
    tpu.enqueue_indirect_dma source(%dma_start3A_58 : memref<10000x40xf32, #tpu.memory_space<hbm>>) target(%arg15 : memref<125x40xf32, #tpu.memory_space<vmem>>) offsets(%dma_start3A_55 : memref<125xi32, #tpu.memory_space<vmem>>) semaphore(%arg24 : memref<!tpu.dma_semaphore, #tpu.memory_space<semaphore_mem>>)
    %dma_start3A_59 = arith.constant 7 : i32
    %dma_start3A_60 = arith.constant 0 : i32
    %dma_start3A_61 = tpu.memref_slice %arg7[%dma_start3A_59, %dma_start3A_60] : memref<80x125xi32, #tpu.memory_space<vmem>> -> memref<1x125xi32, #tpu.memory_space<vmem>>
    %dma_start3A_62 = tpu.memref_squeeze %dma_start3A_61 : memref<1x125xi32, #tpu.memory_space<vmem>> -> memref<125xi32, #tpu.memory_space<vmem>>
    %dma_start3A_63 = arith.constant 0 : i32
    %dma_start3A_64 = arith.constant 0 : i32
    %dma_start3A_65 = tpu.memref_slice %arg2[%dma_start3A_63, %dma_start3A_64] : memref<10000x40xf32, #tpu.memory_space<hbm>> -> memref<10000x40xf32, #tpu.memory_space<hbm>>
    tpu.enqueue_indirect_dma source(%dma_start3A_65 : memref<10000x40xf32, #tpu.memory_space<hbm>>) target(%arg16 : memref<125x40xf32, #tpu.memory_space<vmem>>) offsets(%dma_start3A_62 : memref<125xi32, #tpu.memory_space<vmem>>) semaphore(%arg25 : memref<!tpu.dma_semaphore, #tpu.memory_space<semaphore_mem>>)
    %scan3A = arith.constant 0 : i32
    %scan3A_66 = arith.constant 10 : i32
    %scan3A_67 = arith.addi %scan3A, %scan3A_66 : i32
    %scan3A_68 = arith.constant 1 : i32
    scf.for %scan3A_81 = %scan3A to %scan3A_67 step %scan3A_68  : i32 {
      %mul3A_82 = arith.constant 8 : i32
      %mul3A_83 = arith.muli %scan3A_81, %mul3A_82 : i32
      %add3A_84 = arith.constant 0 : i32
      %add3A_85 = arith.addi %mul3A_83, %add3A_84 : i32
      %dma_wait3A = arith.constant 0 : i32
      %dma_wait3A_86 = tpu.memref_slice %arg7[%add3A_85, %dma_wait3A] : memref<80x125xi32, #tpu.memory_space<vmem>> -> memref<1x125xi32, #tpu.memory_space<vmem>>
      %dma_wait3A_87 = tpu.memref_squeeze %dma_wait3A_86 : memref<1x125xi32, #tpu.memory_space<vmem>> -> memref<125xi32, #tpu.memory_space<vmem>>
      %dma_wait3A_88 = arith.constant 0 : i32
      %dma_wait3A_89 = arith.constant 0 : i32
      %dma_wait3A_90 = tpu.memref_slice %arg2[%dma_wait3A_88, %dma_wait3A_89] : memref<10000x40xf32, #tpu.memory_space<hbm>> -> memref<10000x40xf32, #tpu.memory_space<hbm>>
      tpu.wait_indirect_dma semaphore(%arg18 : memref<!tpu.dma_semaphore, #tpu.memory_space<semaphore_mem>>) src(%dma_wait3A_90 : memref<10000x40xf32, #tpu.memory_space<hbm>>) dst(%arg9 : memref<125x40xf32, #tpu.memory_space<vmem>>)
      %add3A_91 = arith.constant 0 : i32
      %add3A_92 = arith.addi %mul3A_83, %add3A_91 : i32
      %dma_start3A_93 = arith.constant 0 : i32
      %dma_start3A_94 = tpu.memref_slice %arg8[%add3A_92, %dma_start3A_93] : memref<80x125xi32, #tpu.memory_space<vmem>> -> memref<1x125xi32, #tpu.memory_space<vmem>>
      %dma_start3A_95 = tpu.memref_squeeze %dma_start3A_94 : memref<1x125xi32, #tpu.memory_space<vmem>> -> memref<125xi32, #tpu.memory_space<vmem>>
      %dma_start3A_96 = arith.constant 0 : i32
      %dma_start3A_97 = arith.constant 0 : i32
      %dma_start3A_98 = tpu.memref_slice %arg17[%dma_start3A_96, %dma_start3A_97] : memref<10000x40xf32, #tpu.memory_space<vmem_shared>> -> memref<10000x40xf32, #tpu.memory_space<vmem_shared>>
      tpu.enqueue_indirect_dma source(%arg9 : memref<125x40xf32, #tpu.memory_space<vmem>>) target(%dma_start3A_98 : memref<10000x40xf32, #tpu.memory_space<vmem_shared>>) offsets(%dma_start3A_95 : memref<125xi32, #tpu.memory_space<vmem>>) semaphore(%arg26 : memref<!tpu.dma_semaphore, #tpu.memory_space<semaphore_mem>>) {add = true}
      %add3A_99 = arith.constant 1 : i32
      %add3A_100 = arith.addi %mul3A_83, %add3A_99 : i32
      %dma_wait3A_101 = arith.constant 0 : i32
      %dma_wait3A_102 = tpu.memref_slice %arg7[%add3A_100, %dma_wait3A_101] : memref<80x125xi32, #tpu.memory_space<vmem>> -> memref<1x125xi32, #tpu.memory_space<vmem>>
      %dma_wait3A_103 = tpu.memref_squeeze %dma_wait3A_102 : memref<1x125xi32, #tpu.memory_space<vmem>> -> memref<125xi32, #tpu.memory_space<vmem>>
      %dma_wait3A_104 = arith.constant 0 : i32
      %dma_wait3A_105 = arith.constant 0 : i32
      %dma_wait3A_106 = tpu.memref_slice %arg2[%dma_wait3A_104, %dma_wait3A_105] : memref<10000x40xf32, #tpu.memory_space<hbm>> -> memref<10000x40xf32, #tpu.memory_space<hbm>>
      tpu.wait_indirect_dma semaphore(%arg19 : memref<!tpu.dma_semaphore, #tpu.memory_space<semaphore_mem>>) src(%dma_wait3A_106 : memref<10000x40xf32, #tpu.memory_space<hbm>>) dst(%arg10 : memref<125x40xf32, #tpu.memory_space<vmem>>)
      %add3A_107 = arith.constant 1 : i32
      %add3A_108 = arith.addi %mul3A_83, %add3A_107 : i32
      %dma_start3A_109 = arith.constant 0 : i32
      %dma_start3A_110 = tpu.memref_slice %arg8[%add3A_108, %dma_start3A_109] : memref<80x125xi32, #tpu.memory_space<vmem>> -> memref<1x125xi32, #tpu.memory_space<vmem>>
      %dma_start3A_111 = tpu.memref_squeeze %dma_start3A_110 : memref<1x125xi32, #tpu.memory_space<vmem>> -> memref<125xi32, #tpu.memory_space<vmem>>
      %dma_start3A_112 = arith.constant 0 : i32
      %dma_start3A_113 = arith.constant 0 : i32
      %dma_start3A_114 = tpu.memref_slice %arg17[%dma_start3A_112, %dma_start3A_113] : memref<10000x40xf32, #tpu.memory_space<vmem_shared>> -> memref<10000x40xf32, #tpu.memory_space<vmem_shared>>
      tpu.enqueue_indirect_dma source(%arg10 : memref<125x40xf32, #tpu.memory_space<vmem>>) target(%dma_start3A_114 : memref<10000x40xf32, #tpu.memory_space<vmem_shared>>) offsets(%dma_start3A_111 : memref<125xi32, #tpu.memory_space<vmem>>) semaphore(%arg27 : memref<!tpu.dma_semaphore, #tpu.memory_space<semaphore_mem>>) {add = true}
      %add3A_115 = arith.constant 2 : i32
      %add3A_116 = arith.addi %mul3A_83, %add3A_115 : i32
      %dma_wait3A_117 = arith.constant 0 : i32
      %dma_wait3A_118 = tpu.memref_slice %arg7[%add3A_116, %dma_wait3A_117] : memref<80x125xi32, #tpu.memory_space<vmem>> -> memref<1x125xi32, #tpu.memory_space<vmem>>
      %dma_wait3A_119 = tpu.memref_squeeze %dma_wait3A_118 : memref<1x125xi32, #tpu.memory_space<vmem>> -> memref<125xi32, #tpu.memory_space<vmem>>
      %dma_wait3A_120 = arith.constant 0 : i32
      %dma_wait3A_121 = arith.constant 0 : i32
      %dma_wait3A_122 = tpu.memref_slice %arg2[%dma_wait3A_120, %dma_wait3A_121] : memref<10000x40xf32, #tpu.memory_space<hbm>> -> memref<10000x40xf32, #tpu.memory_space<hbm>>
      tpu.wait_indirect_dma semaphore(%arg20 : memref<!tpu.dma_semaphore, #tpu.memory_space<semaphore_mem>>) src(%dma_wait3A_122 : memref<10000x40xf32, #tpu.memory_space<hbm>>) dst(%arg11 : memref<125x40xf32, #tpu.memory_space<vmem>>)
      %add3A_123 = arith.constant 2 : i32
      %add3A_124 = arith.addi %mul3A_83, %add3A_123 : i32
      %dma_start3A_125 = arith.constant 0 : i32
      %dma_start3A_126 = tpu.memref_slice %arg8[%add3A_124, %dma_start3A_125] : memref<80x125xi32, #tpu.memory_space<vmem>> -> memref<1x125xi32, #tpu.memory_space<vmem>>
      %dma_start3A_127 = tpu.memref_squeeze %dma_start3A_126 : memref<1x125xi32, #tpu.memory_space<vmem>> -> memref<125xi32, #tpu.memory_space<vmem>>
      %dma_start3A_128 = arith.constant 0 : i32
      %dma_start3A_129 = arith.constant 0 : i32
      %dma_start3A_130 = tpu.memref_slice %arg17[%dma_start3A_128, %dma_start3A_129] : memref<10000x40xf32, #tpu.memory_space<vmem_shared>> -> memref<10000x40xf32, #tpu.memory_space<vmem_shared>>
      tpu.enqueue_indirect_dma source(%arg11 : memref<125x40xf32, #tpu.memory_space<vmem>>) target(%dma_start3A_130 : memref<10000x40xf32, #tpu.memory_space<vmem_shared>>) offsets(%dma_start3A_127 : memref<125xi32, #tpu.memory_space<vmem>>) semaphore(%arg28 : memref<!tpu.dma_semaphore, #tpu.memory_space<semaphore_mem>>) {add = true}
      %add3A_131 = arith.constant 3 : i32
      %add3A_132 = arith.addi %mul3A_83, %add3A_131 : i32
      %dma_wait3A_133 = arith.constant 0 : i32
      %dma_wait3A_134 = tpu.memref_slice %arg7[%add3A_132, %dma_wait3A_133] : memref<80x125xi32, #tpu.memory_space<vmem>> -> memref<1x125xi32, #tpu.memory_space<vmem>>
      %dma_wait3A_135 = tpu.memref_squeeze %dma_wait3A_134 : memref<1x125xi32, #tpu.memory_space<vmem>> -> memref<125xi32, #tpu.memory_space<vmem>>
      %dma_wait3A_136 = arith.constant 0 : i32
      %dma_wait3A_137 = arith.constant 0 : i32
      %dma_wait3A_138 = tpu.memref_slice %arg2[%dma_wait3A_136, %dma_wait3A_137] : memref<10000x40xf32, #tpu.memory_space<hbm>> -> memref<10000x40xf32, #tpu.memory_space<hbm>>
      tpu.wait_indirect_dma semaphore(%arg21 : memref<!tpu.dma_semaphore, #tpu.memory_space<semaphore_mem>>) src(%dma_wait3A_138 : memref<10000x40xf32, #tpu.memory_space<hbm>>) dst(%arg12 : memref<125x40xf32, #tpu.memory_space<vmem>>)
      %add3A_139 = arith.constant 3 : i32
      %add3A_140 = arith.addi %mul3A_83, %add3A_139 : i32
      %dma_start3A_141 = arith.constant 0 : i32
      %dma_start3A_142 = tpu.memref_slice %arg8[%add3A_140, %dma_start3A_141] : memref<80x125xi32, #tpu.memory_space<vmem>> -> memref<1x125xi32, #tpu.memory_space<vmem>>
      %dma_start3A_143 = tpu.memref_squeeze %dma_start3A_142 : memref<1x125xi32, #tpu.memory_space<vmem>> -> memref<125xi32, #tpu.memory_space<vmem>>
      %dma_start3A_144 = arith.constant 0 : i32
      %dma_start3A_145 = arith.constant 0 : i32
      %dma_start3A_146 = tpu.memref_slice %arg17[%dma_start3A_144, %dma_start3A_145] : memref<10000x40xf32, #tpu.memory_space<vmem_shared>> -> memref<10000x40xf32, #tpu.memory_space<vmem_shared>>
      tpu.enqueue_indirect_dma source(%arg12 : memref<125x40xf32, #tpu.memory_space<vmem>>) target(%dma_start3A_146 : memref<10000x40xf32, #tpu.memory_space<vmem_shared>>) offsets(%dma_start3A_143 : memref<125xi32, #tpu.memory_space<vmem>>) semaphore(%arg29 : memref<!tpu.dma_semaphore, #tpu.memory_space<semaphore_mem>>) {add = true}
      %add3A_147 = arith.constant 4 : i32
      %add3A_148 = arith.addi %mul3A_83, %add3A_147 : i32
      %dma_wait3A_149 = arith.constant 0 : i32
      %dma_wait3A_150 = tpu.memref_slice %arg7[%add3A_148, %dma_wait3A_149] : memref<80x125xi32, #tpu.memory_space<vmem>> -> memref<1x125xi32, #tpu.memory_space<vmem>>
      %dma_wait3A_151 = tpu.memref_squeeze %dma_wait3A_150 : memref<1x125xi32, #tpu.memory_space<vmem>> -> memref<125xi32, #tpu.memory_space<vmem>>
      %dma_wait3A_152 = arith.constant 0 : i32
      %dma_wait3A_153 = arith.constant 0 : i32
      %dma_wait3A_154 = tpu.memref_slice %arg2[%dma_wait3A_152, %dma_wait3A_153] : memref<10000x40xf32, #tpu.memory_space<hbm>> -> memref<10000x40xf32, #tpu.memory_space<hbm>>
      tpu.wait_indirect_dma semaphore(%arg22 : memref<!tpu.dma_semaphore, #tpu.memory_space<semaphore_mem>>) src(%dma_wait3A_154 : memref<10000x40xf32, #tpu.memory_space<hbm>>) dst(%arg13 : memref<125x40xf32, #tpu.memory_space<vmem>>)
      %add3A_155 = arith.constant 4 : i32
      %add3A_156 = arith.addi %mul3A_83, %add3A_155 : i32
      %dma_start3A_157 = arith.constant 0 : i32
      %dma_start3A_158 = tpu.memref_slice %arg8[%add3A_156, %dma_start3A_157] : memref<80x125xi32, #tpu.memory_space<vmem>> -> memref<1x125xi32, #tpu.memory_space<vmem>>
      %dma_start3A_159 = tpu.memref_squeeze %dma_start3A_158 : memref<1x125xi32, #tpu.memory_space<vmem>> -> memref<125xi32, #tpu.memory_space<vmem>>
      %dma_start3A_160 = arith.constant 0 : i32
      %dma_start3A_161 = arith.constant 0 : i32
      %dma_start3A_162 = tpu.memref_slice %arg17[%dma_start3A_160, %dma_start3A_161] : memref<10000x40xf32, #tpu.memory_space<vmem_shared>> -> memref<10000x40xf32, #tpu.memory_space<vmem_shared>>
      tpu.enqueue_indirect_dma source(%arg13 : memref<125x40xf32, #tpu.memory_space<vmem>>) target(%dma_start3A_162 : memref<10000x40xf32, #tpu.memory_space<vmem_shared>>) offsets(%dma_start3A_159 : memref<125xi32, #tpu.memory_space<vmem>>) semaphore(%arg30 : memref<!tpu.dma_semaphore, #tpu.memory_space<semaphore_mem>>) {add = true}
      %add3A_163 = arith.constant 5 : i32
      %add3A_164 = arith.addi %mul3A_83, %add3A_163 : i32
      %dma_wait3A_165 = arith.constant 0 : i32
      %dma_wait3A_166 = tpu.memref_slice %arg7[%add3A_164, %dma_wait3A_165] : memref<80x125xi32, #tpu.memory_space<vmem>> -> memref<1x125xi32, #tpu.memory_space<vmem>>
      %dma_wait3A_167 = tpu.memref_squeeze %dma_wait3A_166 : memref<1x125xi32, #tpu.memory_space<vmem>> -> memref<125xi32, #tpu.memory_space<vmem>>
      %dma_wait3A_168 = arith.constant 0 : i32
      %dma_wait3A_169 = arith.constant 0 : i32
      %dma_wait3A_170 = tpu.memref_slice %arg2[%dma_wait3A_168, %dma_wait3A_169] : memref<10000x40xf32, #tpu.memory_space<hbm>> -> memref<10000x40xf32, #tpu.memory_space<hbm>>
      tpu.wait_indirect_dma semaphore(%arg23 : memref<!tpu.dma_semaphore, #tpu.memory_space<semaphore_mem>>) src(%dma_wait3A_170 : memref<10000x40xf32, #tpu.memory_space<hbm>>) dst(%arg14 : memref<125x40xf32, #tpu.memory_space<vmem>>)
      %add3A_171 = arith.constant 5 : i32
      %add3A_172 = arith.addi %mul3A_83, %add3A_171 : i32
      %dma_start3A_173 = arith.constant 0 : i32
      %dma_start3A_174 = tpu.memref_slice %arg8[%add3A_172, %dma_start3A_173] : memref<80x125xi32, #tpu.memory_space<vmem>> -> memref<1x125xi32, #tpu.memory_space<vmem>>
      %dma_start3A_175 = tpu.memref_squeeze %dma_start3A_174 : memref<1x125xi32, #tpu.memory_space<vmem>> -> memref<125xi32, #tpu.memory_space<vmem>>
      %dma_start3A_176 = arith.constant 0 : i32
      %dma_start3A_177 = arith.constant 0 : i32
      %dma_start3A_178 = tpu.memref_slice %arg17[%dma_start3A_176, %dma_start3A_177] : memref<10000x40xf32, #tpu.memory_space<vmem_shared>> -> memref<10000x40xf32, #tpu.memory_space<vmem_shared>>
      tpu.enqueue_indirect_dma source(%arg14 : memref<125x40xf32, #tpu.memory_space<vmem>>) target(%dma_start3A_178 : memref<10000x40xf32, #tpu.memory_space<vmem_shared>>) offsets(%dma_start3A_175 : memref<125xi32, #tpu.memory_space<vmem>>) semaphore(%arg31 : memref<!tpu.dma_semaphore, #tpu.memory_space<semaphore_mem>>) {add = true}
      %add3A_179 = arith.constant 6 : i32
      %add3A_180 = arith.addi %mul3A_83, %add3A_179 : i32
      %dma_wait3A_181 = arith.constant 0 : i32
      %dma_wait3A_182 = tpu.memref_slice %arg7[%add3A_180, %dma_wait3A_181] : memref<80x125xi32, #tpu.memory_space<vmem>> -> memref<1x125xi32, #tpu.memory_space<vmem>>
      %dma_wait3A_183 = tpu.memref_squeeze %dma_wait3A_182 : memref<1x125xi32, #tpu.memory_space<vmem>> -> memref<125xi32, #tpu.memory_space<vmem>>
      %dma_wait3A_184 = arith.constant 0 : i32
      %dma_wait3A_185 = arith.constant 0 : i32
      %dma_wait3A_186 = tpu.memref_slice %arg2[%dma_wait3A_184, %dma_wait3A_185] : memref<10000x40xf32, #tpu.memory_space<hbm>> -> memref<10000x40xf32, #tpu.memory_space<hbm>>
      tpu.wait_indirect_dma semaphore(%arg24 : memref<!tpu.dma_semaphore, #tpu.memory_space<semaphore_mem>>) src(%dma_wait3A_186 : memref<10000x40xf32, #tpu.memory_space<hbm>>) dst(%arg15 : memref<125x40xf32, #tpu.memory_space<vmem>>)
      %add3A_187 = arith.constant 6 : i32
      %add3A_188 = arith.addi %mul3A_83, %add3A_187 : i32
      %dma_start3A_189 = arith.constant 0 : i32
      %dma_start3A_190 = tpu.memref_slice %arg8[%add3A_188, %dma_start3A_189] : memref<80x125xi32, #tpu.memory_space<vmem>> -> memref<1x125xi32, #tpu.memory_space<vmem>>
      %dma_start3A_191 = tpu.memref_squeeze %dma_start3A_190 : memref<1x125xi32, #tpu.memory_space<vmem>> -> memref<125xi32, #tpu.memory_space<vmem>>
      %dma_start3A_192 = arith.constant 0 : i32
      %dma_start3A_193 = arith.constant 0 : i32
      %dma_start3A_194 = tpu.memref_slice %arg17[%dma_start3A_192, %dma_start3A_193] : memref<10000x40xf32, #tpu.memory_space<vmem_shared>> -> memref<10000x40xf32, #tpu.memory_space<vmem_shared>>
      tpu.enqueue_indirect_dma source(%arg15 : memref<125x40xf32, #tpu.memory_space<vmem>>) target(%dma_start3A_194 : memref<10000x40xf32, #tpu.memory_space<vmem_shared>>) offsets(%dma_start3A_191 : memref<125xi32, #tpu.memory_space<vmem>>) semaphore(%arg32 : memref<!tpu.dma_semaphore, #tpu.memory_space<semaphore_mem>>) {add = true}
      %add3A_195 = arith.constant 7 : i32
      %add3A_196 = arith.addi %mul3A_83, %add3A_195 : i32
      %dma_wait3A_197 = arith.constant 0 : i32
      %dma_wait3A_198 = tpu.memref_slice %arg7[%add3A_196, %dma_wait3A_197] : memref<80x125xi32, #tpu.memory_space<vmem>> -> memref<1x125xi32, #tpu.memory_space<vmem>>
      %dma_wait3A_199 = tpu.memref_squeeze %dma_wait3A_198 : memref<1x125xi32, #tpu.memory_space<vmem>> -> memref<125xi32, #tpu.memory_space<vmem>>
      %dma_wait3A_200 = arith.constant 0 : i32
      %dma_wait3A_201 = arith.constant 0 : i32
      %dma_wait3A_202 = tpu.memref_slice %arg2[%dma_wait3A_200, %dma_wait3A_201] : memref<10000x40xf32, #tpu.memory_space<hbm>> -> memref<10000x40xf32, #tpu.memory_space<hbm>>
      tpu.wait_indirect_dma semaphore(%arg25 : memref<!tpu.dma_semaphore, #tpu.memory_space<semaphore_mem>>) src(%dma_wait3A_202 : memref<10000x40xf32, #tpu.memory_space<hbm>>) dst(%arg16 : memref<125x40xf32, #tpu.memory_space<vmem>>)
      %add3A_203 = arith.constant 7 : i32
      %add3A_204 = arith.addi %mul3A_83, %add3A_203 : i32
      %dma_start3A_205 = arith.constant 0 : i32
      %dma_start3A_206 = tpu.memref_slice %arg8[%add3A_204, %dma_start3A_205] : memref<80x125xi32, #tpu.memory_space<vmem>> -> memref<1x125xi32, #tpu.memory_space<vmem>>
      %dma_start3A_207 = tpu.memref_squeeze %dma_start3A_206 : memref<1x125xi32, #tpu.memory_space<vmem>> -> memref<125xi32, #tpu.memory_space<vmem>>
      %dma_start3A_208 = arith.constant 0 : i32
      %dma_start3A_209 = arith.constant 0 : i32
      %dma_start3A_210 = tpu.memref_slice %arg17[%dma_start3A_208, %dma_start3A_209] : memref<10000x40xf32, #tpu.memory_space<vmem_shared>> -> memref<10000x40xf32, #tpu.memory_space<vmem_shared>>
      tpu.enqueue_indirect_dma source(%arg16 : memref<125x40xf32, #tpu.memory_space<vmem>>) target(%dma_start3A_210 : memref<10000x40xf32, #tpu.memory_space<vmem_shared>>) offsets(%dma_start3A_207 : memref<125xi32, #tpu.memory_space<vmem>>) semaphore(%arg33 : memref<!tpu.dma_semaphore, #tpu.memory_space<semaphore_mem>>) {add = true}
      %add3A_211 = arith.constant 0 : i32
      %add3A_212 = arith.addi %mul3A_83, %add3A_211 : i32
      %dma_wait3A_213 = arith.constant 0 : i32
      %dma_wait3A_214 = tpu.memref_slice %arg8[%add3A_212, %dma_wait3A_213] : memref<80x125xi32, #tpu.memory_space<vmem>> -> memref<1x125xi32, #tpu.memory_space<vmem>>
      %dma_wait3A_215 = tpu.memref_squeeze %dma_wait3A_214 : memref<1x125xi32, #tpu.memory_space<vmem>> -> memref<125xi32, #tpu.memory_space<vmem>>
      %dma_wait3A_216 = arith.constant 0 : i32
      %dma_wait3A_217 = arith.constant 0 : i32
      %dma_wait3A_218 = tpu.memref_slice %arg17[%dma_wait3A_216, %dma_wait3A_217] : memref<10000x40xf32, #tpu.memory_space<vmem_shared>> -> memref<10000x40xf32, #tpu.memory_space<vmem_shared>>
      tpu.wait_indirect_dma semaphore(%arg26 : memref<!tpu.dma_semaphore, #tpu.memory_space<semaphore_mem>>) src(%arg9 : memref<125x40xf32, #tpu.memory_space<vmem>>) dst(%dma_wait3A_218 : memref<10000x40xf32, #tpu.memory_space<vmem_shared>>)
      %lt3A_219 = arith.constant 9 : i32
      %lt3A_220 = arith.cmpi slt, %scan3A_81, %lt3A_219 : i32
      %convert_element_type3A_221 = arith.extui %lt3A_220 : i1 to i32
      %cond3A_222 = arith.constant 0 : i32
      %cond3A_223 = arith.cmpi ne, %convert_element_type3A_221, %cond3A_222 : i32
      scf.if %cond3A_223 {
        %add3A_315 = arith.constant 8 : i32
        %add3A_316 = arith.addi %mul3A_83, %add3A_315 : i32
        %add3A_317 = arith.constant 0 : i32
        %add3A_318 = arith.addi %add3A_316, %add3A_317 : i32
        %dma_start3A_319 = arith.constant 0 : i32
        %dma_start3A_320 = tpu.memref_slice %arg7[%add3A_318, %dma_start3A_319] : memref<80x125xi32, #tpu.memory_space<vmem>> -> memref<1x125xi32, #tpu.memory_space<vmem>>
        %dma_start3A_321 = tpu.memref_squeeze %dma_start3A_320 : memref<1x125xi32, #tpu.memory_space<vmem>> -> memref<125xi32, #tpu.memory_space<vmem>>
        %dma_start3A_322 = arith.constant 0 : i32
        %dma_start3A_323 = arith.constant 0 : i32
        %dma_start3A_324 = tpu.memref_slice %arg2[%dma_start3A_322, %dma_start3A_323] : memref<10000x40xf32, #tpu.memory_space<hbm>> -> memref<10000x40xf32, #tpu.memory_space<hbm>>
        tpu.enqueue_indirect_dma source(%dma_start3A_324 : memref<10000x40xf32, #tpu.memory_space<hbm>>) target(%arg9 : memref<125x40xf32, #tpu.memory_space<vmem>>) offsets(%dma_start3A_321 : memref<125xi32, #tpu.memory_space<vmem>>) semaphore(%arg18 : memref<!tpu.dma_semaphore, #tpu.memory_space<semaphore_mem>>)
      } else {
      }
      %add3A_224 = arith.constant 1 : i32
      %add3A_225 = arith.addi %mul3A_83, %add3A_224 : i32
      %dma_wait3A_226 = arith.constant 0 : i32
      %dma_wait3A_227 = tpu.memref_slice %arg8[%add3A_225, %dma_wait3A_226] : memref<80x125xi32, #tpu.memory_space<vmem>> -> memref<1x125xi32, #tpu.memory_space<vmem>>
      %dma_wait3A_228 = tpu.memref_squeeze %dma_wait3A_227 : memref<1x125xi32, #tpu.memory_space<vmem>> -> memref<125xi32, #tpu.memory_space<vmem>>
      %dma_wait3A_229 = arith.constant 0 : i32
      %dma_wait3A_230 = arith.constant 0 : i32
      %dma_wait3A_231 = tpu.memref_slice %arg17[%dma_wait3A_229, %dma_wait3A_230] : memref<10000x40xf32, #tpu.memory_space<vmem_shared>> -> memref<10000x40xf32, #tpu.memory_space<vmem_shared>>
      tpu.wait_indirect_dma semaphore(%arg27 : memref<!tpu.dma_semaphore, #tpu.memory_space<semaphore_mem>>) src(%arg10 : memref<125x40xf32, #tpu.memory_space<vmem>>) dst(%dma_wait3A_231 : memref<10000x40xf32, #tpu.memory_space<vmem_shared>>)
      %lt3A_232 = arith.constant 9 : i32
      %lt3A_233 = arith.cmpi slt, %scan3A_81, %lt3A_232 : i32
      %convert_element_type3A_234 = arith.extui %lt3A_233 : i1 to i32
      %cond3A_235 = arith.constant 0 : i32
      %cond3A_236 = arith.cmpi ne, %convert_element_type3A_234, %cond3A_235 : i32
      scf.if %cond3A_236 {
        %add3A_315 = arith.constant 8 : i32
        %add3A_316 = arith.addi %mul3A_83, %add3A_315 : i32
        %add3A_317 = arith.constant 1 : i32
        %add3A_318 = arith.addi %add3A_316, %add3A_317 : i32
        %dma_start3A_319 = arith.constant 0 : i32
        %dma_start3A_320 = tpu.memref_slice %arg7[%add3A_318, %dma_start3A_319] : memref<80x125xi32, #tpu.memory_space<vmem>> -> memref<1x125xi32, #tpu.memory_space<vmem>>
        %dma_start3A_321 = tpu.memref_squeeze %dma_start3A_320 : memref<1x125xi32, #tpu.memory_space<vmem>> -> memref<125xi32, #tpu.memory_space<vmem>>
        %dma_start3A_322 = arith.constant 0 : i32
        %dma_start3A_323 = arith.constant 0 : i32
        %dma_start3A_324 = tpu.memref_slice %arg2[%dma_start3A_322, %dma_start3A_323] : memref<10000x40xf32, #tpu.memory_space<hbm>> -> memref<10000x40xf32, #tpu.memory_space<hbm>>
        tpu.enqueue_indirect_dma source(%dma_start3A_324 : memref<10000x40xf32, #tpu.memory_space<hbm>>) target(%arg10 : memref<125x40xf32, #tpu.memory_space<vmem>>) offsets(%dma_start3A_321 : memref<125xi32, #tpu.memory_space<vmem>>) semaphore(%arg19 : memref<!tpu.dma_semaphore, #tpu.memory_space<semaphore_mem>>)
      } else {
      }
      %add3A_237 = arith.constant 2 : i32
      %add3A_238 = arith.addi %mul3A_83, %add3A_237 : i32
      %dma_wait3A_239 = arith.constant 0 : i32
      %dma_wait3A_240 = tpu.memref_slice %arg8[%add3A_238, %dma_wait3A_239] : memref<80x125xi32, #tpu.memory_space<vmem>> -> memref<1x125xi32, #tpu.memory_space<vmem>>
      %dma_wait3A_241 = tpu.memref_squeeze %dma_wait3A_240 : memref<1x125xi32, #tpu.memory_space<vmem>> -> memref<125xi32, #tpu.memory_space<vmem>>
      %dma_wait3A_242 = arith.constant 0 : i32
      %dma_wait3A_243 = arith.constant 0 : i32
      %dma_wait3A_244 = tpu.memref_slice %arg17[%dma_wait3A_242, %dma_wait3A_243] : memref<10000x40xf32, #tpu.memory_space<vmem_shared>> -> memref<10000x40xf32, #tpu.memory_space<vmem_shared>>
      tpu.wait_indirect_dma semaphore(%arg28 : memref<!tpu.dma_semaphore, #tpu.memory_space<semaphore_mem>>) src(%arg11 : memref<125x40xf32, #tpu.memory_space<vmem>>) dst(%dma_wait3A_244 : memref<10000x40xf32, #tpu.memory_space<vmem_shared>>)
      %lt3A_245 = arith.constant 9 : i32
      %lt3A_246 = arith.cmpi slt, %scan3A_81, %lt3A_245 : i32
      %convert_element_type3A_247 = arith.extui %lt3A_246 : i1 to i32
      %cond3A_248 = arith.constant 0 : i32
      %cond3A_249 = arith.cmpi ne, %convert_element_type3A_247, %cond3A_248 : i32
      scf.if %cond3A_249 {
        %add3A_315 = arith.constant 8 : i32
        %add3A_316 = arith.addi %mul3A_83, %add3A_315 : i32
        %add3A_317 = arith.constant 2 : i32
        %add3A_318 = arith.addi %add3A_316, %add3A_317 : i32
        %dma_start3A_319 = arith.constant 0 : i32
        %dma_start3A_320 = tpu.memref_slice %arg7[%add3A_318, %dma_start3A_319] : memref<80x125xi32, #tpu.memory_space<vmem>> -> memref<1x125xi32, #tpu.memory_space<vmem>>
        %dma_start3A_321 = tpu.memref_squeeze %dma_start3A_320 : memref<1x125xi32, #tpu.memory_space<vmem>> -> memref<125xi32, #tpu.memory_space<vmem>>
        %dma_start3A_322 = arith.constant 0 : i32
        %dma_start3A_323 = arith.constant 0 : i32
        %dma_start3A_324 = tpu.memref_slice %arg2[%dma_start3A_322, %dma_start3A_323] : memref<10000x40xf32, #tpu.memory_space<hbm>> -> memref<10000x40xf32, #tpu.memory_space<hbm>>
        tpu.enqueue_indirect_dma source(%dma_start3A_324 : memref<10000x40xf32, #tpu.memory_space<hbm>>) target(%arg11 : memref<125x40xf32, #tpu.memory_space<vmem>>) offsets(%dma_start3A_321 : memref<125xi32, #tpu.memory_space<vmem>>) semaphore(%arg20 : memref<!tpu.dma_semaphore, #tpu.memory_space<semaphore_mem>>)
      } else {
      }
      %add3A_250 = arith.constant 3 : i32
      %add3A_251 = arith.addi %mul3A_83, %add3A_250 : i32
      %dma_wait3A_252 = arith.constant 0 : i32
      %dma_wait3A_253 = tpu.memref_slice %arg8[%add3A_251, %dma_wait3A_252] : memref<80x125xi32, #tpu.memory_space<vmem>> -> memref<1x125xi32, #tpu.memory_space<vmem>>
      %dma_wait3A_254 = tpu.memref_squeeze %dma_wait3A_253 : memref<1x125xi32, #tpu.memory_space<vmem>> -> memref<125xi32, #tpu.memory_space<vmem>>
      %dma_wait3A_255 = arith.constant 0 : i32
      %dma_wait3A_256 = arith.constant 0 : i32
      %dma_wait3A_257 = tpu.memref_slice %arg17[%dma_wait3A_255, %dma_wait3A_256] : memref<10000x40xf32, #tpu.memory_space<vmem_shared>> -> memref<10000x40xf32, #tpu.memory_space<vmem_shared>>
      tpu.wait_indirect_dma semaphore(%arg29 : memref<!tpu.dma_semaphore, #tpu.memory_space<semaphore_mem>>) src(%arg12 : memref<125x40xf32, #tpu.memory_space<vmem>>) dst(%dma_wait3A_257 : memref<10000x40xf32, #tpu.memory_space<vmem_shared>>)
      %lt3A_258 = arith.constant 9 : i32
      %lt3A_259 = arith.cmpi slt, %scan3A_81, %lt3A_258 : i32
      %convert_element_type3A_260 = arith.extui %lt3A_259 : i1 to i32
      %cond3A_261 = arith.constant 0 : i32
      %cond3A_262 = arith.cmpi ne, %convert_element_type3A_260, %cond3A_261 : i32
      scf.if %cond3A_262 {
        %add3A_315 = arith.constant 8 : i32
        %add3A_316 = arith.addi %mul3A_83, %add3A_315 : i32
        %add3A_317 = arith.constant 3 : i32
        %add3A_318 = arith.addi %add3A_316, %add3A_317 : i32
        %dma_start3A_319 = arith.constant 0 : i32
        %dma_start3A_320 = tpu.memref_slice %arg7[%add3A_318, %dma_start3A_319] : memref<80x125xi32, #tpu.memory_space<vmem>> -> memref<1x125xi32, #tpu.memory_space<vmem>>
        %dma_start3A_321 = tpu.memref_squeeze %dma_start3A_320 : memref<1x125xi32, #tpu.memory_space<vmem>> -> memref<125xi32, #tpu.memory_space<vmem>>
        %dma_start3A_322 = arith.constant 0 : i32
        %dma_start3A_323 = arith.constant 0 : i32
        %dma_start3A_324 = tpu.memref_slice %arg2[%dma_start3A_322, %dma_start3A_323] : memref<10000x40xf32, #tpu.memory_space<hbm>> -> memref<10000x40xf32, #tpu.memory_space<hbm>>
        tpu.enqueue_indirect_dma source(%dma_start3A_324 : memref<10000x40xf32, #tpu.memory_space<hbm>>) target(%arg12 : memref<125x40xf32, #tpu.memory_space<vmem>>) offsets(%dma_start3A_321 : memref<125xi32, #tpu.memory_space<vmem>>) semaphore(%arg21 : memref<!tpu.dma_semaphore, #tpu.memory_space<semaphore_mem>>)
      } else {
      }
      %add3A_263 = arith.constant 4 : i32
      %add3A_264 = arith.addi %mul3A_83, %add3A_263 : i32
      %dma_wait3A_265 = arith.constant 0 : i32
      %dma_wait3A_266 = tpu.memref_slice %arg8[%add3A_264, %dma_wait3A_265] : memref<80x125xi32, #tpu.memory_space<vmem>> -> memref<1x125xi32, #tpu.memory_space<vmem>>
      %dma_wait3A_267 = tpu.memref_squeeze %dma_wait3A_266 : memref<1x125xi32, #tpu.memory_space<vmem>> -> memref<125xi32, #tpu.memory_space<vmem>>
      %dma_wait3A_268 = arith.constant 0 : i32
      %dma_wait3A_269 = arith.constant 0 : i32
      %dma_wait3A_270 = tpu.memref_slice %arg17[%dma_wait3A_268, %dma_wait3A_269] : memref<10000x40xf32, #tpu.memory_space<vmem_shared>> -> memref<10000x40xf32, #tpu.memory_space<vmem_shared>>
      tpu.wait_indirect_dma semaphore(%arg30 : memref<!tpu.dma_semaphore, #tpu.memory_space<semaphore_mem>>) src(%arg13 : memref<125x40xf32, #tpu.memory_space<vmem>>) dst(%dma_wait3A_270 : memref<10000x40xf32, #tpu.memory_space<vmem_shared>>)
      %lt3A_271 = arith.constant 9 : i32
      %lt3A_272 = arith.cmpi slt, %scan3A_81, %lt3A_271 : i32
      %convert_element_type3A_273 = arith.extui %lt3A_272 : i1 to i32
      %cond3A_274 = arith.constant 0 : i32
      %cond3A_275 = arith.cmpi ne, %convert_element_type3A_273, %cond3A_274 : i32
      scf.if %cond3A_275 {
        %add3A_315 = arith.constant 8 : i32
        %add3A_316 = arith.addi %mul3A_83, %add3A_315 : i32
        %add3A_317 = arith.constant 4 : i32
        %add3A_318 = arith.addi %add3A_316, %add3A_317 : i32
        %dma_start3A_319 = arith.constant 0 : i32
        %dma_start3A_320 = tpu.memref_slice %arg7[%add3A_318, %dma_start3A_319] : memref<80x125xi32, #tpu.memory_space<vmem>> -> memref<1x125xi32, #tpu.memory_space<vmem>>
        %dma_start3A_321 = tpu.memref_squeeze %dma_start3A_320 : memref<1x125xi32, #tpu.memory_space<vmem>> -> memref<125xi32, #tpu.memory_space<vmem>>
        %dma_start3A_322 = arith.constant 0 : i32
        %dma_start3A_323 = arith.constant 0 : i32
        %dma_start3A_324 = tpu.memref_slice %arg2[%dma_start3A_322, %dma_start3A_323] : memref<10000x40xf32, #tpu.memory_space<hbm>> -> memref<10000x40xf32, #tpu.memory_space<hbm>>
        tpu.enqueue_indirect_dma source(%dma_start3A_324 : memref<10000x40xf32, #tpu.memory_space<hbm>>) target(%arg13 : memref<125x40xf32, #tpu.memory_space<vmem>>) offsets(%dma_start3A_321 : memref<125xi32, #tpu.memory_space<vmem>>) semaphore(%arg22 : memref<!tpu.dma_semaphore, #tpu.memory_space<semaphore_mem>>)
      } else {
      }
      %add3A_276 = arith.constant 5 : i32
      %add3A_277 = arith.addi %mul3A_83, %add3A_276 : i32
      %dma_wait3A_278 = arith.constant 0 : i32
      %dma_wait3A_279 = tpu.memref_slice %arg8[%add3A_277, %dma_wait3A_278] : memref<80x125xi32, #tpu.memory_space<vmem>> -> memref<1x125xi32, #tpu.memory_space<vmem>>
      %dma_wait3A_280 = tpu.memref_squeeze %dma_wait3A_279 : memref<1x125xi32, #tpu.memory_space<vmem>> -> memref<125xi32, #tpu.memory_space<vmem>>
      %dma_wait3A_281 = arith.constant 0 : i32
      %dma_wait3A_282 = arith.constant 0 : i32
      %dma_wait3A_283 = tpu.memref_slice %arg17[%dma_wait3A_281, %dma_wait3A_282] : memref<10000x40xf32, #tpu.memory_space<vmem_shared>> -> memref<10000x40xf32, #tpu.memory_space<vmem_shared>>
      tpu.wait_indirect_dma semaphore(%arg31 : memref<!tpu.dma_semaphore, #tpu.memory_space<semaphore_mem>>) src(%arg14 : memref<125x40xf32, #tpu.memory_space<vmem>>) dst(%dma_wait3A_283 : memref<10000x40xf32, #tpu.memory_space<vmem_shared>>)
      %lt3A_284 = arith.constant 9 : i32
      %lt3A_285 = arith.cmpi slt, %scan3A_81, %lt3A_284 : i32
      %convert_element_type3A_286 = arith.extui %lt3A_285 : i1 to i32
      %cond3A_287 = arith.constant 0 : i32
      %cond3A_288 = arith.cmpi ne, %convert_element_type3A_286, %cond3A_287 : i32
      scf.if %cond3A_288 {
        %add3A_315 = arith.constant 8 : i32
        %add3A_316 = arith.addi %mul3A_83, %add3A_315 : i32
        %add3A_317 = arith.constant 5 : i32
        %add3A_318 = arith.addi %add3A_316, %add3A_317 : i32
        %dma_start3A_319 = arith.constant 0 : i32
        %dma_start3A_320 = tpu.memref_slice %arg7[%add3A_318, %dma_start3A_319] : memref<80x125xi32, #tpu.memory_space<vmem>> -> memref<1x125xi32, #tpu.memory_space<vmem>>
        %dma_start3A_321 = tpu.memref_squeeze %dma_start3A_320 : memref<1x125xi32, #tpu.memory_space<vmem>> -> memref<125xi32, #tpu.memory_space<vmem>>
        %dma_start3A_322 = arith.constant 0 : i32
        %dma_start3A_323 = arith.constant 0 : i32
        %dma_start3A_324 = tpu.memref_slice %arg2[%dma_start3A_322, %dma_start3A_323] : memref<10000x40xf32, #tpu.memory_space<hbm>> -> memref<10000x40xf32, #tpu.memory_space<hbm>>
        tpu.enqueue_indirect_dma source(%dma_start3A_324 : memref<10000x40xf32, #tpu.memory_space<hbm>>) target(%arg14 : memref<125x40xf32, #tpu.memory_space<vmem>>) offsets(%dma_start3A_321 : memref<125xi32, #tpu.memory_space<vmem>>) semaphore(%arg23 : memref<!tpu.dma_semaphore, #tpu.memory_space<semaphore_mem>>)
      } else {
      }
      %add3A_289 = arith.constant 6 : i32
      %add3A_290 = arith.addi %mul3A_83, %add3A_289 : i32
      %dma_wait3A_291 = arith.constant 0 : i32
      %dma_wait3A_292 = tpu.memref_slice %arg8[%add3A_290, %dma_wait3A_291] : memref<80x125xi32, #tpu.memory_space<vmem>> -> memref<1x125xi32, #tpu.memory_space<vmem>>
      %dma_wait3A_293 = tpu.memref_squeeze %dma_wait3A_292 : memref<1x125xi32, #tpu.memory_space<vmem>> -> memref<125xi32, #tpu.memory_space<vmem>>
      %dma_wait3A_294 = arith.constant 0 : i32
      %dma_wait3A_295 = arith.constant 0 : i32
      %dma_wait3A_296 = tpu.memref_slice %arg17[%dma_wait3A_294, %dma_wait3A_295] : memref<10000x40xf32, #tpu.memory_space<vmem_shared>> -> memref<10000x40xf32, #tpu.memory_space<vmem_shared>>
      tpu.wait_indirect_dma semaphore(%arg32 : memref<!tpu.dma_semaphore, #tpu.memory_space<semaphore_mem>>) src(%arg15 : memref<125x40xf32, #tpu.memory_space<vmem>>) dst(%dma_wait3A_296 : memref<10000x40xf32, #tpu.memory_space<vmem_shared>>)
      %lt3A_297 = arith.constant 9 : i32
      %lt3A_298 = arith.cmpi slt, %scan3A_81, %lt3A_297 : i32
      %convert_element_type3A_299 = arith.extui %lt3A_298 : i1 to i32
      %cond3A_300 = arith.constant 0 : i32
      %cond3A_301 = arith.cmpi ne, %convert_element_type3A_299, %cond3A_300 : i32
      scf.if %cond3A_301 {
        %add3A_315 = arith.constant 8 : i32
        %add3A_316 = arith.addi %mul3A_83, %add3A_315 : i32
        %add3A_317 = arith.constant 6 : i32
        %add3A_318 = arith.addi %add3A_316, %add3A_317 : i32
        %dma_start3A_319 = arith.constant 0 : i32
        %dma_start3A_320 = tpu.memref_slice %arg7[%add3A_318, %dma_start3A_319] : memref<80x125xi32, #tpu.memory_space<vmem>> -> memref<1x125xi32, #tpu.memory_space<vmem>>
        %dma_start3A_321 = tpu.memref_squeeze %dma_start3A_320 : memref<1x125xi32, #tpu.memory_space<vmem>> -> memref<125xi32, #tpu.memory_space<vmem>>
        %dma_start3A_322 = arith.constant 0 : i32
        %dma_start3A_323 = arith.constant 0 : i32
        %dma_start3A_324 = tpu.memref_slice %arg2[%dma_start3A_322, %dma_start3A_323] : memref<10000x40xf32, #tpu.memory_space<hbm>> -> memref<10000x40xf32, #tpu.memory_space<hbm>>
        tpu.enqueue_indirect_dma source(%dma_start3A_324 : memref<10000x40xf32, #tpu.memory_space<hbm>>) target(%arg15 : memref<125x40xf32, #tpu.memory_space<vmem>>) offsets(%dma_start3A_321 : memref<125xi32, #tpu.memory_space<vmem>>) semaphore(%arg24 : memref<!tpu.dma_semaphore, #tpu.memory_space<semaphore_mem>>)
      } else {
      }
      %add3A_302 = arith.constant 7 : i32
      %add3A_303 = arith.addi %mul3A_83, %add3A_302 : i32
      %dma_wait3A_304 = arith.constant 0 : i32
      %dma_wait3A_305 = tpu.memref_slice %arg8[%add3A_303, %dma_wait3A_304] : memref<80x125xi32, #tpu.memory_space<vmem>> -> memref<1x125xi32, #tpu.memory_space<vmem>>
      %dma_wait3A_306 = tpu.memref_squeeze %dma_wait3A_305 : memref<1x125xi32, #tpu.memory_space<vmem>> -> memref<125xi32, #tpu.memory_space<vmem>>
      %dma_wait3A_307 = arith.constant 0 : i32
      %dma_wait3A_308 = arith.constant 0 : i32
      %dma_wait3A_309 = tpu.memref_slice %arg17[%dma_wait3A_307, %dma_wait3A_308] : memref<10000x40xf32, #tpu.memory_space<vmem_shared>> -> memref<10000x40xf32, #tpu.memory_space<vmem_shared>>
      tpu.wait_indirect_dma semaphore(%arg33 : memref<!tpu.dma_semaphore, #tpu.memory_space<semaphore_mem>>) src(%arg16 : memref<125x40xf32, #tpu.memory_space<vmem>>) dst(%dma_wait3A_309 : memref<10000x40xf32, #tpu.memory_space<vmem_shared>>)
      %lt3A_310 = arith.constant 9 : i32
      %lt3A_311 = arith.cmpi slt, %scan3A_81, %lt3A_310 : i32
      %convert_element_type3A_312 = arith.extui %lt3A_311 : i1 to i32
      %cond3A_313 = arith.constant 0 : i32
      %cond3A_314 = arith.cmpi ne, %convert_element_type3A_312, %cond3A_313 : i32
      scf.if %cond3A_314 {
        %add3A_315 = arith.constant 8 : i32
        %add3A_316 = arith.addi %mul3A_83, %add3A_315 : i32
        %add3A_317 = arith.constant 7 : i32
        %add3A_318 = arith.addi %add3A_316, %add3A_317 : i32
        %dma_start3A_319 = arith.constant 0 : i32
        %dma_start3A_320 = tpu.memref_slice %arg7[%add3A_318, %dma_start3A_319] : memref<80x125xi32, #tpu.memory_space<vmem>> -> memref<1x125xi32, #tpu.memory_space<vmem>>
        %dma_start3A_321 = tpu.memref_squeeze %dma_start3A_320 : memref<1x125xi32, #tpu.memory_space<vmem>> -> memref<125xi32, #tpu.memory_space<vmem>>
        %dma_start3A_322 = arith.constant 0 : i32
        %dma_start3A_323 = arith.constant 0 : i32
        %dma_start3A_324 = tpu.memref_slice %arg2[%dma_start3A_322, %dma_start3A_323] : memref<10000x40xf32, #tpu.memory_space<hbm>> -> memref<10000x40xf32, #tpu.memory_space<hbm>>
        tpu.enqueue_indirect_dma source(%dma_start3A_324 : memref<10000x40xf32, #tpu.memory_space<hbm>>) target(%arg16 : memref<125x40xf32, #tpu.memory_space<vmem>>) offsets(%dma_start3A_321 : memref<125xi32, #tpu.memory_space<vmem>>) semaphore(%arg25 : memref<!tpu.dma_semaphore, #tpu.memory_space<semaphore_mem>>)
      } else {
      }
    }
    %scan3A_69 = arith.constant 10 : i32
    %barrier3A_70 = arith.constant 0 : index
    tpu.barrier barrier_id(%barrier3A_70)
    %lt3A_71 = arith.constant 15 : i32
    %lt3A_72 = arith.cmpi slt, %arg1, %lt3A_71 : i32
    %convert_element_type3A_73 = arith.extui %lt3A_72 : i1 to i32
    %cond3A_74 = arith.constant 0 : i32
    %cond3A_75 = arith.cmpi ne, %convert_element_type3A_73, %cond3A_74 : i32
    scf.if %cond3A_75 {
      %mul3A_81 = arith.constant 640 : i32
      %mul3A_82 = arith.muli %arg1, %mul3A_81 : i32
      %multiple_of3A = tpu.assume_multiple %mul3A_82, 8 : i32
      "tpu.region"() ({
        %run_scoped3A = tpu.sem_alloc : memref<!tpu.dma_semaphore, #tpu.memory_space<semaphore_mem>>
        %dma_start3A_83 = arith.constant 0 : i32
        %dma_start3A_84 = tpu.memref_slice %arg6[%arg0, %multiple_of3A, %dma_start3A_83] : memref<2x10000x40xf32, #tpu.memory_space<hbm>> -> memref<1x640x40xf32, #tpu.memory_space<hbm>>
        %dma_start3A_85 = tpu.memref_squeeze %dma_start3A_84 : memref<1x640x40xf32, #tpu.memory_space<hbm>> -> memref<640x40xf32, #tpu.memory_space<hbm>>
        %dma_start3A_86 = arith.constant 0 : i32
        %dma_start3A_87 = tpu.memref_slice %arg17[%multiple_of3A, %dma_start3A_86] : memref<10000x40xf32, #tpu.memory_space<vmem_shared>> -> memref<640x40xf32, #tpu.memory_space<vmem_shared>>
        tpu.enqueue_dma source(%dma_start3A_87 : memref<640x40xf32, #tpu.memory_space<vmem_shared>>) target(%dma_start3A_85 : memref<640x40xf32, #tpu.memory_space<hbm>>) target_semaphore(%run_scoped3A : memref<!tpu.dma_semaphore, #tpu.memory_space<semaphore_mem>>)
        %dma_wait3A = arith.constant 0 : i32
        %dma_wait3A_88 = tpu.memref_slice %arg6[%arg0, %multiple_of3A, %dma_wait3A] : memref<2x10000x40xf32, #tpu.memory_space<hbm>> -> memref<1x640x40xf32, #tpu.memory_space<hbm>>
        %dma_wait3A_89 = tpu.memref_squeeze %dma_wait3A_88 : memref<1x640x40xf32, #tpu.memory_space<hbm>> -> memref<640x40xf32, #tpu.memory_space<hbm>>
        %dma_wait3A_90 = arith.constant 0 : i32
        %dma_wait3A_91 = tpu.memref_slice %arg17[%multiple_of3A, %dma_wait3A_90] : memref<10000x40xf32, #tpu.memory_space<vmem_shared>> -> memref<640x40xf32, #tpu.memory_space<vmem_shared>>
        tpu.wait_dma2 semaphore(%run_scoped3A : memref<!tpu.dma_semaphore, #tpu.memory_space<semaphore_mem>>) src(%dma_wait3A_91 : memref<640x40xf32, #tpu.memory_space<vmem_shared>>) dst(%dma_wait3A_89 : memref<640x40xf32, #tpu.memory_space<hbm>>)
        tpu.yield
      }) : () -> ()
    } else {
    }
    %eq3A_76 = arith.constant 15 : i32
    %eq3A_77 = arith.cmpi eq, %arg1, %eq3A_76 : i32
    %convert_element_type3A_78 = arith.extui %eq3A_77 : i1 to i32
    %cond3A_79 = arith.constant 0 : i32
    %cond3A_80 = arith.cmpi ne, %convert_element_type3A_78, %cond3A_79 : i32
    scf.if %cond3A_80 {
      "tpu.region"() ({
        %run_scoped3A = tpu.sem_alloc : memref<!tpu.dma_semaphore, #tpu.memory_space<semaphore_mem>>
        %dma_start3A_81 = arith.constant 9600 : i32
        %dma_start3A_82 = arith.constant 0 : i32
        %dma_start3A_83 = tpu.memref_slice %arg6[%arg0, %dma_start3A_81, %dma_start3A_82] : memref<2x10000x40xf32, #tpu.memory_space<hbm>> -> memref<1x400x40xf32, #tpu.memory_space<hbm>>
        %dma_start3A_84 = tpu.memref_squeeze %dma_start3A_83 : memref<1x400x40xf32, #tpu.memory_space<hbm>> -> memref<400x40xf32, #tpu.memory_space<hbm>>
        %dma_start3A_85 = arith.constant 9600 : i32
        %dma_start3A_86 = arith.constant 0 : i32
        %dma_start3A_87 = tpu.memref_slice %arg17[%dma_start3A_85, %dma_start3A_86] : memref<10000x40xf32, #tpu.memory_space<vmem_shared>> -> memref<400x40xf32, #tpu.memory_space<vmem_shared>>
        tpu.enqueue_dma source(%dma_start3A_87 : memref<400x40xf32, #tpu.memory_space<vmem_shared>>) target(%dma_start3A_84 : memref<400x40xf32, #tpu.memory_space<hbm>>) target_semaphore(%run_scoped3A : memref<!tpu.dma_semaphore, #tpu.memory_space<semaphore_mem>>)
        %dma_wait3A = arith.constant 9600 : i32
        %dma_wait3A_88 = arith.constant 0 : i32
        %dma_wait3A_89 = tpu.memref_slice %arg6[%arg0, %dma_wait3A, %dma_wait3A_88] : memref<2x10000x40xf32, #tpu.memory_space<hbm>> -> memref<1x400x40xf32, #tpu.memory_space<hbm>>
        %dma_wait3A_90 = tpu.memref_squeeze %dma_wait3A_89 : memref<1x400x40xf32, #tpu.memory_space<hbm>> -> memref<400x40xf32, #tpu.memory_space<hbm>>
        %dma_wait3A_91 = arith.constant 9600 : i32
        %dma_wait3A_92 = arith.constant 0 : i32
        %dma_wait3A_93 = tpu.memref_slice %arg17[%dma_wait3A_91, %dma_wait3A_92] : memref<10000x40xf32, #tpu.memory_space<vmem_shared>> -> memref<400x40xf32, #tpu.memory_space<vmem_shared>>
        tpu.wait_dma2 semaphore(%run_scoped3A : memref<!tpu.dma_semaphore, #tpu.memory_space<semaphore_mem>>) src(%dma_wait3A_93 : memref<400x40xf32, #tpu.memory_space<vmem_shared>>) dst(%dma_wait3A_90 : memref<400x40xf32, #tpu.memory_space<hbm>>)
        tpu.yield
      }) : () -> ()
    } else {
    }
    return
  }
}

#map = affine_map<(d0, d1) -> (0, 0)>
#map1 = affine_map<(d0, d1) -> (0, 0, 0)>
module attributes {stable_mosaic.version = 14 : i64} {
  func.func @_hop_body(%arg0: i32, %arg1: i32, %arg2: memref<10000x40xf32, #tpu.memory_space<hbm>>, %arg3: memref<2560x125xi32, #tpu.memory_space<hbm>>, %arg4: memref<2560x125xi32, #tpu.memory_space<hbm>>, %arg5: memref<10000x40xf32, #tpu.memory_space<hbm>>, %arg6: memref<2x10000x40xf32, #tpu.memory_space<hbm>>, %arg7: memref<80x125xi32, #tpu.memory_space<vmem>>, %arg8: memref<80x125xi32, #tpu.memory_space<vmem>>, %arg9: memref<125x40xf32, #tpu.memory_space<vmem>>, %arg10: memref<125x40xf32, #tpu.memory_space<vmem>>, %arg11: memref<125x40xf32, #tpu.memory_space<vmem>>, %arg12: memref<125x40xf32, #tpu.memory_space<vmem>>, %arg13: memref<125x40xf32, #tpu.memory_space<vmem>>, %arg14: memref<125x40xf32, #tpu.memory_space<vmem>>, %arg15: memref<125x40xf32, #tpu.memory_space<vmem>>, %arg16: memref<125x40xf32, #tpu.memory_space<vmem>>, %arg17: memref<10000x40xf32, #tpu.memory_space<vmem_shared>>, %arg18: memref<!tpu.dma_semaphore, #tpu.memory_space<semaphore_mem>>, %arg19: memref<!tpu.dma_semaphore, #tpu.memory_space<semaphore_mem>>, %arg20: memref<!tpu.dma_semaphore, #tpu.memory_space<semaphore_mem>>, %arg21: memref<!tpu.dma_semaphore, #tpu.memory_space<semaphore_mem>>, %arg22: memref<!tpu.dma_semaphore, #tpu.memory_space<semaphore_mem>>, %arg23: memref<!tpu.dma_semaphore, #tpu.memory_space<semaphore_mem>>, %arg24: memref<!tpu.dma_semaphore, #tpu.memory_space<semaphore_mem>>, %arg25: memref<!tpu.dma_semaphore, #tpu.memory_space<semaphore_mem>>, %arg26: memref<!tpu.dma_semaphore, #tpu.memory_space<semaphore_mem>>, %arg27: memref<!tpu.dma_semaphore, #tpu.memory_space<semaphore_mem>>, %arg28: memref<!tpu.dma_semaphore, #tpu.memory_space<semaphore_mem>>, %arg29: memref<!tpu.dma_semaphore, #tpu.memory_space<semaphore_mem>>, %arg30: memref<!tpu.dma_semaphore, #tpu.memory_space<semaphore_mem>>, %arg31: memref<!tpu.dma_semaphore, #tpu.memory_space<semaphore_mem>>, %arg32: memref<!tpu.dma_semaphore, #tpu.memory_space<semaphore_mem>>, %arg33: memref<!tpu.dma_semaphore, #tpu.memory_space<semaphore_mem>>) attributes {dimension_semantics = [#tpu.dimension_semantics<core_parallel>, #tpu.dimension_semantics<subcore_parallel>], iteration_bounds = array<i64: 2, 16>, scalar_prefetch = 0 : i64, scratch_operands = 27 : i64, tpu.core_type = #tpu.core_type<sc_vector_subcore>, window_params = [{transform_indices = #map}, {transform_indices = #map}, {transform_indices = #map}, {transform_indices = #map}, {transform_indices = #map1}]} {
    %mul3A = arith.constant 16 : i32
    %mul3A_0 = arith.muli %arg0, %mul3A : i32
    %add3A = arith.addi %mul3A_0, %arg1 : i32
    %lt3A = arith.constant 15 : i32
    %lt3A_1 = arith.cmpi slt, %arg1, %lt3A : i32
    %convert_element_type3A = arith.extui %lt3A_1 : i1 to i32
    %cond3A = arith.constant 0 : i32
    %cond3A_2 = arith.cmpi ne, %convert_element_type3A, %cond3A : i32
    scf.if %cond3A_2 {
      %mul3A_81 = arith.constant 640 : i32
      %mul3A_82 = arith.muli %arg1, %mul3A_81 : i32
      %multiple_of3A = tpu.assume_multiple %mul3A_82, 8 : i32
      "tpu.region"() ({
        %run_scoped3A = tpu.sem_alloc : memref<!tpu.dma_semaphore, #tpu.memory_space<semaphore_mem>>
        %dma_start3A_83 = arith.constant 0 : i32
        %dma_start3A_84 = tpu.memref_slice %arg17[%multiple_of3A, %dma_start3A_83] : memref<10000x40xf32, #tpu.memory_space<vmem_shared>> -> memref<640x40xf32, #tpu.memory_space<vmem_shared>>
        %dma_start3A_85 = arith.constant 0 : i32
        %dma_start3A_86 = tpu.memref_slice %arg5[%multiple_of3A, %dma_start3A_85] : memref<10000x40xf32, #tpu.memory_space<hbm>> -> memref<640x40xf32, #tpu.memory_space<hbm>>
        tpu.enqueue_dma source(%dma_start3A_86 : memref<640x40xf32, #tpu.memory_space<hbm>>) target(%dma_start3A_84 : memref<640x40xf32, #tpu.memory_space<vmem_shared>>) target_semaphore(%run_scoped3A : memref<!tpu.dma_semaphore, #tpu.memory_space<semaphore_mem>>)
        %dma_wait3A = arith.constant 0 : i32
        %dma_wait3A_87 = tpu.memref_slice %arg17[%multiple_of3A, %dma_wait3A] : memref<10000x40xf32, #tpu.memory_space<vmem_shared>> -> memref<640x40xf32, #tpu.memory_space<vmem_shared>>
        %dma_wait3A_88 = arith.constant 0 : i32
        %dma_wait3A_89 = tpu.memref_slice %arg5[%multiple_of3A, %dma_wait3A_88] : memref<10000x40xf32, #tpu.memory_space<hbm>> -> memref<640x40xf32, #tpu.memory_space<hbm>>
        tpu.wait_dma2 semaphore(%run_scoped3A : memref<!tpu.dma_semaphore, #tpu.memory_space<semaphore_mem>>) src(%dma_wait3A_89 : memref<640x40xf32, #tpu.memory_space<hbm>>) dst(%dma_wait3A_87 : memref<640x40xf32, #tpu.memory_space<vmem_shared>>)
        tpu.yield
      }) : () -> ()
    } else {
    }
    %eq3A = arith.constant 15 : i32
    %eq3A_3 = arith.cmpi eq, %arg1, %eq3A : i32
    %convert_element_type3A_4 = arith.extui %eq3A_3 : i1 to i32
    %cond3A_5 = arith.constant 0 : i32
    %cond3A_6 = arith.cmpi ne, %convert_element_type3A_4, %cond3A_5 : i32
    scf.if %cond3A_6 {
      "tpu.region"() ({
        %run_scoped3A = tpu.sem_alloc : memref<!tpu.dma_semaphore, #tpu.memory_space<semaphore_mem>>
        %dma_start3A_81 = arith.constant 9600 : i32
        %dma_start3A_82 = arith.constant 0 : i32
        %dma_start3A_83 = tpu.memref_slice %arg17[%dma_start3A_81, %dma_start3A_82] : memref<10000x40xf32, #tpu.memory_space<vmem_shared>> -> memref<400x40xf32, #tpu.memory_space<vmem_shared>>
        %dma_start3A_84 = arith.constant 9600 : i32
        %dma_start3A_85 = arith.constant 0 : i32
        %dma_start3A_86 = tpu.memref_slice %arg5[%dma_start3A_84, %dma_start3A_85] : memref<10000x40xf32, #tpu.memory_space<hbm>> -> memref<400x40xf32, #tpu.memory_space<hbm>>
        tpu.enqueue_dma source(%dma_start3A_86 : memref<400x40xf32, #tpu.memory_space<hbm>>) target(%dma_start3A_83 : memref<400x40xf32, #tpu.memory_space<vmem_shared>>) target_semaphore(%run_scoped3A : memref<!tpu.dma_semaphore, #tpu.memory_space<semaphore_mem>>)
        %dma_wait3A = arith.constant 9600 : i32
        %dma_wait3A_87 = arith.constant 0 : i32
        %dma_wait3A_88 = tpu.memref_slice %arg17[%dma_wait3A, %dma_wait3A_87] : memref<10000x40xf32, #tpu.memory_space<vmem_shared>> -> memref<400x40xf32, #tpu.memory_space<vmem_shared>>
        %dma_wait3A_89 = arith.constant 9600 : i32
        %dma_wait3A_90 = arith.constant 0 : i32
        %dma_wait3A_91 = tpu.memref_slice %arg5[%dma_wait3A_89, %dma_wait3A_90] : memref<10000x40xf32, #tpu.memory_space<hbm>> -> memref<400x40xf32, #tpu.memory_space<hbm>>
        tpu.wait_dma2 semaphore(%run_scoped3A : memref<!tpu.dma_semaphore, #tpu.memory_space<semaphore_mem>>) src(%dma_wait3A_91 : memref<400x40xf32, #tpu.memory_space<hbm>>) dst(%dma_wait3A_88 : memref<400x40xf32, #tpu.memory_space<vmem_shared>>)
        tpu.yield
      }) : () -> ()
    } else {
    }
    %mul3A_7 = arith.constant 80 : i32
    %mul3A_8 = arith.muli %add3A, %mul3A_7 : i32
    "tpu.region"() ({
      %run_scoped3A = tpu.sem_alloc : memref<!tpu.dma_semaphore, #tpu.memory_space<semaphore_mem>>
      %dma_start3A_81 = arith.constant 0 : i32
      %dma_start3A_82 = tpu.memref_slice %arg3[%mul3A_8, %dma_start3A_81] : memref<2560x125xi32, #tpu.memory_space<hbm>> -> memref<80x125xi32, #tpu.memory_space<hbm>>
      %dma_start3A_83 = arith.constant 0 : i32
      %dma_start3A_84 = tpu.memref_slice %arg3[%mul3A_8, %dma_start3A_83] : memref<2560x125xi32, #tpu.memory_space<hbm>> -> memref<80x125xi32, #tpu.memory_space<hbm>>
      tpu.enqueue_dma source(%dma_start3A_84 : memref<80x125xi32, #tpu.memory_space<hbm>>) target(%arg7 : memref<80x125xi32, #tpu.memory_space<vmem>>) target_semaphore(%run_scoped3A : memref<!tpu.dma_semaphore, #tpu.memory_space<semaphore_mem>>)
      %dma_wait3A = arith.constant 0 : i32
      %dma_wait3A_85 = tpu.memref_slice %arg3[%mul3A_8, %dma_wait3A] : memref<2560x125xi32, #tpu.memory_space<hbm>> -> memref<80x125xi32, #tpu.memory_space<hbm>>
      %dma_wait3A_86 = arith.constant 0 : i32
      %dma_wait3A_87 = tpu.memref_slice %arg3[%mul3A_8, %dma_wait3A_86] : memref<2560x125xi32, #tpu.memory_space<hbm>> -> memref<80x125xi32, #tpu.memory_space<hbm>>
      tpu.wait_dma2 semaphore(%run_scoped3A : memref<!tpu.dma_semaphore, #tpu.memory_space<semaphore_mem>>) src(%dma_wait3A_87 : memref<80x125xi32, #tpu.memory_space<hbm>>) dst(%arg7 : memref<80x125xi32, #tpu.memory_space<vmem>>)
      tpu.yield
    }) : () -> ()
    %mul3A_9 = arith.constant 80 : i32
    %mul3A_10 = arith.muli %add3A, %mul3A_9 : i32
    "tpu.region"() ({
      %run_scoped3A = tpu.sem_alloc : memref<!tpu.dma_semaphore, #tpu.memory_space<semaphore_mem>>
      %dma_start3A_81 = arith.constant 0 : i32
      %dma_start3A_82 = tpu.memref_slice %arg4[%mul3A_10, %dma_start3A_81] : memref<2560x125xi32, #tpu.memory_space<hbm>> -> memref<80x125xi32, #tpu.memory_space<hbm>>
      %dma_start3A_83 = arith.constant 0 : i32
      %dma_start3A_84 = tpu.memref_slice %arg4[%mul3A_10, %dma_start3A_83] : memref<2560x125xi32, #tpu.memory_space<hbm>> -> memref<80x125xi32, #tpu.memory_space<hbm>>
      tpu.enqueue_dma source(%dma_start3A_84 : memref<80x125xi32, #tpu.memory_space<hbm>>) target(%arg8 : memref<80x125xi32, #tpu.memory_space<vmem>>) target_semaphore(%run_scoped3A : memref<!tpu.dma_semaphore, #tpu.memory_space<semaphore_mem>>)
      %dma_wait3A = arith.constant 0 : i32
      %dma_wait3A_85 = tpu.memref_slice %arg4[%mul3A_10, %dma_wait3A] : memref<2560x125xi32, #tpu.memory_space<hbm>> -> memref<80x125xi32, #tpu.memory_space<hbm>>
      %dma_wait3A_86 = arith.constant 0 : i32
      %dma_wait3A_87 = tpu.memref_slice %arg4[%mul3A_10, %dma_wait3A_86] : memref<2560x125xi32, #tpu.memory_space<hbm>> -> memref<80x125xi32, #tpu.memory_space<hbm>>
      tpu.wait_dma2 semaphore(%run_scoped3A : memref<!tpu.dma_semaphore, #tpu.memory_space<semaphore_mem>>) src(%dma_wait3A_87 : memref<80x125xi32, #tpu.memory_space<hbm>>) dst(%arg8 : memref<80x125xi32, #tpu.memory_space<vmem>>)
      tpu.yield
    }) : () -> ()
    %barrier3A = arith.constant 0 : index
    tpu.barrier barrier_id(%barrier3A)
    %dma_start3A = arith.constant 0 : i32
    %dma_start3A_11 = arith.constant 0 : i32
    %dma_start3A_12 = tpu.memref_slice %arg7[%dma_start3A, %dma_start3A_11] : memref<80x125xi32, #tpu.memory_space<vmem>> -> memref<1x125xi32, #tpu.memory_space<vmem>>
    %dma_start3A_13 = tpu.memref_squeeze %dma_start3A_12 : memref<1x125xi32, #tpu.memory_space<vmem>> -> memref<125xi32, #tpu.memory_space<vmem>>
    %dma_start3A_14 = arith.constant 0 : i32
    %dma_start3A_15 = arith.constant 0 : i32
    %dma_start3A_16 = tpu.memref_slice %arg2[%dma_start3A_14, %dma_start3A_15] : memref<10000x40xf32, #tpu.memory_space<hbm>> -> memref<10000x40xf32, #tpu.memory_space<hbm>>
    tpu.enqueue_indirect_dma source(%dma_start3A_16 : memref<10000x40xf32, #tpu.memory_space<hbm>>) target(%arg9 : memref<125x40xf32, #tpu.memory_space<vmem>>) offsets(%dma_start3A_13 : memref<125xi32, #tpu.memory_space<vmem>>) semaphore(%arg18 : memref<!tpu.dma_semaphore, #tpu.memory_space<semaphore_mem>>)
    %dma_start3A_17 = arith.constant 1 : i32
    %dma_start3A_18 = arith.constant 0 : i32
    %dma_start3A_19 = tpu.memref_slice %arg7[%dma_start3A_17, %dma_start3A_18] : memref<80x125xi32, #tpu.memory_space<vmem>> -> memref<1x125xi32, #tpu.memory_space<vmem>>
    %dma_start3A_20 = tpu.memref_squeeze %dma_start3A_19 : memref<1x125xi32, #tpu.memory_space<vmem>> -> memref<125xi32, #tpu.memory_space<vmem>>
    %dma_start3A_21 = arith.constant 0 : i32
    %dma_start3A_22 = arith.constant 0 : i32
    %dma_start3A_23 = tpu.memref_slice %arg2[%dma_start3A_21, %dma_start3A_22] : memref<10000x40xf32, #tpu.memory_space<hbm>> -> memref<10000x40xf32, #tpu.memory_space<hbm>>
    tpu.enqueue_indirect_dma source(%dma_start3A_23 : memref<10000x40xf32, #tpu.memory_space<hbm>>) target(%arg10 : memref<125x40xf32, #tpu.memory_space<vmem>>) offsets(%dma_start3A_20 : memref<125xi32, #tpu.memory_space<vmem>>) semaphore(%arg19 : memref<!tpu.dma_semaphore, #tpu.memory_space<semaphore_mem>>)
    %dma_start3A_24 = arith.constant 2 : i32
    %dma_start3A_25 = arith.constant 0 : i32
    %dma_start3A_26 = tpu.memref_slice %arg7[%dma_start3A_24, %dma_start3A_25] : memref<80x125xi32, #tpu.memory_space<vmem>> -> memref<1x125xi32, #tpu.memory_space<vmem>>
    %dma_start3A_27 = tpu.memref_squeeze %dma_start3A_26 : memref<1x125xi32, #tpu.memory_space<vmem>> -> memref<125xi32, #tpu.memory_space<vmem>>
    %dma_start3A_28 = arith.constant 0 : i32
    %dma_start3A_29 = arith.constant 0 : i32
    %dma_start3A_30 = tpu.memref_slice %arg2[%dma_start3A_28, %dma_start3A_29] : memref<10000x40xf32, #tpu.memory_space<hbm>> -> memref<10000x40xf32, #tpu.memory_space<hbm>>
    tpu.enqueue_indirect_dma source(%dma_start3A_30 : memref<10000x40xf32, #tpu.memory_space<hbm>>) target(%arg11 : memref<125x40xf32, #tpu.memory_space<vmem>>) offsets(%dma_start3A_27 : memref<125xi32, #tpu.memory_space<vmem>>) semaphore(%arg20 : memref<!tpu.dma_semaphore, #tpu.memory_space<semaphore_mem>>)
    %dma_start3A_31 = arith.constant 3 : i32
    %dma_start3A_32 = arith.constant 0 : i32
    %dma_start3A_33 = tpu.memref_slice %arg7[%dma_start3A_31, %dma_start3A_32] : memref<80x125xi32, #tpu.memory_space<vmem>> -> memref<1x125xi32, #tpu.memory_space<vmem>>
    %dma_start3A_34 = tpu.memref_squeeze %dma_start3A_33 : memref<1x125xi32, #tpu.memory_space<vmem>> -> memref<125xi32, #tpu.memory_space<vmem>>
    %dma_start3A_35 = arith.constant 0 : i32
    %dma_start3A_36 = arith.constant 0 : i32
    %dma_start3A_37 = tpu.memref_slice %arg2[%dma_start3A_35, %dma_start3A_36] : memref<10000x40xf32, #tpu.memory_space<hbm>> -> memref<10000x40xf32, #tpu.memory_space<hbm>>
    tpu.enqueue_indirect_dma source(%dma_start3A_37 : memref<10000x40xf32, #tpu.memory_space<hbm>>) target(%arg12 : memref<125x40xf32, #tpu.memory_space<vmem>>) offsets(%dma_start3A_34 : memref<125xi32, #tpu.memory_space<vmem>>) semaphore(%arg21 : memref<!tpu.dma_semaphore, #tpu.memory_space<semaphore_mem>>)
    %dma_start3A_38 = arith.constant 4 : i32
    %dma_start3A_39 = arith.constant 0 : i32
    %dma_start3A_40 = tpu.memref_slice %arg7[%dma_start3A_38, %dma_start3A_39] : memref<80x125xi32, #tpu.memory_space<vmem>> -> memref<1x125xi32, #tpu.memory_space<vmem>>
    %dma_start3A_41 = tpu.memref_squeeze %dma_start3A_40 : memref<1x125xi32, #tpu.memory_space<vmem>> -> memref<125xi32, #tpu.memory_space<vmem>>
    %dma_start3A_42 = arith.constant 0 : i32
    %dma_start3A_43 = arith.constant 0 : i32
    %dma_start3A_44 = tpu.memref_slice %arg2[%dma_start3A_42, %dma_start3A_43] : memref<10000x40xf32, #tpu.memory_space<hbm>> -> memref<10000x40xf32, #tpu.memory_space<hbm>>
    tpu.enqueue_indirect_dma source(%dma_start3A_44 : memref<10000x40xf32, #tpu.memory_space<hbm>>) target(%arg13 : memref<125x40xf32, #tpu.memory_space<vmem>>) offsets(%dma_start3A_41 : memref<125xi32, #tpu.memory_space<vmem>>) semaphore(%arg22 : memref<!tpu.dma_semaphore, #tpu.memory_space<semaphore_mem>>)
    %dma_start3A_45 = arith.constant 5 : i32
    %dma_start3A_46 = arith.constant 0 : i32
    %dma_start3A_47 = tpu.memref_slice %arg7[%dma_start3A_45, %dma_start3A_46] : memref<80x125xi32, #tpu.memory_space<vmem>> -> memref<1x125xi32, #tpu.memory_space<vmem>>
    %dma_start3A_48 = tpu.memref_squeeze %dma_start3A_47 : memref<1x125xi32, #tpu.memory_space<vmem>> -> memref<125xi32, #tpu.memory_space<vmem>>
    %dma_start3A_49 = arith.constant 0 : i32
    %dma_start3A_50 = arith.constant 0 : i32
    %dma_start3A_51 = tpu.memref_slice %arg2[%dma_start3A_49, %dma_start3A_50] : memref<10000x40xf32, #tpu.memory_space<hbm>> -> memref<10000x40xf32, #tpu.memory_space<hbm>>
    tpu.enqueue_indirect_dma source(%dma_start3A_51 : memref<10000x40xf32, #tpu.memory_space<hbm>>) target(%arg14 : memref<125x40xf32, #tpu.memory_space<vmem>>) offsets(%dma_start3A_48 : memref<125xi32, #tpu.memory_space<vmem>>) semaphore(%arg23 : memref<!tpu.dma_semaphore, #tpu.memory_space<semaphore_mem>>)
    %dma_start3A_52 = arith.constant 6 : i32
    %dma_start3A_53 = arith.constant 0 : i32
    %dma_start3A_54 = tpu.memref_slice %arg7[%dma_start3A_52, %dma_start3A_53] : memref<80x125xi32, #tpu.memory_space<vmem>> -> memref<1x125xi32, #tpu.memory_space<vmem>>
    %dma_start3A_55 = tpu.memref_squeeze %dma_start3A_54 : memref<1x125xi32, #tpu.memory_space<vmem>> -> memref<125xi32, #tpu.memory_space<vmem>>
    %dma_start3A_56 = arith.constant 0 : i32
    %dma_start3A_57 = arith.constant 0 : i32
    %dma_start3A_58 = tpu.memref_slice %arg2[%dma_start3A_56, %dma_start3A_57] : memref<10000x40xf32, #tpu.memory_space<hbm>> -> memref<10000x40xf32, #tpu.memory_space<hbm>>
    tpu.enqueue_indirect_dma source(%dma_start3A_58 : memref<10000x40xf32, #tpu.memory_space<hbm>>) target(%arg15 : memref<125x40xf32, #tpu.memory_space<vmem>>) offsets(%dma_start3A_55 : memref<125xi32, #tpu.memory_space<vmem>>) semaphore(%arg24 : memref<!tpu.dma_semaphore, #tpu.memory_space<semaphore_mem>>)
    %dma_start3A_59 = arith.constant 7 : i32
    %dma_start3A_60 = arith.constant 0 : i32
    %dma_start3A_61 = tpu.memref_slice %arg7[%dma_start3A_59, %dma_start3A_60] : memref<80x125xi32, #tpu.memory_space<vmem>> -> memref<1x125xi32, #tpu.memory_space<vmem>>
    %dma_start3A_62 = tpu.memref_squeeze %dma_start3A_61 : memref<1x125xi32, #tpu.memory_space<vmem>> -> memref<125xi32, #tpu.memory_space<vmem>>
    %dma_start3A_63 = arith.constant 0 : i32
    %dma_start3A_64 = arith.constant 0 : i32
    %dma_start3A_65 = tpu.memref_slice %arg2[%dma_start3A_63, %dma_start3A_64] : memref<10000x40xf32, #tpu.memory_space<hbm>> -> memref<10000x40xf32, #tpu.memory_space<hbm>>
    tpu.enqueue_indirect_dma source(%dma_start3A_65 : memref<10000x40xf32, #tpu.memory_space<hbm>>) target(%arg16 : memref<125x40xf32, #tpu.memory_space<vmem>>) offsets(%dma_start3A_62 : memref<125xi32, #tpu.memory_space<vmem>>) semaphore(%arg25 : memref<!tpu.dma_semaphore, #tpu.memory_space<semaphore_mem>>)
    %scan3A = arith.constant 0 : i32
    %scan3A_66 = arith.constant 10 : i32
    %scan3A_67 = arith.addi %scan3A, %scan3A_66 : i32
    %scan3A_68 = arith.constant 1 : i32
    scf.for %scan3A_81 = %scan3A to %scan3A_67 step %scan3A_68  : i32 {
      %mul3A_82 = arith.constant 8 : i32
      %mul3A_83 = arith.muli %scan3A_81, %mul3A_82 : i32
      %add3A_84 = arith.constant 0 : i32
      %add3A_85 = arith.addi %mul3A_83, %add3A_84 : i32
      %dma_wait3A = arith.constant 0 : i32
      %dma_wait3A_86 = tpu.memref_slice %arg7[%add3A_85, %dma_wait3A] : memref<80x125xi32, #tpu.memory_space<vmem>> -> memref<1x125xi32, #tpu.memory_space<vmem>>
      %dma_wait3A_87 = tpu.memref_squeeze %dma_wait3A_86 : memref<1x125xi32, #tpu.memory_space<vmem>> -> memref<125xi32, #tpu.memory_space<vmem>>
      %dma_wait3A_88 = arith.constant 0 : i32
      %dma_wait3A_89 = arith.constant 0 : i32
      %dma_wait3A_90 = tpu.memref_slice %arg2[%dma_wait3A_88, %dma_wait3A_89] : memref<10000x40xf32, #tpu.memory_space<hbm>> -> memref<10000x40xf32, #tpu.memory_space<hbm>>
      tpu.wait_indirect_dma semaphore(%arg18 : memref<!tpu.dma_semaphore, #tpu.memory_space<semaphore_mem>>) src(%dma_wait3A_90 : memref<10000x40xf32, #tpu.memory_space<hbm>>) dst(%arg9 : memref<125x40xf32, #tpu.memory_space<vmem>>)
      %add3A_91 = arith.constant 0 : i32
      %add3A_92 = arith.addi %mul3A_83, %add3A_91 : i32
      %dma_start3A_93 = arith.constant 0 : i32
      %dma_start3A_94 = tpu.memref_slice %arg8[%add3A_92, %dma_start3A_93] : memref<80x125xi32, #tpu.memory_space<vmem>> -> memref<1x125xi32, #tpu.memory_space<vmem>>
      %dma_start3A_95 = tpu.memref_squeeze %dma_start3A_94 : memref<1x125xi32, #tpu.memory_space<vmem>> -> memref<125xi32, #tpu.memory_space<vmem>>
      %dma_start3A_96 = arith.constant 0 : i32
      %dma_start3A_97 = arith.constant 0 : i32
      %dma_start3A_98 = tpu.memref_slice %arg17[%dma_start3A_96, %dma_start3A_97] : memref<10000x40xf32, #tpu.memory_space<vmem_shared>> -> memref<10000x40xf32, #tpu.memory_space<vmem_shared>>
      tpu.enqueue_indirect_dma source(%arg9 : memref<125x40xf32, #tpu.memory_space<vmem>>) target(%dma_start3A_98 : memref<10000x40xf32, #tpu.memory_space<vmem_shared>>) offsets(%dma_start3A_95 : memref<125xi32, #tpu.memory_space<vmem>>) semaphore(%arg26 : memref<!tpu.dma_semaphore, #tpu.memory_space<semaphore_mem>>) {add = true}
      %add3A_99 = arith.constant 1 : i32
      %add3A_100 = arith.addi %mul3A_83, %add3A_99 : i32
      %dma_wait3A_101 = arith.constant 0 : i32
      %dma_wait3A_102 = tpu.memref_slice %arg7[%add3A_100, %dma_wait3A_101] : memref<80x125xi32, #tpu.memory_space<vmem>> -> memref<1x125xi32, #tpu.memory_space<vmem>>
      %dma_wait3A_103 = tpu.memref_squeeze %dma_wait3A_102 : memref<1x125xi32, #tpu.memory_space<vmem>> -> memref<125xi32, #tpu.memory_space<vmem>>
      %dma_wait3A_104 = arith.constant 0 : i32
      %dma_wait3A_105 = arith.constant 0 : i32
      %dma_wait3A_106 = tpu.memref_slice %arg2[%dma_wait3A_104, %dma_wait3A_105] : memref<10000x40xf32, #tpu.memory_space<hbm>> -> memref<10000x40xf32, #tpu.memory_space<hbm>>
      tpu.wait_indirect_dma semaphore(%arg19 : memref<!tpu.dma_semaphore, #tpu.memory_space<semaphore_mem>>) src(%dma_wait3A_106 : memref<10000x40xf32, #tpu.memory_space<hbm>>) dst(%arg10 : memref<125x40xf32, #tpu.memory_space<vmem>>)
      %add3A_107 = arith.constant 1 : i32
      %add3A_108 = arith.addi %mul3A_83, %add3A_107 : i32
      %dma_start3A_109 = arith.constant 0 : i32
      %dma_start3A_110 = tpu.memref_slice %arg8[%add3A_108, %dma_start3A_109] : memref<80x125xi32, #tpu.memory_space<vmem>> -> memref<1x125xi32, #tpu.memory_space<vmem>>
      %dma_start3A_111 = tpu.memref_squeeze %dma_start3A_110 : memref<1x125xi32, #tpu.memory_space<vmem>> -> memref<125xi32, #tpu.memory_space<vmem>>
      %dma_start3A_112 = arith.constant 0 : i32
      %dma_start3A_113 = arith.constant 0 : i32
      %dma_start3A_114 = tpu.memref_slice %arg17[%dma_start3A_112, %dma_start3A_113] : memref<10000x40xf32, #tpu.memory_space<vmem_shared>> -> memref<10000x40xf32, #tpu.memory_space<vmem_shared>>
      tpu.enqueue_indirect_dma source(%arg10 : memref<125x40xf32, #tpu.memory_space<vmem>>) target(%dma_start3A_114 : memref<10000x40xf32, #tpu.memory_space<vmem_shared>>) offsets(%dma_start3A_111 : memref<125xi32, #tpu.memory_space<vmem>>) semaphore(%arg27 : memref<!tpu.dma_semaphore, #tpu.memory_space<semaphore_mem>>) {add = true}
      %add3A_115 = arith.constant 2 : i32
      %add3A_116 = arith.addi %mul3A_83, %add3A_115 : i32
      %dma_wait3A_117 = arith.constant 0 : i32
      %dma_wait3A_118 = tpu.memref_slice %arg7[%add3A_116, %dma_wait3A_117] : memref<80x125xi32, #tpu.memory_space<vmem>> -> memref<1x125xi32, #tpu.memory_space<vmem>>
      %dma_wait3A_119 = tpu.memref_squeeze %dma_wait3A_118 : memref<1x125xi32, #tpu.memory_space<vmem>> -> memref<125xi32, #tpu.memory_space<vmem>>
      %dma_wait3A_120 = arith.constant 0 : i32
      %dma_wait3A_121 = arith.constant 0 : i32
      %dma_wait3A_122 = tpu.memref_slice %arg2[%dma_wait3A_120, %dma_wait3A_121] : memref<10000x40xf32, #tpu.memory_space<hbm>> -> memref<10000x40xf32, #tpu.memory_space<hbm>>
      tpu.wait_indirect_dma semaphore(%arg20 : memref<!tpu.dma_semaphore, #tpu.memory_space<semaphore_mem>>) src(%dma_wait3A_122 : memref<10000x40xf32, #tpu.memory_space<hbm>>) dst(%arg11 : memref<125x40xf32, #tpu.memory_space<vmem>>)
      %add3A_123 = arith.constant 2 : i32
      %add3A_124 = arith.addi %mul3A_83, %add3A_123 : i32
      %dma_start3A_125 = arith.constant 0 : i32
      %dma_start3A_126 = tpu.memref_slice %arg8[%add3A_124, %dma_start3A_125] : memref<80x125xi32, #tpu.memory_space<vmem>> -> memref<1x125xi32, #tpu.memory_space<vmem>>
      %dma_start3A_127 = tpu.memref_squeeze %dma_start3A_126 : memref<1x125xi32, #tpu.memory_space<vmem>> -> memref<125xi32, #tpu.memory_space<vmem>>
      %dma_start3A_128 = arith.constant 0 : i32
      %dma_start3A_129 = arith.constant 0 : i32
      %dma_start3A_130 = tpu.memref_slice %arg17[%dma_start3A_128, %dma_start3A_129] : memref<10000x40xf32, #tpu.memory_space<vmem_shared>> -> memref<10000x40xf32, #tpu.memory_space<vmem_shared>>
      tpu.enqueue_indirect_dma source(%arg11 : memref<125x40xf32, #tpu.memory_space<vmem>>) target(%dma_start3A_130 : memref<10000x40xf32, #tpu.memory_space<vmem_shared>>) offsets(%dma_start3A_127 : memref<125xi32, #tpu.memory_space<vmem>>) semaphore(%arg28 : memref<!tpu.dma_semaphore, #tpu.memory_space<semaphore_mem>>) {add = true}
      %add3A_131 = arith.constant 3 : i32
      %add3A_132 = arith.addi %mul3A_83, %add3A_131 : i32
      %dma_wait3A_133 = arith.constant 0 : i32
      %dma_wait3A_134 = tpu.memref_slice %arg7[%add3A_132, %dma_wait3A_133] : memref<80x125xi32, #tpu.memory_space<vmem>> -> memref<1x125xi32, #tpu.memory_space<vmem>>
      %dma_wait3A_135 = tpu.memref_squeeze %dma_wait3A_134 : memref<1x125xi32, #tpu.memory_space<vmem>> -> memref<125xi32, #tpu.memory_space<vmem>>
      %dma_wait3A_136 = arith.constant 0 : i32
      %dma_wait3A_137 = arith.constant 0 : i32
      %dma_wait3A_138 = tpu.memref_slice %arg2[%dma_wait3A_136, %dma_wait3A_137] : memref<10000x40xf32, #tpu.memory_space<hbm>> -> memref<10000x40xf32, #tpu.memory_space<hbm>>
      tpu.wait_indirect_dma semaphore(%arg21 : memref<!tpu.dma_semaphore, #tpu.memory_space<semaphore_mem>>) src(%dma_wait3A_138 : memref<10000x40xf32, #tpu.memory_space<hbm>>) dst(%arg12 : memref<125x40xf32, #tpu.memory_space<vmem>>)
      %add3A_139 = arith.constant 3 : i32
      %add3A_140 = arith.addi %mul3A_83, %add3A_139 : i32
      %dma_start3A_141 = arith.constant 0 : i32
      %dma_start3A_142 = tpu.memref_slice %arg8[%add3A_140, %dma_start3A_141] : memref<80x125xi32, #tpu.memory_space<vmem>> -> memref<1x125xi32, #tpu.memory_space<vmem>>
      %dma_start3A_143 = tpu.memref_squeeze %dma_start3A_142 : memref<1x125xi32, #tpu.memory_space<vmem>> -> memref<125xi32, #tpu.memory_space<vmem>>
      %dma_start3A_144 = arith.constant 0 : i32
      %dma_start3A_145 = arith.constant 0 : i32
      %dma_start3A_146 = tpu.memref_slice %arg17[%dma_start3A_144, %dma_start3A_145] : memref<10000x40xf32, #tpu.memory_space<vmem_shared>> -> memref<10000x40xf32, #tpu.memory_space<vmem_shared>>
      tpu.enqueue_indirect_dma source(%arg12 : memref<125x40xf32, #tpu.memory_space<vmem>>) target(%dma_start3A_146 : memref<10000x40xf32, #tpu.memory_space<vmem_shared>>) offsets(%dma_start3A_143 : memref<125xi32, #tpu.memory_space<vmem>>) semaphore(%arg29 : memref<!tpu.dma_semaphore, #tpu.memory_space<semaphore_mem>>) {add = true}
      %add3A_147 = arith.constant 4 : i32
      %add3A_148 = arith.addi %mul3A_83, %add3A_147 : i32
      %dma_wait3A_149 = arith.constant 0 : i32
      %dma_wait3A_150 = tpu.memref_slice %arg7[%add3A_148, %dma_wait3A_149] : memref<80x125xi32, #tpu.memory_space<vmem>> -> memref<1x125xi32, #tpu.memory_space<vmem>>
      %dma_wait3A_151 = tpu.memref_squeeze %dma_wait3A_150 : memref<1x125xi32, #tpu.memory_space<vmem>> -> memref<125xi32, #tpu.memory_space<vmem>>
      %dma_wait3A_152 = arith.constant 0 : i32
      %dma_wait3A_153 = arith.constant 0 : i32
      %dma_wait3A_154 = tpu.memref_slice %arg2[%dma_wait3A_152, %dma_wait3A_153] : memref<10000x40xf32, #tpu.memory_space<hbm>> -> memref<10000x40xf32, #tpu.memory_space<hbm>>
      tpu.wait_indirect_dma semaphore(%arg22 : memref<!tpu.dma_semaphore, #tpu.memory_space<semaphore_mem>>) src(%dma_wait3A_154 : memref<10000x40xf32, #tpu.memory_space<hbm>>) dst(%arg13 : memref<125x40xf32, #tpu.memory_space<vmem>>)
      %add3A_155 = arith.constant 4 : i32
      %add3A_156 = arith.addi %mul3A_83, %add3A_155 : i32
      %dma_start3A_157 = arith.constant 0 : i32
      %dma_start3A_158 = tpu.memref_slice %arg8[%add3A_156, %dma_start3A_157] : memref<80x125xi32, #tpu.memory_space<vmem>> -> memref<1x125xi32, #tpu.memory_space<vmem>>
      %dma_start3A_159 = tpu.memref_squeeze %dma_start3A_158 : memref<1x125xi32, #tpu.memory_space<vmem>> -> memref<125xi32, #tpu.memory_space<vmem>>
      %dma_start3A_160 = arith.constant 0 : i32
      %dma_start3A_161 = arith.constant 0 : i32
      %dma_start3A_162 = tpu.memref_slice %arg17[%dma_start3A_160, %dma_start3A_161] : memref<10000x40xf32, #tpu.memory_space<vmem_shared>> -> memref<10000x40xf32, #tpu.memory_space<vmem_shared>>
      tpu.enqueue_indirect_dma source(%arg13 : memref<125x40xf32, #tpu.memory_space<vmem>>) target(%dma_start3A_162 : memref<10000x40xf32, #tpu.memory_space<vmem_shared>>) offsets(%dma_start3A_159 : memref<125xi32, #tpu.memory_space<vmem>>) semaphore(%arg30 : memref<!tpu.dma_semaphore, #tpu.memory_space<semaphore_mem>>) {add = true}
      %add3A_163 = arith.constant 5 : i32
      %add3A_164 = arith.addi %mul3A_83, %add3A_163 : i32
      %dma_wait3A_165 = arith.constant 0 : i32
      %dma_wait3A_166 = tpu.memref_slice %arg7[%add3A_164, %dma_wait3A_165] : memref<80x125xi32, #tpu.memory_space<vmem>> -> memref<1x125xi32, #tpu.memory_space<vmem>>
      %dma_wait3A_167 = tpu.memref_squeeze %dma_wait3A_166 : memref<1x125xi32, #tpu.memory_space<vmem>> -> memref<125xi32, #tpu.memory_space<vmem>>
      %dma_wait3A_168 = arith.constant 0 : i32
      %dma_wait3A_169 = arith.constant 0 : i32
      %dma_wait3A_170 = tpu.memref_slice %arg2[%dma_wait3A_168, %dma_wait3A_169] : memref<10000x40xf32, #tpu.memory_space<hbm>> -> memref<10000x40xf32, #tpu.memory_space<hbm>>
      tpu.wait_indirect_dma semaphore(%arg23 : memref<!tpu.dma_semaphore, #tpu.memory_space<semaphore_mem>>) src(%dma_wait3A_170 : memref<10000x40xf32, #tpu.memory_space<hbm>>) dst(%arg14 : memref<125x40xf32, #tpu.memory_space<vmem>>)
      %add3A_171 = arith.constant 5 : i32
      %add3A_172 = arith.addi %mul3A_83, %add3A_171 : i32
      %dma_start3A_173 = arith.constant 0 : i32
      %dma_start3A_174 = tpu.memref_slice %arg8[%add3A_172, %dma_start3A_173] : memref<80x125xi32, #tpu.memory_space<vmem>> -> memref<1x125xi32, #tpu.memory_space<vmem>>
      %dma_start3A_175 = tpu.memref_squeeze %dma_start3A_174 : memref<1x125xi32, #tpu.memory_space<vmem>> -> memref<125xi32, #tpu.memory_space<vmem>>
      %dma_start3A_176 = arith.constant 0 : i32
      %dma_start3A_177 = arith.constant 0 : i32
      %dma_start3A_178 = tpu.memref_slice %arg17[%dma_start3A_176, %dma_start3A_177] : memref<10000x40xf32, #tpu.memory_space<vmem_shared>> -> memref<10000x40xf32, #tpu.memory_space<vmem_shared>>
      tpu.enqueue_indirect_dma source(%arg14 : memref<125x40xf32, #tpu.memory_space<vmem>>) target(%dma_start3A_178 : memref<10000x40xf32, #tpu.memory_space<vmem_shared>>) offsets(%dma_start3A_175 : memref<125xi32, #tpu.memory_space<vmem>>) semaphore(%arg31 : memref<!tpu.dma_semaphore, #tpu.memory_space<semaphore_mem>>) {add = true}
      %add3A_179 = arith.constant 6 : i32
      %add3A_180 = arith.addi %mul3A_83, %add3A_179 : i32
      %dma_wait3A_181 = arith.constant 0 : i32
      %dma_wait3A_182 = tpu.memref_slice %arg7[%add3A_180, %dma_wait3A_181] : memref<80x125xi32, #tpu.memory_space<vmem>> -> memref<1x125xi32, #tpu.memory_space<vmem>>
      %dma_wait3A_183 = tpu.memref_squeeze %dma_wait3A_182 : memref<1x125xi32, #tpu.memory_space<vmem>> -> memref<125xi32, #tpu.memory_space<vmem>>
      %dma_wait3A_184 = arith.constant 0 : i32
      %dma_wait3A_185 = arith.constant 0 : i32
      %dma_wait3A_186 = tpu.memref_slice %arg2[%dma_wait3A_184, %dma_wait3A_185] : memref<10000x40xf32, #tpu.memory_space<hbm>> -> memref<10000x40xf32, #tpu.memory_space<hbm>>
      tpu.wait_indirect_dma semaphore(%arg24 : memref<!tpu.dma_semaphore, #tpu.memory_space<semaphore_mem>>) src(%dma_wait3A_186 : memref<10000x40xf32, #tpu.memory_space<hbm>>) dst(%arg15 : memref<125x40xf32, #tpu.memory_space<vmem>>)
      %add3A_187 = arith.constant 6 : i32
      %add3A_188 = arith.addi %mul3A_83, %add3A_187 : i32
      %dma_start3A_189 = arith.constant 0 : i32
      %dma_start3A_190 = tpu.memref_slice %arg8[%add3A_188, %dma_start3A_189] : memref<80x125xi32, #tpu.memory_space<vmem>> -> memref<1x125xi32, #tpu.memory_space<vmem>>
      %dma_start3A_191 = tpu.memref_squeeze %dma_start3A_190 : memref<1x125xi32, #tpu.memory_space<vmem>> -> memref<125xi32, #tpu.memory_space<vmem>>
      %dma_start3A_192 = arith.constant 0 : i32
      %dma_start3A_193 = arith.constant 0 : i32
      %dma_start3A_194 = tpu.memref_slice %arg17[%dma_start3A_192, %dma_start3A_193] : memref<10000x40xf32, #tpu.memory_space<vmem_shared>> -> memref<10000x40xf32, #tpu.memory_space<vmem_shared>>
      tpu.enqueue_indirect_dma source(%arg15 : memref<125x40xf32, #tpu.memory_space<vmem>>) target(%dma_start3A_194 : memref<10000x40xf32, #tpu.memory_space<vmem_shared>>) offsets(%dma_start3A_191 : memref<125xi32, #tpu.memory_space<vmem>>) semaphore(%arg32 : memref<!tpu.dma_semaphore, #tpu.memory_space<semaphore_mem>>) {add = true}
      %add3A_195 = arith.constant 7 : i32
      %add3A_196 = arith.addi %mul3A_83, %add3A_195 : i32
      %dma_wait3A_197 = arith.constant 0 : i32
      %dma_wait3A_198 = tpu.memref_slice %arg7[%add3A_196, %dma_wait3A_197] : memref<80x125xi32, #tpu.memory_space<vmem>> -> memref<1x125xi32, #tpu.memory_space<vmem>>
      %dma_wait3A_199 = tpu.memref_squeeze %dma_wait3A_198 : memref<1x125xi32, #tpu.memory_space<vmem>> -> memref<125xi32, #tpu.memory_space<vmem>>
      %dma_wait3A_200 = arith.constant 0 : i32
      %dma_wait3A_201 = arith.constant 0 : i32
      %dma_wait3A_202 = tpu.memref_slice %arg2[%dma_wait3A_200, %dma_wait3A_201] : memref<10000x40xf32, #tpu.memory_space<hbm>> -> memref<10000x40xf32, #tpu.memory_space<hbm>>
      tpu.wait_indirect_dma semaphore(%arg25 : memref<!tpu.dma_semaphore, #tpu.memory_space<semaphore_mem>>) src(%dma_wait3A_202 : memref<10000x40xf32, #tpu.memory_space<hbm>>) dst(%arg16 : memref<125x40xf32, #tpu.memory_space<vmem>>)
      %add3A_203 = arith.constant 7 : i32
      %add3A_204 = arith.addi %mul3A_83, %add3A_203 : i32
      %dma_start3A_205 = arith.constant 0 : i32
      %dma_start3A_206 = tpu.memref_slice %arg8[%add3A_204, %dma_start3A_205] : memref<80x125xi32, #tpu.memory_space<vmem>> -> memref<1x125xi32, #tpu.memory_space<vmem>>
      %dma_start3A_207 = tpu.memref_squeeze %dma_start3A_206 : memref<1x125xi32, #tpu.memory_space<vmem>> -> memref<125xi32, #tpu.memory_space<vmem>>
      %dma_start3A_208 = arith.constant 0 : i32
      %dma_start3A_209 = arith.constant 0 : i32
      %dma_start3A_210 = tpu.memref_slice %arg17[%dma_start3A_208, %dma_start3A_209] : memref<10000x40xf32, #tpu.memory_space<vmem_shared>> -> memref<10000x40xf32, #tpu.memory_space<vmem_shared>>
      tpu.enqueue_indirect_dma source(%arg16 : memref<125x40xf32, #tpu.memory_space<vmem>>) target(%dma_start3A_210 : memref<10000x40xf32, #tpu.memory_space<vmem_shared>>) offsets(%dma_start3A_207 : memref<125xi32, #tpu.memory_space<vmem>>) semaphore(%arg33 : memref<!tpu.dma_semaphore, #tpu.memory_space<semaphore_mem>>) {add = true}
      %add3A_211 = arith.constant 0 : i32
      %add3A_212 = arith.addi %mul3A_83, %add3A_211 : i32
      %dma_wait3A_213 = arith.constant 0 : i32
      %dma_wait3A_214 = tpu.memref_slice %arg8[%add3A_212, %dma_wait3A_213] : memref<80x125xi32, #tpu.memory_space<vmem>> -> memref<1x125xi32, #tpu.memory_space<vmem>>
      %dma_wait3A_215 = tpu.memref_squeeze %dma_wait3A_214 : memref<1x125xi32, #tpu.memory_space<vmem>> -> memref<125xi32, #tpu.memory_space<vmem>>
      %dma_wait3A_216 = arith.constant 0 : i32
      %dma_wait3A_217 = arith.constant 0 : i32
      %dma_wait3A_218 = tpu.memref_slice %arg17[%dma_wait3A_216, %dma_wait3A_217] : memref<10000x40xf32, #tpu.memory_space<vmem_shared>> -> memref<10000x40xf32, #tpu.memory_space<vmem_shared>>
      tpu.wait_indirect_dma semaphore(%arg26 : memref<!tpu.dma_semaphore, #tpu.memory_space<semaphore_mem>>) src(%arg9 : memref<125x40xf32, #tpu.memory_space<vmem>>) dst(%dma_wait3A_218 : memref<10000x40xf32, #tpu.memory_space<vmem_shared>>)
      %lt3A_219 = arith.constant 9 : i32
      %lt3A_220 = arith.cmpi slt, %scan3A_81, %lt3A_219 : i32
      %convert_element_type3A_221 = arith.extui %lt3A_220 : i1 to i32
      %cond3A_222 = arith.constant 0 : i32
      %cond3A_223 = arith.cmpi ne, %convert_element_type3A_221, %cond3A_222 : i32
      scf.if %cond3A_223 {
        %add3A_315 = arith.constant 8 : i32
        %add3A_316 = arith.addi %mul3A_83, %add3A_315 : i32
        %add3A_317 = arith.constant 0 : i32
        %add3A_318 = arith.addi %add3A_316, %add3A_317 : i32
        %dma_start3A_319 = arith.constant 0 : i32
        %dma_start3A_320 = tpu.memref_slice %arg7[%add3A_318, %dma_start3A_319] : memref<80x125xi32, #tpu.memory_space<vmem>> -> memref<1x125xi32, #tpu.memory_space<vmem>>
        %dma_start3A_321 = tpu.memref_squeeze %dma_start3A_320 : memref<1x125xi32, #tpu.memory_space<vmem>> -> memref<125xi32, #tpu.memory_space<vmem>>
        %dma_start3A_322 = arith.constant 0 : i32
        %dma_start3A_323 = arith.constant 0 : i32
        %dma_start3A_324 = tpu.memref_slice %arg2[%dma_start3A_322, %dma_start3A_323] : memref<10000x40xf32, #tpu.memory_space<hbm>> -> memref<10000x40xf32, #tpu.memory_space<hbm>>
        tpu.enqueue_indirect_dma source(%dma_start3A_324 : memref<10000x40xf32, #tpu.memory_space<hbm>>) target(%arg9 : memref<125x40xf32, #tpu.memory_space<vmem>>) offsets(%dma_start3A_321 : memref<125xi32, #tpu.memory_space<vmem>>) semaphore(%arg18 : memref<!tpu.dma_semaphore, #tpu.memory_space<semaphore_mem>>)
      } else {
      }
      %add3A_224 = arith.constant 1 : i32
      %add3A_225 = arith.addi %mul3A_83, %add3A_224 : i32
      %dma_wait3A_226 = arith.constant 0 : i32
      %dma_wait3A_227 = tpu.memref_slice %arg8[%add3A_225, %dma_wait3A_226] : memref<80x125xi32, #tpu.memory_space<vmem>> -> memref<1x125xi32, #tpu.memory_space<vmem>>
      %dma_wait3A_228 = tpu.memref_squeeze %dma_wait3A_227 : memref<1x125xi32, #tpu.memory_space<vmem>> -> memref<125xi32, #tpu.memory_space<vmem>>
      %dma_wait3A_229 = arith.constant 0 : i32
      %dma_wait3A_230 = arith.constant 0 : i32
      %dma_wait3A_231 = tpu.memref_slice %arg17[%dma_wait3A_229, %dma_wait3A_230] : memref<10000x40xf32, #tpu.memory_space<vmem_shared>> -> memref<10000x40xf32, #tpu.memory_space<vmem_shared>>
      tpu.wait_indirect_dma semaphore(%arg27 : memref<!tpu.dma_semaphore, #tpu.memory_space<semaphore_mem>>) src(%arg10 : memref<125x40xf32, #tpu.memory_space<vmem>>) dst(%dma_wait3A_231 : memref<10000x40xf32, #tpu.memory_space<vmem_shared>>)
      %lt3A_232 = arith.constant 9 : i32
      %lt3A_233 = arith.cmpi slt, %scan3A_81, %lt3A_232 : i32
      %convert_element_type3A_234 = arith.extui %lt3A_233 : i1 to i32
      %cond3A_235 = arith.constant 0 : i32
      %cond3A_236 = arith.cmpi ne, %convert_element_type3A_234, %cond3A_235 : i32
      scf.if %cond3A_236 {
        %add3A_315 = arith.constant 8 : i32
        %add3A_316 = arith.addi %mul3A_83, %add3A_315 : i32
        %add3A_317 = arith.constant 1 : i32
        %add3A_318 = arith.addi %add3A_316, %add3A_317 : i32
        %dma_start3A_319 = arith.constant 0 : i32
        %dma_start3A_320 = tpu.memref_slice %arg7[%add3A_318, %dma_start3A_319] : memref<80x125xi32, #tpu.memory_space<vmem>> -> memref<1x125xi32, #tpu.memory_space<vmem>>
        %dma_start3A_321 = tpu.memref_squeeze %dma_start3A_320 : memref<1x125xi32, #tpu.memory_space<vmem>> -> memref<125xi32, #tpu.memory_space<vmem>>
        %dma_start3A_322 = arith.constant 0 : i32
        %dma_start3A_323 = arith.constant 0 : i32
        %dma_start3A_324 = tpu.memref_slice %arg2[%dma_start3A_322, %dma_start3A_323] : memref<10000x40xf32, #tpu.memory_space<hbm>> -> memref<10000x40xf32, #tpu.memory_space<hbm>>
        tpu.enqueue_indirect_dma source(%dma_start3A_324 : memref<10000x40xf32, #tpu.memory_space<hbm>>) target(%arg10 : memref<125x40xf32, #tpu.memory_space<vmem>>) offsets(%dma_start3A_321 : memref<125xi32, #tpu.memory_space<vmem>>) semaphore(%arg19 : memref<!tpu.dma_semaphore, #tpu.memory_space<semaphore_mem>>)
      } else {
      }
      %add3A_237 = arith.constant 2 : i32
      %add3A_238 = arith.addi %mul3A_83, %add3A_237 : i32
      %dma_wait3A_239 = arith.constant 0 : i32
      %dma_wait3A_240 = tpu.memref_slice %arg8[%add3A_238, %dma_wait3A_239] : memref<80x125xi32, #tpu.memory_space<vmem>> -> memref<1x125xi32, #tpu.memory_space<vmem>>
      %dma_wait3A_241 = tpu.memref_squeeze %dma_wait3A_240 : memref<1x125xi32, #tpu.memory_space<vmem>> -> memref<125xi32, #tpu.memory_space<vmem>>
      %dma_wait3A_242 = arith.constant 0 : i32
      %dma_wait3A_243 = arith.constant 0 : i32
      %dma_wait3A_244 = tpu.memref_slice %arg17[%dma_wait3A_242, %dma_wait3A_243] : memref<10000x40xf32, #tpu.memory_space<vmem_shared>> -> memref<10000x40xf32, #tpu.memory_space<vmem_shared>>
      tpu.wait_indirect_dma semaphore(%arg28 : memref<!tpu.dma_semaphore, #tpu.memory_space<semaphore_mem>>) src(%arg11 : memref<125x40xf32, #tpu.memory_space<vmem>>) dst(%dma_wait3A_244 : memref<10000x40xf32, #tpu.memory_space<vmem_shared>>)
      %lt3A_245 = arith.constant 9 : i32
      %lt3A_246 = arith.cmpi slt, %scan3A_81, %lt3A_245 : i32
      %convert_element_type3A_247 = arith.extui %lt3A_246 : i1 to i32
      %cond3A_248 = arith.constant 0 : i32
      %cond3A_249 = arith.cmpi ne, %convert_element_type3A_247, %cond3A_248 : i32
      scf.if %cond3A_249 {
        %add3A_315 = arith.constant 8 : i32
        %add3A_316 = arith.addi %mul3A_83, %add3A_315 : i32
        %add3A_317 = arith.constant 2 : i32
        %add3A_318 = arith.addi %add3A_316, %add3A_317 : i32
        %dma_start3A_319 = arith.constant 0 : i32
        %dma_start3A_320 = tpu.memref_slice %arg7[%add3A_318, %dma_start3A_319] : memref<80x125xi32, #tpu.memory_space<vmem>> -> memref<1x125xi32, #tpu.memory_space<vmem>>
        %dma_start3A_321 = tpu.memref_squeeze %dma_start3A_320 : memref<1x125xi32, #tpu.memory_space<vmem>> -> memref<125xi32, #tpu.memory_space<vmem>>
        %dma_start3A_322 = arith.constant 0 : i32
        %dma_start3A_323 = arith.constant 0 : i32
        %dma_start3A_324 = tpu.memref_slice %arg2[%dma_start3A_322, %dma_start3A_323] : memref<10000x40xf32, #tpu.memory_space<hbm>> -> memref<10000x40xf32, #tpu.memory_space<hbm>>
        tpu.enqueue_indirect_dma source(%dma_start3A_324 : memref<10000x40xf32, #tpu.memory_space<hbm>>) target(%arg11 : memref<125x40xf32, #tpu.memory_space<vmem>>) offsets(%dma_start3A_321 : memref<125xi32, #tpu.memory_space<vmem>>) semaphore(%arg20 : memref<!tpu.dma_semaphore, #tpu.memory_space<semaphore_mem>>)
      } else {
      }
      %add3A_250 = arith.constant 3 : i32
      %add3A_251 = arith.addi %mul3A_83, %add3A_250 : i32
      %dma_wait3A_252 = arith.constant 0 : i32
      %dma_wait3A_253 = tpu.memref_slice %arg8[%add3A_251, %dma_wait3A_252] : memref<80x125xi32, #tpu.memory_space<vmem>> -> memref<1x125xi32, #tpu.memory_space<vmem>>
      %dma_wait3A_254 = tpu.memref_squeeze %dma_wait3A_253 : memref<1x125xi32, #tpu.memory_space<vmem>> -> memref<125xi32, #tpu.memory_space<vmem>>
      %dma_wait3A_255 = arith.constant 0 : i32
      %dma_wait3A_256 = arith.constant 0 : i32
      %dma_wait3A_257 = tpu.memref_slice %arg17[%dma_wait3A_255, %dma_wait3A_256] : memref<10000x40xf32, #tpu.memory_space<vmem_shared>> -> memref<10000x40xf32, #tpu.memory_space<vmem_shared>>
      tpu.wait_indirect_dma semaphore(%arg29 : memref<!tpu.dma_semaphore, #tpu.memory_space<semaphore_mem>>) src(%arg12 : memref<125x40xf32, #tpu.memory_space<vmem>>) dst(%dma_wait3A_257 : memref<10000x40xf32, #tpu.memory_space<vmem_shared>>)
      %lt3A_258 = arith.constant 9 : i32
      %lt3A_259 = arith.cmpi slt, %scan3A_81, %lt3A_258 : i32
      %convert_element_type3A_260 = arith.extui %lt3A_259 : i1 to i32
      %cond3A_261 = arith.constant 0 : i32
      %cond3A_262 = arith.cmpi ne, %convert_element_type3A_260, %cond3A_261 : i32
      scf.if %cond3A_262 {
        %add3A_315 = arith.constant 8 : i32
        %add3A_316 = arith.addi %mul3A_83, %add3A_315 : i32
        %add3A_317 = arith.constant 3 : i32
        %add3A_318 = arith.addi %add3A_316, %add3A_317 : i32
        %dma_start3A_319 = arith.constant 0 : i32
        %dma_start3A_320 = tpu.memref_slice %arg7[%add3A_318, %dma_start3A_319] : memref<80x125xi32, #tpu.memory_space<vmem>> -> memref<1x125xi32, #tpu.memory_space<vmem>>
        %dma_start3A_321 = tpu.memref_squeeze %dma_start3A_320 : memref<1x125xi32, #tpu.memory_space<vmem>> -> memref<125xi32, #tpu.memory_space<vmem>>
        %dma_start3A_322 = arith.constant 0 : i32
        %dma_start3A_323 = arith.constant 0 : i32
        %dma_start3A_324 = tpu.memref_slice %arg2[%dma_start3A_322, %dma_start3A_323] : memref<10000x40xf32, #tpu.memory_space<hbm>> -> memref<10000x40xf32, #tpu.memory_space<hbm>>
        tpu.enqueue_indirect_dma source(%dma_start3A_324 : memref<10000x40xf32, #tpu.memory_space<hbm>>) target(%arg12 : memref<125x40xf32, #tpu.memory_space<vmem>>) offsets(%dma_start3A_321 : memref<125xi32, #tpu.memory_space<vmem>>) semaphore(%arg21 : memref<!tpu.dma_semaphore, #tpu.memory_space<semaphore_mem>>)
      } else {
      }
      %add3A_263 = arith.constant 4 : i32
      %add3A_264 = arith.addi %mul3A_83, %add3A_263 : i32
      %dma_wait3A_265 = arith.constant 0 : i32
      %dma_wait3A_266 = tpu.memref_slice %arg8[%add3A_264, %dma_wait3A_265] : memref<80x125xi32, #tpu.memory_space<vmem>> -> memref<1x125xi32, #tpu.memory_space<vmem>>
      %dma_wait3A_267 = tpu.memref_squeeze %dma_wait3A_266 : memref<1x125xi32, #tpu.memory_space<vmem>> -> memref<125xi32, #tpu.memory_space<vmem>>
      %dma_wait3A_268 = arith.constant 0 : i32
      %dma_wait3A_269 = arith.constant 0 : i32
      %dma_wait3A_270 = tpu.memref_slice %arg17[%dma_wait3A_268, %dma_wait3A_269] : memref<10000x40xf32, #tpu.memory_space<vmem_shared>> -> memref<10000x40xf32, #tpu.memory_space<vmem_shared>>
      tpu.wait_indirect_dma semaphore(%arg30 : memref<!tpu.dma_semaphore, #tpu.memory_space<semaphore_mem>>) src(%arg13 : memref<125x40xf32, #tpu.memory_space<vmem>>) dst(%dma_wait3A_270 : memref<10000x40xf32, #tpu.memory_space<vmem_shared>>)
      %lt3A_271 = arith.constant 9 : i32
      %lt3A_272 = arith.cmpi slt, %scan3A_81, %lt3A_271 : i32
      %convert_element_type3A_273 = arith.extui %lt3A_272 : i1 to i32
      %cond3A_274 = arith.constant 0 : i32
      %cond3A_275 = arith.cmpi ne, %convert_element_type3A_273, %cond3A_274 : i32
      scf.if %cond3A_275 {
        %add3A_315 = arith.constant 8 : i32
        %add3A_316 = arith.addi %mul3A_83, %add3A_315 : i32
        %add3A_317 = arith.constant 4 : i32
        %add3A_318 = arith.addi %add3A_316, %add3A_317 : i32
        %dma_start3A_319 = arith.constant 0 : i32
        %dma_start3A_320 = tpu.memref_slice %arg7[%add3A_318, %dma_start3A_319] : memref<80x125xi32, #tpu.memory_space<vmem>> -> memref<1x125xi32, #tpu.memory_space<vmem>>
        %dma_start3A_321 = tpu.memref_squeeze %dma_start3A_320 : memref<1x125xi32, #tpu.memory_space<vmem>> -> memref<125xi32, #tpu.memory_space<vmem>>
        %dma_start3A_322 = arith.constant 0 : i32
        %dma_start3A_323 = arith.constant 0 : i32
        %dma_start3A_324 = tpu.memref_slice %arg2[%dma_start3A_322, %dma_start3A_323] : memref<10000x40xf32, #tpu.memory_space<hbm>> -> memref<10000x40xf32, #tpu.memory_space<hbm>>
        tpu.enqueue_indirect_dma source(%dma_start3A_324 : memref<10000x40xf32, #tpu.memory_space<hbm>>) target(%arg13 : memref<125x40xf32, #tpu.memory_space<vmem>>) offsets(%dma_start3A_321 : memref<125xi32, #tpu.memory_space<vmem>>) semaphore(%arg22 : memref<!tpu.dma_semaphore, #tpu.memory_space<semaphore_mem>>)
      } else {
      }
      %add3A_276 = arith.constant 5 : i32
      %add3A_277 = arith.addi %mul3A_83, %add3A_276 : i32
      %dma_wait3A_278 = arith.constant 0 : i32
      %dma_wait3A_279 = tpu.memref_slice %arg8[%add3A_277, %dma_wait3A_278] : memref<80x125xi32, #tpu.memory_space<vmem>> -> memref<1x125xi32, #tpu.memory_space<vmem>>
      %dma_wait3A_280 = tpu.memref_squeeze %dma_wait3A_279 : memref<1x125xi32, #tpu.memory_space<vmem>> -> memref<125xi32, #tpu.memory_space<vmem>>
      %dma_wait3A_281 = arith.constant 0 : i32
      %dma_wait3A_282 = arith.constant 0 : i32
      %dma_wait3A_283 = tpu.memref_slice %arg17[%dma_wait3A_281, %dma_wait3A_282] : memref<10000x40xf32, #tpu.memory_space<vmem_shared>> -> memref<10000x40xf32, #tpu.memory_space<vmem_shared>>
      tpu.wait_indirect_dma semaphore(%arg31 : memref<!tpu.dma_semaphore, #tpu.memory_space<semaphore_mem>>) src(%arg14 : memref<125x40xf32, #tpu.memory_space<vmem>>) dst(%dma_wait3A_283 : memref<10000x40xf32, #tpu.memory_space<vmem_shared>>)
      %lt3A_284 = arith.constant 9 : i32
      %lt3A_285 = arith.cmpi slt, %scan3A_81, %lt3A_284 : i32
      %convert_element_type3A_286 = arith.extui %lt3A_285 : i1 to i32
      %cond3A_287 = arith.constant 0 : i32
      %cond3A_288 = arith.cmpi ne, %convert_element_type3A_286, %cond3A_287 : i32
      scf.if %cond3A_288 {
        %add3A_315 = arith.constant 8 : i32
        %add3A_316 = arith.addi %mul3A_83, %add3A_315 : i32
        %add3A_317 = arith.constant 5 : i32
        %add3A_318 = arith.addi %add3A_316, %add3A_317 : i32
        %dma_start3A_319 = arith.constant 0 : i32
        %dma_start3A_320 = tpu.memref_slice %arg7[%add3A_318, %dma_start3A_319] : memref<80x125xi32, #tpu.memory_space<vmem>> -> memref<1x125xi32, #tpu.memory_space<vmem>>
        %dma_start3A_321 = tpu.memref_squeeze %dma_start3A_320 : memref<1x125xi32, #tpu.memory_space<vmem>> -> memref<125xi32, #tpu.memory_space<vmem>>
        %dma_start3A_322 = arith.constant 0 : i32
        %dma_start3A_323 = arith.constant 0 : i32
        %dma_start3A_324 = tpu.memref_slice %arg2[%dma_start3A_322, %dma_start3A_323] : memref<10000x40xf32, #tpu.memory_space<hbm>> -> memref<10000x40xf32, #tpu.memory_space<hbm>>
        tpu.enqueue_indirect_dma source(%dma_start3A_324 : memref<10000x40xf32, #tpu.memory_space<hbm>>) target(%arg14 : memref<125x40xf32, #tpu.memory_space<vmem>>) offsets(%dma_start3A_321 : memref<125xi32, #tpu.memory_space<vmem>>) semaphore(%arg23 : memref<!tpu.dma_semaphore, #tpu.memory_space<semaphore_mem>>)
      } else {
      }
      %add3A_289 = arith.constant 6 : i32
      %add3A_290 = arith.addi %mul3A_83, %add3A_289 : i32
      %dma_wait3A_291 = arith.constant 0 : i32
      %dma_wait3A_292 = tpu.memref_slice %arg8[%add3A_290, %dma_wait3A_291] : memref<80x125xi32, #tpu.memory_space<vmem>> -> memref<1x125xi32, #tpu.memory_space<vmem>>
      %dma_wait3A_293 = tpu.memref_squeeze %dma_wait3A_292 : memref<1x125xi32, #tpu.memory_space<vmem>> -> memref<125xi32, #tpu.memory_space<vmem>>
      %dma_wait3A_294 = arith.constant 0 : i32
      %dma_wait3A_295 = arith.constant 0 : i32
      %dma_wait3A_296 = tpu.memref_slice %arg17[%dma_wait3A_294, %dma_wait3A_295] : memref<10000x40xf32, #tpu.memory_space<vmem_shared>> -> memref<10000x40xf32, #tpu.memory_space<vmem_shared>>
      tpu.wait_indirect_dma semaphore(%arg32 : memref<!tpu.dma_semaphore, #tpu.memory_space<semaphore_mem>>) src(%arg15 : memref<125x40xf32, #tpu.memory_space<vmem>>) dst(%dma_wait3A_296 : memref<10000x40xf32, #tpu.memory_space<vmem_shared>>)
      %lt3A_297 = arith.constant 9 : i32
      %lt3A_298 = arith.cmpi slt, %scan3A_81, %lt3A_297 : i32
      %convert_element_type3A_299 = arith.extui %lt3A_298 : i1 to i32
      %cond3A_300 = arith.constant 0 : i32
      %cond3A_301 = arith.cmpi ne, %convert_element_type3A_299, %cond3A_300 : i32
      scf.if %cond3A_301 {
        %add3A_315 = arith.constant 8 : i32
        %add3A_316 = arith.addi %mul3A_83, %add3A_315 : i32
        %add3A_317 = arith.constant 6 : i32
        %add3A_318 = arith.addi %add3A_316, %add3A_317 : i32
        %dma_start3A_319 = arith.constant 0 : i32
        %dma_start3A_320 = tpu.memref_slice %arg7[%add3A_318, %dma_start3A_319] : memref<80x125xi32, #tpu.memory_space<vmem>> -> memref<1x125xi32, #tpu.memory_space<vmem>>
        %dma_start3A_321 = tpu.memref_squeeze %dma_start3A_320 : memref<1x125xi32, #tpu.memory_space<vmem>> -> memref<125xi32, #tpu.memory_space<vmem>>
        %dma_start3A_322 = arith.constant 0 : i32
        %dma_start3A_323 = arith.constant 0 : i32
        %dma_start3A_324 = tpu.memref_slice %arg2[%dma_start3A_322, %dma_start3A_323] : memref<10000x40xf32, #tpu.memory_space<hbm>> -> memref<10000x40xf32, #tpu.memory_space<hbm>>
        tpu.enqueue_indirect_dma source(%dma_start3A_324 : memref<10000x40xf32, #tpu.memory_space<hbm>>) target(%arg15 : memref<125x40xf32, #tpu.memory_space<vmem>>) offsets(%dma_start3A_321 : memref<125xi32, #tpu.memory_space<vmem>>) semaphore(%arg24 : memref<!tpu.dma_semaphore, #tpu.memory_space<semaphore_mem>>)
      } else {
      }
      %add3A_302 = arith.constant 7 : i32
      %add3A_303 = arith.addi %mul3A_83, %add3A_302 : i32
      %dma_wait3A_304 = arith.constant 0 : i32
      %dma_wait3A_305 = tpu.memref_slice %arg8[%add3A_303, %dma_wait3A_304] : memref<80x125xi32, #tpu.memory_space<vmem>> -> memref<1x125xi32, #tpu.memory_space<vmem>>
      %dma_wait3A_306 = tpu.memref_squeeze %dma_wait3A_305 : memref<1x125xi32, #tpu.memory_space<vmem>> -> memref<125xi32, #tpu.memory_space<vmem>>
      %dma_wait3A_307 = arith.constant 0 : i32
      %dma_wait3A_308 = arith.constant 0 : i32
      %dma_wait3A_309 = tpu.memref_slice %arg17[%dma_wait3A_307, %dma_wait3A_308] : memref<10000x40xf32, #tpu.memory_space<vmem_shared>> -> memref<10000x40xf32, #tpu.memory_space<vmem_shared>>
      tpu.wait_indirect_dma semaphore(%arg33 : memref<!tpu.dma_semaphore, #tpu.memory_space<semaphore_mem>>) src(%arg16 : memref<125x40xf32, #tpu.memory_space<vmem>>) dst(%dma_wait3A_309 : memref<10000x40xf32, #tpu.memory_space<vmem_shared>>)
      %lt3A_310 = arith.constant 9 : i32
      %lt3A_311 = arith.cmpi slt, %scan3A_81, %lt3A_310 : i32
      %convert_element_type3A_312 = arith.extui %lt3A_311 : i1 to i32
      %cond3A_313 = arith.constant 0 : i32
      %cond3A_314 = arith.cmpi ne, %convert_element_type3A_312, %cond3A_313 : i32
      scf.if %cond3A_314 {
        %add3A_315 = arith.constant 8 : i32
        %add3A_316 = arith.addi %mul3A_83, %add3A_315 : i32
        %add3A_317 = arith.constant 7 : i32
        %add3A_318 = arith.addi %add3A_316, %add3A_317 : i32
        %dma_start3A_319 = arith.constant 0 : i32
        %dma_start3A_320 = tpu.memref_slice %arg7[%add3A_318, %dma_start3A_319] : memref<80x125xi32, #tpu.memory_space<vmem>> -> memref<1x125xi32, #tpu.memory_space<vmem>>
        %dma_start3A_321 = tpu.memref_squeeze %dma_start3A_320 : memref<1x125xi32, #tpu.memory_space<vmem>> -> memref<125xi32, #tpu.memory_space<vmem>>
        %dma_start3A_322 = arith.constant 0 : i32
        %dma_start3A_323 = arith.constant 0 : i32
        %dma_start3A_324 = tpu.memref_slice %arg2[%dma_start3A_322, %dma_start3A_323] : memref<10000x40xf32, #tpu.memory_space<hbm>> -> memref<10000x40xf32, #tpu.memory_space<hbm>>
        tpu.enqueue_indirect_dma source(%dma_start3A_324 : memref<10000x40xf32, #tpu.memory_space<hbm>>) target(%arg16 : memref<125x40xf32, #tpu.memory_space<vmem>>) offsets(%dma_start3A_321 : memref<125xi32, #tpu.memory_space<vmem>>) semaphore(%arg25 : memref<!tpu.dma_semaphore, #tpu.memory_space<semaphore_mem>>)
      } else {
      }
    }
    %scan3A_69 = arith.constant 10 : i32
    %barrier3A_70 = arith.constant 0 : index
    tpu.barrier barrier_id(%barrier3A_70)
    %lt3A_71 = arith.constant 15 : i32
    %lt3A_72 = arith.cmpi slt, %arg1, %lt3A_71 : i32
    %convert_element_type3A_73 = arith.extui %lt3A_72 : i1 to i32
    %cond3A_74 = arith.constant 0 : i32
    %cond3A_75 = arith.cmpi ne, %convert_element_type3A_73, %cond3A_74 : i32
    scf.if %cond3A_75 {
      %mul3A_81 = arith.constant 640 : i32
      %mul3A_82 = arith.muli %arg1, %mul3A_81 : i32
      %multiple_of3A = tpu.assume_multiple %mul3A_82, 8 : i32
      "tpu.region"() ({
        %run_scoped3A = tpu.sem_alloc : memref<!tpu.dma_semaphore, #tpu.memory_space<semaphore_mem>>
        %dma_start3A_83 = arith.constant 0 : i32
        %dma_start3A_84 = tpu.memref_slice %arg6[%arg0, %multiple_of3A, %dma_start3A_83] : memref<2x10000x40xf32, #tpu.memory_space<hbm>> -> memref<1x640x40xf32, #tpu.memory_space<hbm>>
        %dma_start3A_85 = tpu.memref_squeeze %dma_start3A_84 : memref<1x640x40xf32, #tpu.memory_space<hbm>> -> memref<640x40xf32, #tpu.memory_space<hbm>>
        %dma_start3A_86 = arith.constant 0 : i32
        %dma_start3A_87 = tpu.memref_slice %arg17[%multiple_of3A, %dma_start3A_86] : memref<10000x40xf32, #tpu.memory_space<vmem_shared>> -> memref<640x40xf32, #tpu.memory_space<vmem_shared>>
        tpu.enqueue_dma source(%dma_start3A_87 : memref<640x40xf32, #tpu.memory_space<vmem_shared>>) target(%dma_start3A_85 : memref<640x40xf32, #tpu.memory_space<hbm>>) target_semaphore(%run_scoped3A : memref<!tpu.dma_semaphore, #tpu.memory_space<semaphore_mem>>)
        %dma_wait3A = arith.constant 0 : i32
        %dma_wait3A_88 = tpu.memref_slice %arg6[%arg0, %multiple_of3A, %dma_wait3A] : memref<2x10000x40xf32, #tpu.memory_space<hbm>> -> memref<1x640x40xf32, #tpu.memory_space<hbm>>
        %dma_wait3A_89 = tpu.memref_squeeze %dma_wait3A_88 : memref<1x640x40xf32, #tpu.memory_space<hbm>> -> memref<640x40xf32, #tpu.memory_space<hbm>>
        %dma_wait3A_90 = arith.constant 0 : i32
        %dma_wait3A_91 = tpu.memref_slice %arg17[%multiple_of3A, %dma_wait3A_90] : memref<10000x40xf32, #tpu.memory_space<vmem_shared>> -> memref<640x40xf32, #tpu.memory_space<vmem_shared>>
        tpu.wait_dma2 semaphore(%run_scoped3A : memref<!tpu.dma_semaphore, #tpu.memory_space<semaphore_mem>>) src(%dma_wait3A_91 : memref<640x40xf32, #tpu.memory_space<vmem_shared>>) dst(%dma_wait3A_89 : memref<640x40xf32, #tpu.memory_space<hbm>>)
        tpu.yield
      }) : () -> ()
    } else {
    }
    %eq3A_76 = arith.constant 15 : i32
    %eq3A_77 = arith.cmpi eq, %arg1, %eq3A_76 : i32
    %convert_element_type3A_78 = arith.extui %eq3A_77 : i1 to i32
    %cond3A_79 = arith.constant 0 : i32
    %cond3A_80 = arith.cmpi ne, %convert_element_type3A_78, %cond3A_79 : i32
    scf.if %cond3A_80 {
      "tpu.region"() ({
        %run_scoped3A = tpu.sem_alloc : memref<!tpu.dma_semaphore, #tpu.memory_space<semaphore_mem>>
        %dma_start3A_81 = arith.constant 9600 : i32
        %dma_start3A_82 = arith.constant 0 : i32
        %dma_start3A_83 = tpu.memref_slice %arg6[%arg0, %dma_start3A_81, %dma_start3A_82] : memref<2x10000x40xf32, #tpu.memory_space<hbm>> -> memref<1x400x40xf32, #tpu.memory_space<hbm>>
        %dma_start3A_84 = tpu.memref_squeeze %dma_start3A_83 : memref<1x400x40xf32, #tpu.memory_space<hbm>> -> memref<400x40xf32, #tpu.memory_space<hbm>>
        %dma_start3A_85 = arith.constant 9600 : i32
        %dma_start3A_86 = arith.constant 0 : i32
        %dma_start3A_87 = tpu.memref_slice %arg17[%dma_start3A_85, %dma_start3A_86] : memref<10000x40xf32, #tpu.memory_space<vmem_shared>> -> memref<400x40xf32, #tpu.memory_space<vmem_shared>>
        tpu.enqueue_dma source(%dma_start3A_87 : memref<400x40xf32, #tpu.memory_space<vmem_shared>>) target(%dma_start3A_84 : memref<400x40xf32, #tpu.memory_space<hbm>>) target_semaphore(%run_scoped3A : memref<!tpu.dma_semaphore, #tpu.memory_space<semaphore_mem>>)
        %dma_wait3A = arith.constant 9600 : i32
        %dma_wait3A_88 = arith.constant 0 : i32
        %dma_wait3A_89 = tpu.memref_slice %arg6[%arg0, %dma_wait3A, %dma_wait3A_88] : memref<2x10000x40xf32, #tpu.memory_space<hbm>> -> memref<1x400x40xf32, #tpu.memory_space<hbm>>
        %dma_wait3A_90 = tpu.memref_squeeze %dma_wait3A_89 : memref<1x400x40xf32, #tpu.memory_space<hbm>> -> memref<400x40xf32, #tpu.memory_space<hbm>>
        %dma_wait3A_91 = arith.constant 9600 : i32
        %dma_wait3A_92 = arith.constant 0 : i32
        %dma_wait3A_93 = tpu.memref_slice %arg17[%dma_wait3A_91, %dma_wait3A_92] : memref<10000x40xf32, #tpu.memory_space<vmem_shared>> -> memref<400x40xf32, #tpu.memory_space<vmem_shared>>
        tpu.wait_dma2 semaphore(%run_scoped3A : memref<!tpu.dma_semaphore, #tpu.memory_space<semaphore_mem>>) src(%dma_wait3A_93 : memref<400x40xf32, #tpu.memory_space<vmem_shared>>) dst(%dma_wait3A_90 : memref<400x40xf32, #tpu.memory_space<hbm>>)
        tpu.yield
      }) : () -> ()
    } else {
    }
    return
  }
}

#map = affine_map<(d0, d1) -> (0)>
module attributes {stable_mosaic.version = 14 : i64} {
  func.func @_deg_body(%arg0: i32, %arg1: i32, %arg2: memref<320000xi32, #tpu.memory_space<hbm>>, %arg3: memref<320000xf32, #tpu.memory_space<hbm>>, %arg4: memref<10000xi32, #tpu.memory_space<vmem>>, %arg5: memref<10000xf32, #tpu.memory_space<vmem>>) attributes {dimension_semantics = [#tpu.dimension_semantics<core_parallel>, #tpu.dimension_semantics<subcore_parallel>], iteration_bounds = array<i64: 2, 16>, scalar_prefetch = 0 : i64, scratch_operands = 2 : i64, tpu.core_type = #tpu.core_type<sc_vector_subcore>, window_params = [{transform_indices = #map}, {transform_indices = #map}]} {
    %mul3A = arith.constant 16 : i32
    %mul3A_0 = arith.muli %arg0, %mul3A : i32
    %add3A = arith.addi %mul3A_0, %arg1 : i32
    %broadcast_in_dim3A = arith.constant 0.000000e+00 : f32
    %broadcast_in_dim3A_1 = vector.broadcast %broadcast_in_dim3A : f32 to vector<16xf32>
    %scan3A = arith.constant 0 : i32
    %scan3A_2 = arith.constant 624 : i32
    %scan3A_3 = arith.addi %scan3A, %scan3A_2 : i32
    %scan3A_4 = arith.constant 8 : i32
    scf.for %scan3A_27 = %scan3A to %scan3A_3 step %scan3A_4  : i32 {
      %mul3A_28 = arith.constant 16 : i32
      %mul3A_29 = arith.muli %scan3A_27, %mul3A_28 : i32
      %swap3A_30 = arith.index_cast %mul3A_29 : i32 to index
      %swap3A_31 = tpu.vector_load %arg5[%swap3A_30] {strides = array<i32>} : memref<10000xf32, #tpu.memory_space<vmem>>, vector<16xf32>,
      tpu.vector_store %arg5[%swap3A_30], %broadcast_in_dim3A_1 {strides = array<i32>} : memref<10000xf32, #tpu.memory_space<vmem>>, vector<16xf32>,
      %scan3A_32 = arith.constant 1 : i32
      %scan3A_33 = arith.addi %scan3A_27, %scan3A_32 : i32
      %mul3A_34 = arith.constant 16 : i32
      %mul3A_35 = arith.muli %scan3A_33, %mul3A_34 : i32
      %swap3A_36 = arith.index_cast %mul3A_35 : i32 to index
      %swap3A_37 = tpu.vector_load %arg5[%swap3A_36] {strides = array<i32>} : memref<10000xf32, #tpu.memory_space<vmem>>, vector<16xf32>,
      tpu.vector_store %arg5[%swap3A_36], %broadcast_in_dim3A_1 {strides = array<i32>} : memref<10000xf32, #tpu.memory_space<vmem>>, vector<16xf32>,
      %scan3A_38 = arith.constant 2 : i32
      %scan3A_39 = arith.addi %scan3A_27, %scan3A_38 : i32
      %mul3A_40 = arith.constant 16 : i32
      %mul3A_41 = arith.muli %scan3A_39, %mul3A_40 : i32
      %swap3A_42 = arith.index_cast %mul3A_41 : i32 to index
      %swap3A_43 = tpu.vector_load %arg5[%swap3A_42] {strides = array<i32>} : memref<10000xf32, #tpu.memory_space<vmem>>, vector<16xf32>,
      tpu.vector_store %arg5[%swap3A_42], %broadcast_in_dim3A_1 {strides = array<i32>} : memref<10000xf32, #tpu.memory_space<vmem>>, vector<16xf32>,
      %scan3A_44 = arith.constant 3 : i32
      %scan3A_45 = arith.addi %scan3A_27, %scan3A_44 : i32
      %mul3A_46 = arith.constant 16 : i32
      %mul3A_47 = arith.muli %scan3A_45, %mul3A_46 : i32
      %swap3A_48 = arith.index_cast %mul3A_47 : i32 to index
      %swap3A_49 = tpu.vector_load %arg5[%swap3A_48] {strides = array<i32>} : memref<10000xf32, #tpu.memory_space<vmem>>, vector<16xf32>,
      tpu.vector_store %arg5[%swap3A_48], %broadcast_in_dim3A_1 {strides = array<i32>} : memref<10000xf32, #tpu.memory_space<vmem>>, vector<16xf32>,
      %scan3A_50 = arith.constant 4 : i32
      %scan3A_51 = arith.addi %scan3A_27, %scan3A_50 : i32
      %mul3A_52 = arith.constant 16 : i32
      %mul3A_53 = arith.muli %scan3A_51, %mul3A_52 : i32
      %swap3A_54 = arith.index_cast %mul3A_53 : i32 to index
      %swap3A_55 = tpu.vector_load %arg5[%swap3A_54] {strides = array<i32>} : memref<10000xf32, #tpu.memory_space<vmem>>, vector<16xf32>,
      tpu.vector_store %arg5[%swap3A_54], %broadcast_in_dim3A_1 {strides = array<i32>} : memref<10000xf32, #tpu.memory_space<vmem>>, vector<16xf32>,
      %scan3A_56 = arith.constant 5 : i32
      %scan3A_57 = arith.addi %scan3A_27, %scan3A_56 : i32
      %mul3A_58 = arith.constant 16 : i32
      %mul3A_59 = arith.muli %scan3A_57, %mul3A_58 : i32
      %swap3A_60 = arith.index_cast %mul3A_59 : i32 to index
      %swap3A_61 = tpu.vector_load %arg5[%swap3A_60] {strides = array<i32>} : memref<10000xf32, #tpu.memory_space<vmem>>, vector<16xf32>,
      tpu.vector_store %arg5[%swap3A_60], %broadcast_in_dim3A_1 {strides = array<i32>} : memref<10000xf32, #tpu.memory_space<vmem>>, vector<16xf32>,
      %scan3A_62 = arith.constant 6 : i32
      %scan3A_63 = arith.addi %scan3A_27, %scan3A_62 : i32
      %mul3A_64 = arith.constant 16 : i32
      %mul3A_65 = arith.muli %scan3A_63, %mul3A_64 : i32
      %swap3A_66 = arith.index_cast %mul3A_65 : i32 to index
      %swap3A_67 = tpu.vector_load %arg5[%swap3A_66] {strides = array<i32>} : memref<10000xf32, #tpu.memory_space<vmem>>, vector<16xf32>,
      tpu.vector_store %arg5[%swap3A_66], %broadcast_in_dim3A_1 {strides = array<i32>} : memref<10000xf32, #tpu.memory_space<vmem>>, vector<16xf32>,
      %scan3A_68 = arith.constant 7 : i32
      %scan3A_69 = arith.addi %scan3A_27, %scan3A_68 : i32
      %mul3A_70 = arith.constant 16 : i32
      %mul3A_71 = arith.muli %scan3A_69, %mul3A_70 : i32
      %swap3A_72 = arith.index_cast %mul3A_71 : i32 to index
      %swap3A_73 = tpu.vector_load %arg5[%swap3A_72] {strides = array<i32>} : memref<10000xf32, #tpu.memory_space<vmem>>, vector<16xf32>,
      tpu.vector_store %arg5[%swap3A_72], %broadcast_in_dim3A_1 {strides = array<i32>} : memref<10000xf32, #tpu.memory_space<vmem>>, vector<16xf32>,
    }
    %scan3A_5 = arith.constant 624 : i32
    %scan3A_6 = arith.addi %scan3A, %scan3A_5 : i32
    %mul3A_7 = arith.constant 16 : i32
    %mul3A_8 = arith.muli %scan3A_6, %mul3A_7 : i32
    %swap3A = arith.index_cast %mul3A_8 : i32 to index
    %swap3A_9 = tpu.vector_load %arg5[%swap3A] {strides = array<i32>} : memref<10000xf32, #tpu.memory_space<vmem>>, vector<16xf32>,
    tpu.vector_store %arg5[%swap3A], %broadcast_in_dim3A_1 {strides = array<i32>} : memref<10000xf32, #tpu.memory_space<vmem>>, vector<16xf32>,
    %scan3A_10 = arith.constant 625 : i32
    %mul3A_11 = arith.constant 10000 : i32
    %mul3A_12 = arith.muli %add3A, %mul3A_11 : i32
    "tpu.region"() ({
      %run_scoped3A = tpu.sem_alloc : memref<!tpu.dma_semaphore, #tpu.memory_space<semaphore_mem>>
      %dma_start3A = tpu.memref_slice %arg2[%mul3A_12] : memref<320000xi32, #tpu.memory_space<hbm>> -> memref<10000xi32, #tpu.memory_space<hbm>>
      %dma_start3A_27 = tpu.memref_slice %arg2[%mul3A_12] : memref<320000xi32, #tpu.memory_space<hbm>> -> memref<10000xi32, #tpu.memory_space<hbm>>
      tpu.enqueue_dma source(%dma_start3A_27 : memref<10000xi32, #tpu.memory_space<hbm>>) target(%arg4 : memref<10000xi32, #tpu.memory_space<vmem>>) target_semaphore(%run_scoped3A : memref<!tpu.dma_semaphore, #tpu.memory_space<semaphore_mem>>)
      %dma_wait3A = tpu.memref_slice %arg2[%mul3A_12] : memref<320000xi32, #tpu.memory_space<hbm>> -> memref<10000xi32, #tpu.memory_space<hbm>>
      %dma_wait3A_28 = tpu.memref_slice %arg2[%mul3A_12] : memref<320000xi32, #tpu.memory_space<hbm>> -> memref<10000xi32, #tpu.memory_space<hbm>>
      tpu.wait_dma2 semaphore(%run_scoped3A : memref<!tpu.dma_semaphore, #tpu.memory_space<semaphore_mem>>) src(%dma_wait3A_28 : memref<10000xi32, #tpu.memory_space<hbm>>) dst(%arg4 : memref<10000xi32, #tpu.memory_space<vmem>>)
      tpu.yield
    }) : () -> ()
    %broadcast_in_dim3A_13 = arith.constant 1.000000e+00 : f32
    %broadcast_in_dim3A_14 = vector.broadcast %broadcast_in_dim3A_13 : f32 to vector<16xf32>
    %scan3A_15 = arith.constant 0 : i32
    %scan3A_16 = arith.constant 624 : i32
    %scan3A_17 = arith.addi %scan3A_15, %scan3A_16 : i32
    %scan3A_18 = arith.constant 4 : i32
    scf.for %scan3A_27 = %scan3A_15 to %scan3A_17 step %scan3A_18  : i32 {
      %mul3A_28 = arith.constant 16 : i32
      %mul3A_29 = arith.muli %scan3A_27, %mul3A_28 : i32
      %get3A_30 = arith.index_cast %mul3A_29 : i32 to index
      %get3A_31 = tpu.vector_load %arg4[%get3A_30] {strides = array<i32>} : memref<10000xi32, #tpu.memory_space<vmem>>, vector<16xi32>,
      tpu.vector_store_idx %arg5[%get3A_31], %broadcast_in_dim3A_14 {add = true} : memref<10000xf32, #tpu.memory_space<vmem>>[vector<16xi32>], vector<16xf32>,
      %scan3A_32 = arith.constant 1 : i32
      %scan3A_33 = arith.addi %scan3A_27, %scan3A_32 : i32
      %mul3A_34 = arith.constant 16 : i32
      %mul3A_35 = arith.muli %scan3A_33, %mul3A_34 : i32
      %get3A_36 = arith.index_cast %mul3A_35 : i32 to index
      %get3A_37 = tpu.vector_load %arg4[%get3A_36] {strides = array<i32>} : memref<10000xi32, #tpu.memory_space<vmem>>, vector<16xi32>,
      tpu.vector_store_idx %arg5[%get3A_37], %broadcast_in_dim3A_14 {add = true} : memref<10000xf32, #tpu.memory_space<vmem>>[vector<16xi32>], vector<16xf32>,
      %scan3A_38 = arith.constant 2 : i32
      %scan3A_39 = arith.addi %scan3A_27, %scan3A_38 : i32
      %mul3A_40 = arith.constant 16 : i32
      %mul3A_41 = arith.muli %scan3A_39, %mul3A_40 : i32
      %get3A_42 = arith.index_cast %mul3A_41 : i32 to index
      %get3A_43 = tpu.vector_load %arg4[%get3A_42] {strides = array<i32>} : memref<10000xi32, #tpu.memory_space<vmem>>, vector<16xi32>,
      tpu.vector_store_idx %arg5[%get3A_43], %broadcast_in_dim3A_14 {add = true} : memref<10000xf32, #tpu.memory_space<vmem>>[vector<16xi32>], vector<16xf32>,
      %scan3A_44 = arith.constant 3 : i32
      %scan3A_45 = arith.addi %scan3A_27, %scan3A_44 : i32
      %mul3A_46 = arith.constant 16 : i32
      %mul3A_47 = arith.muli %scan3A_45, %mul3A_46 : i32
      %get3A_48 = arith.index_cast %mul3A_47 : i32 to index
      %get3A_49 = tpu.vector_load %arg4[%get3A_48] {strides = array<i32>} : memref<10000xi32, #tpu.memory_space<vmem>>, vector<16xi32>,
      tpu.vector_store_idx %arg5[%get3A_49], %broadcast_in_dim3A_14 {add = true} : memref<10000xf32, #tpu.memory_space<vmem>>[vector<16xi32>], vector<16xf32>,
    }
    %scan3A_19 = arith.constant 624 : i32
    %scan3A_20 = arith.addi %scan3A_15, %scan3A_19 : i32
    %mul3A_21 = arith.constant 16 : i32
    %mul3A_22 = arith.muli %scan3A_20, %mul3A_21 : i32
    %get3A = arith.index_cast %mul3A_22 : i32 to index
    %get3A_23 = tpu.vector_load %arg4[%get3A] {strides = array<i32>} : memref<10000xi32, #tpu.memory_space<vmem>>, vector<16xi32>,
    tpu.vector_store_idx %arg5[%get3A_23], %broadcast_in_dim3A_14 {add = true} : memref<10000xf32, #tpu.memory_space<vmem>>[vector<16xi32>], vector<16xf32>,
    %scan3A_24 = arith.constant 625 : i32
    %mul3A_25 = arith.constant 10000 : i32
    %mul3A_26 = arith.muli %add3A, %mul3A_25 : i32
    "tpu.region"() ({
      %run_scoped3A = tpu.sem_alloc : memref<!tpu.dma_semaphore, #tpu.memory_space<semaphore_mem>>
      %dma_start3A = tpu.memref_slice %arg3[%mul3A_26] : memref<320000xf32, #tpu.memory_space<hbm>> -> memref<10000xf32, #tpu.memory_space<hbm>>
      %dma_start3A_27 = tpu.memref_slice %arg3[%mul3A_26] : memref<320000xf32, #tpu.memory_space<hbm>> -> memref<10000xf32, #tpu.memory_space<hbm>>
      tpu.enqueue_dma source(%arg5 : memref<10000xf32, #tpu.memory_space<vmem>>) target(%dma_start3A_27 : memref<10000xf32, #tpu.memory_space<hbm>>) target_semaphore(%run_scoped3A : memref<!tpu.dma_semaphore, #tpu.memory_space<semaphore_mem>>)
      %dma_wait3A = tpu.memref_slice %arg3[%mul3A_26] : memref<320000xf32, #tpu.memory_space<hbm>> -> memref<10000xf32, #tpu.memory_space<hbm>>
      %dma_wait3A_28 = tpu.memref_slice %arg3[%mul3A_26] : memref<320000xf32, #tpu.memory_space<hbm>> -> memref<10000xf32, #tpu.memory_space<hbm>>
      tpu.wait_dma2 semaphore(%run_scoped3A : memref<!tpu.dma_semaphore, #tpu.memory_space<semaphore_mem>>) src(%arg5 : memref<10000xf32, #tpu.memory_space<vmem>>) dst(%dma_wait3A_28 : memref<10000xf32, #tpu.memory_space<hbm>>)
      tpu.yield
    }) : () -> ()
    return
  }
}

module attributes {stable_mosaic.version = 14 : i64} {
  func.func @_z0_body(%arg0: i32, %arg1: memref<1000x32xf32, #tpu.memory_space<vmem>>, %arg2: memref<1000x128xf32, #tpu.memory_space<vmem>>, %arg3: memref<40x128xf32, #tpu.memory_space<vmem>>, %arg4: memref<1000x40xf32, #tpu.memory_space<vmem>>) attributes {dimension_semantics = [#tpu.dimension_semantics<arbitrary>], iteration_bounds = array<i64: 10>, scalar_prefetch = 0 : i64, scratch_operands = 0 : i64, tpu.core_type = #tpu.core_type<tc>, window_params = [{transform_indices = @transform_0, window_bounds = array<i64: 1000, 32>}, {transform_indices = @transform_1, window_bounds = array<i64: 1000, 128>}, {pipeline_mode = #tpu.pipeline_mode<synchronous>, transform_indices = @transform_2, window_bounds = array<i64: 40, 128>}, {transform_indices = @transform_3, window_bounds = array<i64: 1000, 40>}]} {
    %get3A = arith.constant 0 : index
    %get3A_0 = arith.constant 0 : index
    %get3A_1 = vector.load %arg1[%get3A, %get3A_0] : memref<1000x32xf32, #tpu.memory_space<vmem>>, vector<1000x32xf32>
    %reduce_sum3A = arith.constant dense<0.000000e+00> : vector<1000xf32>
    %reduce_sum3A_2 = vector.multi_reduction <add>, %get3A_1, %reduce_sum3A [1] : vector<1000x32xf32> to vector<1000xf32>
    %add3A = arith.constant 1.000000e+00 : f32
    %add3A_3 = vector.broadcast %add3A : f32 to vector<1000xf32>
    %add3A_4 = arith.addf %reduce_sum3A_2, %add3A_3 : vector<1000xf32>
    %rsqrt3A = math.rsqrt %add3A_4 : vector<1000xf32>
    %get3A_5 = arith.constant 0 : index
    %get3A_6 = arith.constant 0 : index
    %get3A_7 = vector.load %arg2[%get3A_5, %get3A_6] : memref<1000x128xf32, #tpu.memory_space<vmem>>, vector<1000x128xf32>
    %get3A_8 = arith.constant 0 : index
    %get3A_9 = arith.constant 0 : index
    %get3A_10 = vector.load %arg3[%get3A_8, %get3A_9] : memref<40x128xf32, #tpu.memory_space<vmem>>, vector<40x128xf32>
    %transpose3A = tpu.transpose %get3A_10, [1, 0] : vector<40x128xf32> -> vector<128x40xf32>
    %dot_general3A = arith.constant dense<0.000000e+00> : vector<1000x40xf32>
    %dot_general3A_11 = tpu.matmul %get3A_7, %transpose3A, %dot_general3A {dimension_numbers = #tpu.dot_dimension_numbers<[1], [0], [0], [1], [0, 0, 1, 1], [], []>, transpose_lhs_hint = false} : vector<1000x128xf32>, vector<128x40xf32>, vector<1000x40xf32> -> vector<1000x40xf32>
    %broadcast_in_dim3A = vector.shape_cast %rsqrt3A : vector<1000xf32> to vector<1000x1xf32>
    %mul3A = vector.broadcast %broadcast_in_dim3A : vector<1000x1xf32> to vector<1000x40xf32>
    %mul3A_12 = arith.mulf %mul3A, %dot_general3A_11 : vector<1000x40xf32>
    %swap3A = arith.constant 0 : index
    %swap3A_13 = arith.constant 0 : index
    %swap3A_14 = vector.load %arg4[%swap3A, %swap3A_13] : memref<1000x40xf32, #tpu.memory_space<vmem>>, vector<1000x40xf32>
    tpu.vector_store %arg4[%swap3A, %swap3A_13], %mul3A_12 {strides = array<i32>} : memref<1000x40xf32, #tpu.memory_space<vmem>>, vector<1000x40xf32>,
    return
  }
  func.func @transform_0(%arg0: i32) -> (i32, i32) {
    %c0_i32 = arith.constant 0 : i32
    %c0_i32_0 = arith.constant 0 : i32
    return %arg0, %c0_i32 : i32, i32
  }
  func.func @transform_1(%arg0: i32) -> (i32, i32) {
    %c0_i32 = arith.constant 0 : i32
    %c0_i32_0 = arith.constant 0 : i32
    return %arg0, %c0_i32 : i32, i32
  }
  func.func @transform_2(%arg0: i32) -> (i32, i32) {
    %c0_i32 = arith.constant 0 : i32
    %c0_i32_0 = arith.constant 0 : i32
    %c0_i32_1 = arith.constant 0 : i32
    return %c0_i32, %c0_i32_0 : i32, i32
  }
  func.func @transform_3(%arg0: i32) -> (i32, i32) {
    %c0_i32 = arith.constant 0 : i32
    %c0_i32_0 = arith.constant 0 : i32
    return %arg0, %c0_i32 : i32, i32
  }
}

module attributes {stable_mosaic.version = 14 : i64} {
  func.func @_scale_body(%arg0: i32, %arg1: memref<1000x32xf32, #tpu.memory_space<vmem>>, %arg2: memref<2x1000x40xf32, #tpu.memory_space<vmem>>, %arg3: memref<1000x40xf32, #tpu.memory_space<vmem>>, %arg4: memref<1000x40xf32, #tpu.memory_space<vmem>>) attributes {dimension_semantics = [#tpu.dimension_semantics<arbitrary>], iteration_bounds = array<i64: 10>, scalar_prefetch = 0 : i64, scratch_operands = 0 : i64, tpu.core_type = #tpu.core_type<tc>, window_params = [{transform_indices = @transform_0, window_bounds = array<i64: 1000, 32>}, {transform_indices = @transform_1, window_bounds = array<i64: 2, 1000, 40>}, {transform_indices = @transform_2, window_bounds = array<i64: 1000, 40>}, {transform_indices = @transform_3, window_bounds = array<i64: 1000, 40>}]} {
    %get3A = arith.constant 0 : index
    %get3A_0 = arith.constant 0 : index
    %get3A_1 = vector.load %arg1[%get3A, %get3A_0] : memref<1000x32xf32, #tpu.memory_space<vmem>>, vector<1000x32xf32>
    %reduce_sum3A = arith.constant dense<0.000000e+00> : vector<1000xf32>
    %reduce_sum3A_2 = vector.multi_reduction <add>, %get3A_1, %reduce_sum3A [1] : vector<1000x32xf32> to vector<1000xf32>
    %add3A = arith.constant 1.000000e+00 : f32
    %add3A_3 = vector.broadcast %add3A : f32 to vector<1000xf32>
    %add3A_4 = arith.addf %reduce_sum3A_2, %add3A_3 : vector<1000xf32>
    %div3A = arith.constant 1.000000e+00 : f32
    %div3A_5 = vector.broadcast %div3A : f32 to vector<1000xf32>
    %div3A_6 = arith.divf %div3A_5, %add3A_4 : vector<1000xf32>
    %broadcast_in_dim3A = vector.shape_cast %div3A_6 : vector<1000xf32> to vector<1000x1xf32>
    %get3A_7 = arith.constant 0 : index
    %get3A_8 = arith.constant 0 : index
    %get3A_9 = arith.constant 0 : index
    %get3A_10 = vector.load %arg2[%get3A_7, %get3A_8, %get3A_9] : memref<2x1000x40xf32, #tpu.memory_space<vmem>>, vector<1x1000x40xf32>
    %get3A_11 = vector.shape_cast %get3A_10 : vector<1x1000x40xf32> to vector<1000x40xf32>
    %get3A_12 = arith.constant 1 : index
    %get3A_13 = arith.constant 0 : index
    %get3A_14 = arith.constant 0 : index
    %get3A_15 = vector.load %arg2[%get3A_12, %get3A_13, %get3A_14] : memref<2x1000x40xf32, #tpu.memory_space<vmem>>, vector<1x1000x40xf32>
    %get3A_16 = vector.shape_cast %get3A_15 : vector<1x1000x40xf32> to vector<1000x40xf32>
    %add3A_17 = arith.addf %get3A_11, %get3A_16 : vector<1000x40xf32>
    %get3A_18 = arith.constant 0 : index
    %get3A_19 = arith.constant 0 : index
    %get3A_20 = vector.load %arg3[%get3A_18, %get3A_19] : memref<1000x40xf32, #tpu.memory_space<vmem>>, vector<1000x40xf32>
    %add3A_21 = arith.addf %add3A_17, %get3A_20 : vector<1000x40xf32>
    %mul3A = vector.broadcast %broadcast_in_dim3A : vector<1000x1xf32> to vector<1000x40xf32>
    %mul3A_22 = arith.mulf %mul3A, %add3A_21 : vector<1000x40xf32>
    %swap3A = arith.constant 0 : index
    %swap3A_23 = arith.constant 0 : index
    %swap3A_24 = vector.load %arg4[%swap3A, %swap3A_23] : memref<1000x40xf32, #tpu.memory_space<vmem>>, vector<1000x40xf32>
    tpu.vector_store %arg4[%swap3A, %swap3A_23], %mul3A_22 {strides = array<i32>} : memref<1000x40xf32, #tpu.memory_space<vmem>>, vector<1000x40xf32>,
    return
  }
  func.func @transform_0(%arg0: i32) -> (i32, i32) {
    %c0_i32 = arith.constant 0 : i32
    %c0_i32_0 = arith.constant 0 : i32
    return %arg0, %c0_i32 : i32, i32
  }
  func.func @transform_1(%arg0: i32) -> (i32, i32, i32) {
    %c0_i32 = arith.constant 0 : i32
    %c0_i32_0 = arith.constant 0 : i32
    %c0_i32_1 = arith.constant 0 : i32
    return %c0_i32, %arg0, %c0_i32_0 : i32, i32, i32
  }
  func.func @transform_2(%arg0: i32) -> (i32, i32) {
    %c0_i32 = arith.constant 0 : i32
    %c0_i32_0 = arith.constant 0 : i32
    return %arg0, %c0_i32 : i32, i32
  }
  func.func @transform_3(%arg0: i32) -> (i32, i32) {
    %c0_i32 = arith.constant 0 : i32
    %c0_i32_0 = arith.constant 0 : i32
    return %arg0, %c0_i32 : i32, i32
  }
}

module attributes {stable_mosaic.version = 14 : i64} {
  func.func @_final_body(%arg0: i32, %arg1: memref<1000x32xf32, #tpu.memory_space<vmem>>, %arg2: memref<2x1000x40xf32, #tpu.memory_space<vmem>>, %arg3: memref<1000x40xf32, #tpu.memory_space<vmem>>, %arg4: memref<1x40xf32, #tpu.memory_space<vmem>>, %arg5: memref<1000x40xf32, #tpu.memory_space<vmem>>) attributes {dimension_semantics = [#tpu.dimension_semantics<arbitrary>], iteration_bounds = array<i64: 10>, scalar_prefetch = 0 : i64, scratch_operands = 0 : i64, tpu.core_type = #tpu.core_type<tc>, window_params = [{transform_indices = @transform_0, window_bounds = array<i64: 1000, 32>}, {transform_indices = @transform_1, window_bounds = array<i64: 2, 1000, 40>}, {transform_indices = @transform_2, window_bounds = array<i64: 1000, 40>}, {pipeline_mode = #tpu.pipeline_mode<synchronous>, transform_indices = @transform_3, window_bounds = array<i64: 1, 40>}, {transform_indices = @transform_4, window_bounds = array<i64: 1000, 40>}]} {
    %get3A = arith.constant 0 : index
    %get3A_0 = arith.constant 0 : index
    %get3A_1 = vector.load %arg1[%get3A, %get3A_0] : memref<1000x32xf32, #tpu.memory_space<vmem>>, vector<1000x32xf32>
    %reduce_sum3A = arith.constant dense<0.000000e+00> : vector<1000xf32>
    %reduce_sum3A_2 = vector.multi_reduction <add>, %get3A_1, %reduce_sum3A [1] : vector<1000x32xf32> to vector<1000xf32>
    %add3A = arith.constant 1.000000e+00 : f32
    %add3A_3 = vector.broadcast %add3A : f32 to vector<1000xf32>
    %add3A_4 = arith.addf %reduce_sum3A_2, %add3A_3 : vector<1000xf32>
    %rsqrt3A = math.rsqrt %add3A_4 : vector<1000xf32>
    %broadcast_in_dim3A = vector.shape_cast %rsqrt3A : vector<1000xf32> to vector<1000x1xf32>
    %get3A_5 = arith.constant 0 : index
    %get3A_6 = arith.constant 0 : index
    %get3A_7 = arith.constant 0 : index
    %get3A_8 = vector.load %arg2[%get3A_5, %get3A_6, %get3A_7] : memref<2x1000x40xf32, #tpu.memory_space<vmem>>, vector<1x1000x40xf32>
    %get3A_9 = vector.shape_cast %get3A_8 : vector<1x1000x40xf32> to vector<1000x40xf32>
    %get3A_10 = arith.constant 1 : index
    %get3A_11 = arith.constant 0 : index
    %get3A_12 = arith.constant 0 : index
    %get3A_13 = vector.load %arg2[%get3A_10, %get3A_11, %get3A_12] : memref<2x1000x40xf32, #tpu.memory_space<vmem>>, vector<1x1000x40xf32>
    %get3A_14 = vector.shape_cast %get3A_13 : vector<1x1000x40xf32> to vector<1000x40xf32>
    %add3A_15 = arith.addf %get3A_9, %get3A_14 : vector<1000x40xf32>
    %get3A_16 = arith.constant 0 : index
    %get3A_17 = arith.constant 0 : index
    %get3A_18 = vector.load %arg3[%get3A_16, %get3A_17] : memref<1000x40xf32, #tpu.memory_space<vmem>>, vector<1000x40xf32>
    %add3A_19 = arith.addf %add3A_15, %get3A_18 : vector<1000x40xf32>
    %mul3A = vector.broadcast %broadcast_in_dim3A : vector<1000x1xf32> to vector<1000x40xf32>
    %mul3A_20 = arith.mulf %mul3A, %add3A_19 : vector<1000x40xf32>
    %get3A_21 = arith.constant 0 : index
    %get3A_22 = arith.constant 0 : index
    %get3A_23 = vector.load %arg4[%get3A_21, %get3A_22] : memref<1x40xf32, #tpu.memory_space<vmem>>, vector<1x40xf32>
    %add3A_24 = vector.broadcast %get3A_23 : vector<1x40xf32> to vector<1000x40xf32>
    %add3A_25 = arith.addf %mul3A_20, %add3A_24 : vector<1000x40xf32>
    %reduce_max3A = arith.constant dense<0xFF800000> : vector<1000xf32>
    %reduce_max3A_26 = vector.multi_reduction <maximumf>, %add3A_25, %reduce_max3A [1] : vector<1000x40xf32> to vector<1000xf32>
    %broadcast_in_dim3A_27 = vector.shape_cast %reduce_max3A_26 : vector<1000xf32> to vector<1000x1xf32>
    %sub3A = vector.broadcast %broadcast_in_dim3A_27 : vector<1000x1xf32> to vector<1000x40xf32>
    %sub3A_28 = arith.subf %add3A_25, %sub3A : vector<1000x40xf32>
    %exp3A = math.exp %sub3A_28 : vector<1000x40xf32>
    %reduce_sum3A_29 = arith.constant dense<0.000000e+00> : vector<1000xf32>
    %reduce_sum3A_30 = vector.multi_reduction <add>, %exp3A, %reduce_sum3A_29 [1] : vector<1000x40xf32> to vector<1000xf32>
    %broadcast_in_dim3A_31 = vector.shape_cast %reduce_sum3A_30 : vector<1000xf32> to vector<1000x1xf32>
    %log3A = math.log %broadcast_in_dim3A_31 : vector<1000x1xf32>
    %sub3A_32 = vector.broadcast %broadcast_in_dim3A_27 : vector<1000x1xf32> to vector<1000x40xf32>
    %sub3A_33 = arith.subf %add3A_25, %sub3A_32 : vector<1000x40xf32>
    %sub3A_34 = vector.broadcast %log3A : vector<1000x1xf32> to vector<1000x40xf32>
    %sub3A_35 = arith.subf %sub3A_33, %sub3A_34 : vector<1000x40xf32>
    %swap3A = arith.constant 0 : index
    %swap3A_36 = arith.constant 0 : index
    %swap3A_37 = vector.load %arg5[%swap3A, %swap3A_36] : memref<1000x40xf32, #tpu.memory_space<vmem>>, vector<1000x40xf32>
    tpu.vector_store %arg5[%swap3A, %swap3A_36], %sub3A_35 {strides = array<i32>} : memref<1000x40xf32, #tpu.memory_space<vmem>>, vector<1000x40xf32>,
    return
  }
  func.func @transform_0(%arg0: i32) -> (i32, i32) {
    %c0_i32 = arith.constant 0 : i32
    %c0_i32_0 = arith.constant 0 : i32
    return %arg0, %c0_i32 : i32, i32
  }
  func.func @transform_1(%arg0: i32) -> (i32, i32, i32) {
    %c0_i32 = arith.constant 0 : i32
    %c0_i32_0 = arith.constant 0 : i32
    %c0_i32_1 = arith.constant 0 : i32
    return %c0_i32, %arg0, %c0_i32_0 : i32, i32, i32
  }
  func.func @transform_2(%arg0: i32) -> (i32, i32) {
    %c0_i32 = arith.constant 0 : i32
    %c0_i32_0 = arith.constant 0 : i32
    return %arg0, %c0_i32 : i32, i32
  }
  func.func @transform_3(%arg0: i32) -> (i32, i32) {
    %c0_i32 = arith.constant 0 : i32
    %c0_i32_0 = arith.constant 0 : i32
    %c0_i32_1 = arith.constant 0 : i32
    return %c0_i32, %c0_i32_0 : i32, i32
  }
  func.func @transform_4(%arg0: i32) -> (i32, i32) {
    %c0_i32 = arith.constant 0 : i32
    %c0_i32_0 = arith.constant 0 : i32
    return %arg0, %c0_i32 : i32, i32
  }
}

</mosaic_0001>

<sc_bundles>
// kernel: kernel.11.cloned.1.call-start
scs
__scs_entry_jumppad:
0x0: {  	(pc) =	sbr.rel $0x88, $3  }
0x1: {  	(tag) =	ssettag $0x0;
	lr =	simm.s32 $0x1  }
0x2: {  	[smem:$0x3F9D] =	sst lr;
	_ =	strace $0xD0000000  }
0x3: {  	_ = 	snop  }
0x4: {  	_ = 	snop  }
0x5: {  	_ = 	snop  }
0x6: {  	_ = 	snop  }
0x7: {  	_ = 	snop  }
__scs_overlays_trampoline_lowered:
0x8: {  	[smem:$0x3FAC] =	sst s0  }
0x9: {  	[smem:$0x3FAD] =	sst s1  }
0xa: {  	[smem:$0x3FAE] =	sst s2  }
0xb: {  	[smem:$0x3FAF] =	sst s3  }
0xc: {  	[smem:$0x3FB0] =	sst s4  }
0xd: {  	[smem:$0x3FB1] =	sst s5  }
0xe: {  	[smem:$0x3FB2] =	sst s6  }
0xf: {  	[smem:$0x3FB3] =	sst s7  }
0x10: {  	[smem:$0x3FB4] =	sst s8  }
0x11: {  	[smem:$0x3FB5] =	sst s9;
	s0 =	simm.s32 @!p0 $0x0  }
0x12: {  	s1 =	sld [smem:$0x3F9B];
	s0 =	simm.s32 @p0 $0x1  }
0x13: {  	[smem:$0x3FB6] =	sst s0;
	s0 =	simm.s32 @!p1 $0x0  }
0x14: {  	s2 =	sld [smem:$0x3F9A];
	s0 =	simm.s32 @p1 $0x1  }
0x15: {  	[smem:$0x3FB7] =	sst s0;
	s0 =	simm.s32 @!p2 $0x0  }
0x16: {  	s3 =	sld [smem:$0x3FDB];
	s0 =	simm.s32 @p2 $0x1  }
0x17: {  	s4 =	simm.s32 $0x1BF5;
	[smem:$0x3FB9] =	sst s0  }
0x18: {  	s0 =	sld [smem:$0x3F9C];
	_ =	swait.ge [sflag:s4], $0x0  }
0x19: {  	s7 =	sld [smem:$0x3F9D]  }
0x1a: {  	s8 =	sadd.s32 $0xFFFFE003, lr  }
0x1b: {  	s9 =	sadd.s32 $0xFFFFFEF7, lr;
	s5 =	simm.s32 $0xFFFFFFFF;
	p2 =	slt.u32 s8, $0xFFFFF086  }
0x1c: {  	p1 =	slt.u32 s9, $0xF7A;
	s5 =	simm.s32 @!p2 $0x0  }
0x1d: {  	s5 =	simm.s32 @p1 $0x1;
	p0 =	seq.s32 s7, s2  }
0x1e: {  	s7 =	smul.u32 @!p0 $0xF7A, s2;
	p2 =	seq.s32 @!p0 s5, $0x0  }
0x1f: {  	s9 =	smul.u32 $0xF7A, s1;
	s8 =	simm.s32 @!p0 $0x1BF5;
	p2 =	por !p2, p0  }
0x20: {  	[sflag:s8] =	ssyncset.s32 @!p0 $0xFFFFF086;
	s6 =	sadd.s32 @!p0 s3, s7;
	s7 =	simm.s32 @!p0 $0x108  }
0x21: {  	s3 =	sadd.s32 s3, s9;
	s6 =	sadd.s32 @!p0 $0x88, s6;
	s7 =	simm.s32 @p2 $0x1082  }
0x22: {  	[simem:s7], [sflag:s8] =	dma.local @!p0 [hbm:s6], $0xF7A  }
0x23: {  	s9 =	sor.u32 $0xD0000000, s2;
	s6 =	simm.s32 $0x108;
	_ =	swait.ge @!p0 [sflag:s8], $0x0  }
0x24: {  	s3 =	sadd.s32 $0x88, s3;
	s6 =	simm.s32 @!p1 $0x1082;
	[sflag:s4] =	ssyncset.s32 $0xFFFFF086  }
0x25: {  	[simem:s6], [sflag:s4] =	dma.local [hbm:s3], $0xF7A  }
0x26: {  	[smem:$0x3F9D] =	sst s1;
	(tag) =	ssettag s2;
	_ =	strace s9  }
0x27: {  	s1 =	sld [smem:$0x3FAD]  }
0x28: {  	s2 =	sld [smem:$0x3FAE]  }
0x29: {  	s4 =	sld [smem:$0x3FB0]  }
0x2a: {  	p0 =	seq.s32 s5, $0x0;
	s5 =	sld [smem:$0x3FB1]  }
0x2b: {  	s6 =	sld [smem:$0x3FB2]  }
0x2c: {  	s7 =	sld [smem:$0x3FB3]  }
0x2d: {  	s3 =	simm.s32 $0x108;
	s8 =	sld [smem:$0x3FB4]  }
0x2e: {  	s3 =	simm.s32 @!p0 $0x1082;
	s9 =	sld [smem:$0x3FB5]  }
0x2f: {  	lr =	sadd.s32 s0, s3;
	s0 =	sld [smem:$0x3FAC]  }
0x30: {  	s3 =	sld [smem:$0x3FAF]  }
0x31: {  	[smem:$0x3FB8] =	sst s10  }
0x32: {  	s10 =	sld [smem:$0x3FB6];
	_ =	sdelay $0x3  }
0x33: {  	p0 =	seq.s32 s10, $0x1;
	s10 =	sld [smem:$0x3FB8];
	_ =	sdelay $0x3  }
0x34: {  	[smem:$0x3FB8] =	sst s10  }
0x35: {  	s10 =	sld [smem:$0x3FB7];
	_ =	sdelay $0x3  }
0x36: {  	p1 =	seq.s32 s10, $0x1;
	s10 =	sld [smem:$0x3FB8];
	_ =	sdelay $0x3  }
0x37: {  	[smem:$0x3FB8] =	sst s10  }
0x38: {  	s10 =	sld [smem:$0x3FB9]  }
0x39: {  	_ = 	snop;
	(pc) =	sbr.ind lr, $3  }
0x3a: {  	_ = 	snop  }
0x3b: {  	_ = 	snop  }
0x3c: {  	p2 =	seq.s32 s10, $0x1;
	s10 =	sld [smem:$0x3FB8]  }
0x3d: {  	_ =	shalt  }
0x3e: {  	_ =	shalt  }
0x3f: {  	_ =	shalt  }
0x40: {  	_ =	shalt  }
0x41: {  	_ =	shalt  }
0x42: {  	_ =	shalt  }
0x43: {  	_ =	shalt  }
0x44: {  	_ =	shalt  }
0x45: {  	_ =	shalt  }
0x46: {  	_ =	shalt  }
0x47: {  	_ =	shalt  }
0x48: {  	_ =	shalt  }
0x49: {  	_ =	shalt  }
0x4a: {  	_ =	shalt  }
0x4b: {  	_ =	shalt  }
0x4c: {  	_ =	shalt  }
0x4d: {  	_ =	shalt  }
0x4e: {  	_ =	shalt  }
0x4f: {  	_ =	shalt  }
0x50: {  	_ =	shalt  }
0x51: {  	_ =	shalt  }
0x52: {  	_ =	shalt  }
0x53: {  	_ =	shalt  }
0x54: {  	_ =	shalt  }
0x55: {  	_ =	shalt  }
0x56: {  	_ =	shalt  }
0x57: {  	_ =	shalt  }
0x58: {  	_ =	shalt  }
0x59: {  	_ =	shalt  }
0x5a: {  	_ =	shalt  }
0x5b: {  	_ =	shalt  }
0x5c: {  	_ =	shalt  }
0x5d: {  	_ =	shalt  }
0x5e: {  	_ =	shalt  }
0x5f: {  	_ =	shalt  }
0x60: {  	_ =	shalt  }
0x61: {  	_ =	shalt  }
0x62: {  	_ =	shalt  }
0x63: {  	_ =	shalt  }
0x64: {  	_ =	shalt  }
0x65: {  	_ =	shalt  }
0x66: {  	_ =	shalt  }
0x67: {  	_ =	shalt  }
0x68: {  	_ =	shalt  }
0x69: {  	_ =	shalt  }
0x6a: {  	_ =	shalt  }
0x6b: {  	_ =	shalt  }
0x6c: {  	_ =	shalt  }
0x6d: {  	_ =	shalt  }
0x6e: {  	_ =	shalt  }
0x6f: {  	_ =	shalt  }
0x70: {  	_ =	shalt  }
0x71: {  	_ =	shalt  }
0x72: {  	_ =	shalt  }
0x73: {  	_ =	shalt  }
0x74: {  	_ =	shalt  }
0x75: {  	_ =	shalt  }
0x76: {  	_ =	shalt  }
0x77: {  	_ =	shalt  }
0x78: {  	_ =	shalt  }
0x79: {  	_ =	shalt  }
0x7a: {  	_ =	shalt  }
0x7b: {  	_ =	shalt  }
0x7c: {  	_ =	shalt  }
0x7d: {  	_ =	shalt  }
0x7e: {  	_ =	shalt  }
0x7f: {  	_ =	shalt  }
0x80: {  	_ =	shalt  }
0x81: {  	_ =	shalt  }
0x82: {  	_ =	shalt  }
0x83: {  	_ =	shalt  }
0x84: {  	_ =	shalt  }
0x85: {  	_ =	shalt  }
0x86: {  	_ =	shalt  }
0x87: {  	_ =	shalt  }
.Lfunc_end0:
.L_simem_size_0:
called_computation.1_lowered:
.L_overlay_start_0:
0x88: {  	s2 =	sld [smem:$0x3FD9]  }
0x89: {  	s3 =	sld [smem:$0x3FFE];
	_ =	sdelay $0x1  }
0x8a: {  	s1 =	srdreg.scid  }
0x8b: {  	s0 =	sand.u32 $0x1, s1  }
0x8c: {  	s17 =	sshll.u32 s0, $0xA;
	s2 =	sadd.s32 s3, s2  }
0x8d: {  	s2 =	sadd.s32 s2, s17  }
0x8e: {  	[smem:$0x3FC4] =	sst s2  }
0x8f: {  	_ = 	snop  }
0x90: {  	s2 =	sld [smem:$0x3FD0];
	(tm) =	ssettm $0x1  }
0x91: {  	s18 =	sld [smem:$0x3FFB];
	_ =	sdelay $0x3  }
0x92: {  	_ =	strace s18  }
0x93: {  	s3 =	sld [smem:$0x3FFC];
	_ =	sdelay $0x3  }
0x94: {  	_ =	strace s3  }
0x95: {  	s3 =	sld [smem:$0x3FFD];
	_ =	sdelay $0x3  }
0x96: {  	_ =	strace s3  }
0x97: {  	_ =	strace $0x8FFFFFFF  }
0x98: {  	s19 =	sld [smem:$0x3FDB];
	_ =	sdelay $0x1  }
0x99: {  	s4 =	simm.s32 $_scs_section_size  }
0x9a: {  	s5 =	simm.s32 $_size__tile_overlayer_lowered;
	s6 =	simm.s32 $_tile_overlayer_lowered  }
0x9b: {  	s22 =	simm.s32 $0x1BFF;
	s21 =	sshll.u32 s6, $0x1;
	s3 =	sadd.s32 s4, s19  }
0x9c: {  	s7 =	simm.s32 $0x0;
	s20 =	sshll.u32 s5, $0x1;
	s5 =	sadd.s32 s21, s3  }
0x9d: {  	[timem:s7], [sflag:s22] =	dma.local [hbm:s5], s20  }
0x9e: {  	_ =	swait.ge [sflag:s22], s20  }
0x9f: {  	s4 =	ssub.s32 $0x0, s20;
	[sflag:s22] =	ssyncset.done $0x0  }
0xa0: {  	[sflag:s22] =	ssyncadd.s32 s4;
	_ =	sdelay $0x1  }
0xa1: {  	s23 =	simm.s32 $0x1B8B  }
0xa2: {  	_ =	swait.ge [sflag:s23], $0x1  }
0xa3: {  	[sflag:s23] =	ssyncset.done $0x0  }
0xa4: {  	s25 =	simm.s32 $0x1B8E;
	s24 =	sld [smem:$0x3FFE];
	[sflag:s23] =	ssyncadd.s32 $0xFFFFFFFF  }
0xa5: {  	s26 =	simm.s32 $execute0_lowered;
	[smem:$0x3FD2] =	sst s25  }
0xa6: {  	s5 =	sshll.u32 s26, $0x1;
	_ =	strace $0x80000049;
	[dreg:$0x1] =	wrdreg $0xFFFFFFFF  }
0xa7: {  	s28 =	simm.s32 $_size_execute0_lowered;
	s3 =	sadd.s32 s3, s5;
	[dreg:$0x0] =	wrdreg $0x0  }
0xa8: {  	s5 =	sshll.u32 s28, $0x1;
	[dreg:$0x2] =	wrdreg s3  }
0xa9: {  	[dreg:$0x3] =	wrdreg s5  }
0xaa: {  	[dreg:$0x4] =	wrdreg $0xC0  }
0xab: {  	_ =	task [dreg:s7], $0x5FFFF  }
0xac: {  	[dreg:$0x1] =	wrdreg $0xFFFFFFFF  }
0xad: {  	[dreg:$0x0] =	wrdreg $0x60  }
0xae: {  	[dreg:$0x2] =	wrdreg s2  }
0xaf: {  	[dreg:$0x3] =	wrdreg s24  }
0xb0: {  	[dreg:$0x4] =	wrdreg $0xEC400  }
0xb1: {  	[dreg:$0x5] =	wrdreg $0x9  }
0xb2: {  	_ =	task.clear_ibuf [dreg:s7], $0x6FFFF;
	_ =	strace $0x90000049  }
0xb3: {  	s29 =	simm.s32 $0x9;
	_ =	strace $0x8000004B  }
0xb4: {  	_ =	swait.ge [sflag:s29], $0x1  }
0xb5: {  	[sflag:s29] =	ssyncadd.s32 $0xFFFFFFFF  }
0xb6: {  	_ =	strace $0x9000004B  }
0xb7: {  	_ =	sfence  }
0xb8: {  	s30 =	sld [smem:$0x0];
	_ =	sdelay $0x2  }
0xb9: {  	s31 =	sshll.u32 s1, $0xD;
	s1 =	sshrl.u32 s1, $0x2  }
0xba: {  	s3 =	sand.u32 $0x4000, s31;
	s1 =	sadd.s32 s1, s30  }
0xbb: {  	s0 =	sor.u32 s3, s0;
	s1 =	sshll.u32 s1, $0x11  }
0xbc: {  	s0 =	sor.u32 s1, s0  }
0xbd: {  	s0 =	sadd.s32 $0x8F2B, s0  }
0xbe: {  	[sflag:s0] =	ssyncadd.remote.s32 $0x1  }
0xbf: {  	_ =	sfence.sel $0xFFFF  }
0xc0: {  	[dreg:$0x0] =	wrdreg $0xFFFFFFFF;
	(pc) =	sbr.abs _section_cstart, $3  }
0xc1: {  	[dreg:$0x1] =	wrdreg $0xFFFFFFFF  }
0xc2: {  	_ =	task.clear_ibuf [dreg:s7], $0x2FFFF;
	_ =	strace $0x9FFFFFFF  }
0xc3: {  	(tm) =	ssettm $0x7FFFFFFF  }
tec
execute0_lowered:
.L_overlay_start_1:
0x0: {  	(tag) =	ssettag $0x1  }
0x1: {  	s1 =	rddreg [dreg:$0x0]  }
0x2: {  	s0 =	srdreg.scid;
	s2 =	rddreg [dreg:$0x1]  }
0x3: {  	s10 =	stileid.u32;
	s3 =	rddreg [dreg:$0x2]  }
0x4: {  	s5 =	simm.s32 $0x0;
	s17 =	simm.s32 $0x7D;
	s18 =	simm.s32 $0x5000  }
0x5: {  	s20 =	simm.s32 $0x6388;
	s29 =	simm.s32 $0xB1A8;
	s31 =	simm.s32 $0xC530  }
0x6: {  	s16 =	simm.s32 $0x1;
	s19 =	simm.s32 $0x2;
	s21 =	simm.s32 $0x3  }
0x7: {  	s28 =	simm.s32 $0x6;
	s30 =	simm.s32 $0x7;
	s11 =	simm.s32 $0xF  }
0x8: {  	s13 =	simm.s32 $0x0;
	s0 =	sand.u32 $0x1, s0;
	[smem:$0x7FF] =	sst s5  }
0x9: {  	s22 =	smul.u32 $0x6400, s10;
	s9 =	sadd.s32 $0x2B400, s2;
	p0 =	seq.s32 s10, $0xF  }
0xa: {  	s5 =	simm.s32 $0x9;
	s4 =	sshll.u32 s0, $0x4;
	_ =	strace $0x8000004A  }
0xb: {  	s6 =	ssub.s32 $0x2, s0;
	s0 =	smul.u32 $0x61A80, s0;
	[dreg:$0xd] =	wrdreg s13  }
0xc: {  	s4 =	sor.u32 s10, s4;
	s7 =	sshrl.u32 s22, $0x3;
	s8 =	sshrl.u32 s6, $0x1  }
0xd: {  	s4 =	smul.u32 $0x500, s4;
	s7 =	sadd.s32 s7, s2;
	s6 =	ssub.s32 s6, s8  }
0xe: {  	s8 =	sadd.s32 s22, s3;
	s25 =	sadd.s32 s22, s0;
	s0 =	sshrl.u32 s0, $0x3  }
0xf: {  	s22 =	simm.s32 $0x7710;
	s7 =	sadd.s32 $0x1F000, s7;
	s0 =	sadd.s32 s9, s0  }
0x10: {  	s26 =	smax.u32 s6, $0x1;
	s6 =	simm.s32 $0xA;
	s4 =	sadd.s32 s4, s2  }
0x11: {  	[dreg:$0x4] =	wrdreg s7;
	s7 =	sadd.s32 $0x5DC00, s3;
	s2 =	sadd.s32 $0x2AB80, s2  }
0x12: {  	s0 =	sadd.s32 $0xBB80, s0;
	[dreg:$0xa] =	wrdreg s26;
	s26 =	simm.s32 $0x9E20  }
0x13: {  	[dreg:$0x5] =	wrdreg s2;
	s23 =	sadd.s32 $0xB000, s4;
	s24 =	sadd.s32 $0x15000, s4  }
0x14: {  	s2 =	sshrl.u32 s25, $0x3;
	[dreg:$0x9] =	wrdreg s0;
	s0 =	sshll.u32 @!p0 s10, $0x6  }
0x15: {  	s15 =	sshrl.u32 @p0 s7, $0x3;
	s25 =	simm.s32 $0x5;
	s7 =	simm.s32 $0xB  }
0x16: {  	s10 =	simm.s32 $0xE;
	s4 =	simm.s32 $0x10;
	[dreg:$0x6] =	wrdreg s23  }
.Ltmp0:
0x17: {  	[dreg:$0x7] =	wrdreg s24;
	s2 =	sadd.s32 s9, s2;
	(pc) =	sbr.rel .LBB2_1-.Ltmp0, $4  }
0x18: {  	s12 =	sor.u32 @!p0 $0x1C11, s0;
	s0 =	sshrl.u32 @!p0 s8, $0x3;
	[dreg:$0xb] =	wrdreg s15  }
0x19: {  	s24 =	simm.s32 $0x8A98;
	s23 =	simm.s32 $0x4;
	[dreg:$0x8] =	wrdreg s2  }
0x1a: {  	s8 =	simm.s32 $0xC;
	s9 =	simm.s32 $0xD;
	[dreg:$0xe] =	wrdreg s0  }
0x1b: {  	s0 =	simm.s32 $0xD8B8;
	s2 =	simm.s32 $0x8;
	[dreg:$0xc] =	wrdreg s12  }
.LBB2_4:
0x1c: {  	_ =	swait.ge [sflag:s6], $0x1388  }
0x1d: {  	[sflag:s6] =	ssyncset.done $0x0  }
0x1e: {  	[sflag:s6] =	ssyncadd.s32 $0xFFFFEC78  }
0x1f: {  	_ =	swait.ge [sflag:s7], $0x1388  }
0x20: {  	[sflag:s7] =	ssyncset.done $0x0  }
0x21: {  	[sflag:s7] =	ssyncadd.s32 $0xFFFFEC78  }
0x22: {  	_ =	swait.ge [sflag:s8], $0x1388  }
0x23: {  	[sflag:s8] =	ssyncset.done $0x0  }
0x24: {  	[sflag:s8] =	ssyncadd.s32 $0xFFFFEC78  }
0x25: {  	_ =	swait.ge [sflag:s9], $0x1388  }
0x26: {  	[sflag:s9] =	ssyncset.done $0x0  }
0x27: {  	[sflag:s9] =	ssyncadd.s32 $0xFFFFEC78  }
0x28: {  	_ =	swait.ge [sflag:s10], $0x1388  }
0x29: {  	[sflag:s10] =	ssyncset.done $0x0  }
0x2a: {  	[sflag:s10] =	ssyncadd.s32 $0xFFFFEC78  }
0x2b: {  	_ =	swait.ge [sflag:s11], $0x1388  }
0x2c: {  	[sflag:s11] =	ssyncset.done $0x0  }
0x2d: {  	[sflag:s11] =	ssyncadd.s32 $0xFFFFEC78  }
0x2e: {  	_ =	swait.ge [sflag:s4], $0x1388  }
0x2f: {  	[sflag:s4] =	ssyncset.done $0x0  }
0x30: {  	[sflag:s4] =	ssyncadd.s32 $0xFFFFEC78  }
0x31: {  	[bflag:$0x0] =	sbarrier.arrive $0xFFFF  }
0x32: {  	s14 =	rddreg [dreg:$0x9]  }
0x33: {  	s13 =	simm.s32 @p0 $0x1FD1;
	s12 =	rddreg [dreg:$0xb]  }
0x34: {  	[hbm:s14], [sflag:s13] =	dma.local @p0 [spmem:s12], $0x7D0  }
0x35: {  	s13 =	simm.s32 @p0 $0x11  }
0x36: {  	_ =	swait.ge @p0 [sflag:s13], $0x7D0  }
0x37: {  	s14 =	rddreg [dreg:$0xe]  }
0x38: {  	[sflag:s13] =	ssyncset.done @p0 $0x0;
	s12 =	rddreg [dreg:$0xc]  }
0x39: {  	[sflag:s13] =	ssyncadd.s32 @p0 $0xFFFFF830;
	s13 =	rddreg [dreg:$0x8]  }
0x3a: {  	[hbm:s13], [sflag:s12] =	dma.local @!p0 [spmem:s14], $0xC80  }
0x3b: {  	s13 =	simm.s32 @!p0 $0x11  }
0x3c: {  	_ =	swait.ge @!p0 [sflag:s13], $0xC80  }
0x3d: {  	s15 =	rddreg [dreg:$0xd]  }
0x3e: {  	s14 =	rddreg [dreg:$0xa];
	s15 =	sadd.s32 $0x1, s15  }
0x3f: {  	p1 =	sne.s32 s15, s14  }
.Ltmp1:
0x40: {  	_ = 	snop;
	(pc) =	sbr.rel @!p1 .LBB2_5-.Ltmp1, $3  }
0x41: {  	_ =	sdelay $0x1  }
0x42: {  	[sflag:s13] =	ssyncset.done @!p0 $0x0;
	[dreg:$0xd] =	wrdreg s15  }
0x43: {  	[sflag:s13] =	ssyncadd.s32 @!p0 $0xFFFFF380;
	s15 =	rddreg [dreg:$0xb]  }
.LBB2_1:
0x44: {  	s13 =	simm.s32 @p0 $0x1FD1;
	s14 =	rddreg [dreg:$0x5]  }
0x45: {  	[spmem:s15], [sflag:s13] =	dma.local @p0 [hbm:s14], $0x7D0  }
0x46: {  	s13 =	simm.s32 @p0 $0x11  }
0x47: {  	_ =	swait.ge @p0 [sflag:s13], $0x7D0  }
0x48: {  	[sflag:s13] =	ssyncset.done @p0 $0x0;
	s14 =	rddreg [dreg:$0xe]  }
0x49: {  	[sflag:s13] =	ssyncadd.s32 @p0 $0xFFFFF830;
	s13 =	rddreg [dreg:$0x4]  }
0x4a: {  	[spmem:s14], [sflag:s12] =	dma.local @!p0 [hbm:s13], $0xC80  }
0x4b: {  	s13 =	simm.s32 @!p0 $0x11  }
0x4c: {  	_ =	swait.ge @!p0 [sflag:s13], $0xC80  }
0x4d: {  	[sflag:s13] =	ssyncset.done @!p0 $0x0  }
0x4e: {  	s12 =	rddreg [dreg:$0x6];
	[sflag:s13] =	ssyncadd.s32 @!p0 $0xFFFFF380;
	s13 =	simm.s32 $0x0  }
0x4f: {  	[tilespmem:s13], [sflag:$0x11] =	stream.linear.gather [hbm4b:s12+s13], $0x2800, $0x38;
	[tilespmem:$0x14DE8] =	vst v63  }
0x50: {  	s12 =	simm.s32 $0x11  }
0x51: {  	_ =	swait.ge [sflag:s12], $0x2800  }
0x52: {  	[sflag:s12] =	ssyncset.done $0x0  }
0x53: {  	s15 =	simm.s32 $0x2800;
	s14 =	rddreg [dreg:$0x7];
	[sflag:s12] =	ssyncadd.s32 $0xFFFFD800  }
0x54: {  	[tilespmem:s15], [sflag:$0x11] =	stream.linear.gather [hbm4b:s14+s13], $0x2800, $0x38;
	[tilespmem:$0x14DE8] =	vst v63  }
0x55: {  	_ =	swait.ge [sflag:s12], $0x2800  }
0x56: {  	[sflag:s12] =	ssyncset.done $0x0  }
0x57: {  	[sflag:s12] =	ssyncadd.s32 $0xFFFFD800  }
0x58: {  	[bflag:$0x0] =	sbarrier.arrive $0xFFFF  }
0x59: {  	[tilespmem:s18], [sflag:$0x1] =	stream.indirect.gather [hbm4b:s1+s17], $0x28, s13, s17, $0xb8;
	[tilespmem:$0x14DE8] =	vst v63  }
0x5a: {  	s15 =	simm.s32 $0x80  }
0x5b: {  	[tilespmem:s20], [sflag:$0x2] =	stream.indirect.gather [hbm4b:s1+s17], $0x28, s15, s17, $0xb8;
	[tilespmem:$0x14DE8] =	vst v63  }
0x5c: {  	s13 =	simm.s32 $0x100  }
0x5d: {  	[tilespmem:s22], [sflag:$0x3] =	stream.indirect.gather [hbm4b:s1+s17], $0x28, s13, s17, $0xb8;
	[tilespmem:$0x14DE8] =	vst v63  }
0x5e: {  	s14 =	simm.s32 $0x180  }
0x5f: {  	[tilespmem:s24], [sflag:$0x4] =	stream.indirect.gather [hbm4b:s1+s17], $0x28, s14, s17, $0xb8;
	[tilespmem:$0x14DE8] =	vst v63  }
0x60: {  	s15 =	simm.s32 $0x200  }
0x61: {  	[tilespmem:s26], [sflag:$0x5] =	stream.indirect.gather [hbm4b:s1+s17], $0x28, s15, s17, $0xb8;
	[tilespmem:$0x14DE8] =	vst v63  }
0x62: {  	s13 =	simm.s32 $0x280  }
0x63: {  	[tilespmem:s29], [sflag:$0x6] =	stream.indirect.gather [hbm4b:s1+s17], $0x28, s13, s17, $0xb8;
	[tilespmem:$0x14DE8] =	vst v63  }
0x64: {  	s14 =	simm.s32 $0x300  }
0x65: {  	[tilespmem:s31], [sflag:$0x7] =	stream.indirect.gather [hbm4b:s1+s17], $0x28, s14, s17, $0xb8;
	[tilespmem:$0x14DE8] =	vst v63  }
0x66: {  	s15 =	simm.s32 $0x380;
	s13 =	simm.s32 $0x0  }
0x67: {  	[tilespmem:s0], [sflag:$0x8] =	stream.indirect.gather [hbm4b:s1+s17], $0x28, s15, s17, $0xb8;
	[tilespmem:$0x14DE8] =	vst v63  }
.LBB2_2:
0x68: {  	_ =	swait.ge [sflag:s16], $0x1388  }
0x69: {  	s14 =	sshra.s32 s13, $0x2;
	[sflag:s16] =	ssyncset.done $0x0  }
0x6a: {  	s15 =	sadd.s32 $0x2800, s14;
	[sflag:s16] =	ssyncadd.s32 $0xFFFFEC78  }
0x6b: {  	[spmem:s3] =	stream.indirect.scatter.add.f32 [tilespmem:s18], [sflag:$0x9], $0x28, s15, s17, $0xb8;
	[tilespmem:$0x14DE8] =	vst v63  }
0x6c: {  	_ =	swait.ge [sflag:s19], $0x1388  }
0x6d: {  	[sflag:s19] =	ssyncset.done $0x0  }
0x6e: {  	s12 =	sadd.s32 $0x2880, s14;
	[sflag:s19] =	ssyncadd.s32 $0xFFFFEC78  }
0x6f: {  	[spmem:s3] =	stream.indirect.scatter.add.f32 [tilespmem:s20], [sflag:$0xA], $0x28, s12, s17, $0xb8;
	[tilespmem:$0x14DE8] =	vst v63  }
0x70: {  	_ =	swait.ge [sflag:s21], $0x1388  }
0x71: {  	[sflag:s21] =	ssyncset.done $0x0  }
0x72: {  	s12 =	sadd.s32 $0x2900, s14;
	[sflag:s21] =	ssyncadd.s32 $0xFFFFEC78  }
0x73: {  	[spmem:s3] =	stream.indirect.scatter.add.f32 [tilespmem:s22], [sflag:$0xB], $0x28, s12, s17, $0xb8;
	[tilespmem:$0x14DE8] =	vst v63  }
0x74: {  	_ =	swait.ge [sflag:s23], $0x1388  }
0x75: {  	[sflag:s23] =	ssyncset.done $0x0  }
0x76: {  	s12 =	sadd.s32 $0x2980, s14;
	[sflag:s23] =	ssyncadd.s32 $0xFFFFEC78  }
0x77: {  	[spmem:s3] =	stream.indirect.scatter.add.f32 [tilespmem:s24], [sflag:$0xC], $0x28, s12, s17, $0xb8;
	[tilespmem:$0x14DE8] =	vst v63  }
0x78: {  	_ =	swait.ge [sflag:s25], $0x1388  }
0x79: {  	[sflag:s25] =	ssyncset.done $0x0  }
0x7a: {  	s12 =	sadd.s32 $0x2A00, s14;
	[sflag:s25] =	ssyncadd.s32 $0xFFFFEC78  }
0x7b: {  	[spmem:s3] =	stream.indirect.scatter.add.f32 [tilespmem:s26], [sflag:$0xD], $0x28, s12, s17, $0xb8;
	[tilespmem:$0x14DE8] =	vst v63  }
0x7c: {  	_ =	swait.ge [sflag:s28], $0x1388  }
0x7d: {  	[sflag:s28] =	ssyncset.done $0x0  }
0x7e: {  	s12 =	sadd.s32 $0x2A80, s14;
	[sflag:s28] =	ssyncadd.s32 $0xFFFFEC78  }
0x7f: {  	[spmem:s3] =	stream.indirect.scatter.add.f32 [tilespmem:s29], [sflag:$0xE], $0x28, s12, s17, $0xb8;
	[tilespmem:$0x14DE8] =	vst v63  }
0x80: {  	_ =	swait.ge [sflag:s30], $0x1388  }
0x81: {  	[sflag:s30] =	ssyncset.done $0x0  }
0x82: {  	s12 =	sadd.s32 $0x2B00, s14;
	[sflag:s30] =	ssyncadd.s32 $0xFFFFEC78  }
0x83: {  	[spmem:s3] =	stream.indirect.scatter.add.f32 [tilespmem:s31], [sflag:$0xF], $0x28, s12, s17, $0xb8;
	[tilespmem:$0x14DE8] =	vst v63  }
0x84: {  	_ =	swait.ge [sflag:s2], $0x1388  }
0x85: {  	p1 =	seq.s32 s13, $0x9000;
	[sflag:s2] =	ssyncset.done $0x0  }
.Ltmp2:
0x86: {  	s12 =	sadd.s32 $0x2B80, s14;
	[sflag:s2] =	ssyncadd.s32 $0xFFFFEC78;
	(pc) =	sbr.rel @p1 .LBB2_4-.Ltmp2, $4  }
0x87: {  	[spmem:s3] =	stream.indirect.scatter.add.f32 [tilespmem:s0], [sflag:$0x10], $0x28, s12, s17, $0xb8;
	[tilespmem:$0x14DE8] =	vst v63  }
0x88: {  	_ =	swait.ge [sflag:s5], $0x1388  }
0x89: {  	[sflag:s5] =	ssyncset.done $0x0  }
0x8a: {  	[sflag:s5] =	ssyncadd.s32 $0xFFFFEC78  }
0x8b: {  	s15 =	sadd.s32 $0x400, s14  }
0x8c: {  	[tilespmem:s18], [sflag:$0x1] =	stream.indirect.gather [hbm4b:s1+s17], $0x28, s15, s17, $0xb8;
	[tilespmem:$0x14DE8] =	vst v63  }
0x8d: {  	_ =	swait.ge [sflag:s6], $0x1388  }
0x8e: {  	[sflag:s6] =	ssyncset.done $0x0  }
0x8f: {  	s12 =	sadd.s32 $0x480, s14;
	[sflag:s6] =	ssyncadd.s32 $0xFFFFEC78  }
0x90: {  	[tilespmem:s20], [sflag:$0x2] =	stream.indirect.gather [hbm4b:s1+s17], $0x28, s12, s17, $0xb8;
	[tilespmem:$0x14DE8] =	vst v63  }
0x91: {  	_ =	swait.ge [sflag:s7], $0x1388  }
0x92: {  	[sflag:s7] =	ssyncset.done $0x0  }
0x93: {  	s12 =	sadd.s32 $0x500, s14;
	[sflag:s7] =	ssyncadd.s32 $0xFFFFEC78  }
0x94: {  	[tilespmem:s22], [sflag:$0x3] =	stream.indirect.gather [hbm4b:s1+s17], $0x28, s12, s17, $0xb8;
	[tilespmem:$0x14DE8] =	vst v63  }
0x95: {  	_ =	swait.ge [sflag:s8], $0x1388  }
0x96: {  	[sflag:s8] =	ssyncset.done $0x0  }
0x97: {  	s12 =	sadd.s32 $0x580, s14;
	[sflag:s8] =	ssyncadd.s32 $0xFFFFEC78  }
0x98: {  	[tilespmem:s24], [sflag:$0x4] =	stream.indirect.gather [hbm4b:s1+s17], $0x28, s12, s17, $0xb8;
	[tilespmem:$0x14DE8] =	vst v63  }
0x99: {  	_ =	swait.ge [sflag:s9], $0x1388  }
0x9a: {  	[sflag:s9] =	ssyncset.done $0x0  }
0x9b: {  	s12 =	sadd.s32 $0x600, s14;
	[sflag:s9] =	ssyncadd.s32 $0xFFFFEC78  }
0x9c: {  	[tilespmem:s26], [sflag:$0x5] =	stream.indirect.gather [hbm4b:s1+s17], $0x28, s12, s17, $0xb8;
	[tilespmem:$0x14DE8] =	vst v63  }
0x9d: {  	_ =	swait.ge [sflag:s10], $0x1388  }
0x9e: {  	[sflag:s10] =	ssyncset.done $0x0  }
0x9f: {  	s12 =	sadd.s32 $0x680, s14;
	[sflag:s10] =	ssyncadd.s32 $0xFFFFEC78  }
0xa0: {  	[tilespmem:s29], [sflag:$0x6] =	stream.indirect.gather [hbm4b:s1+s17], $0x28, s12, s17, $0xb8;
	[tilespmem:$0x14DE8] =	vst v63  }
0xa1: {  	_ =	swait.ge [sflag:s11], $0x1388  }
0xa2: {  	[sflag:s11] =	ssyncset.done $0x0  }
0xa3: {  	s12 =	sadd.s32 $0x700, s14;
	[sflag:s11] =	ssyncadd.s32 $0xFFFFEC78  }
0xa4: {  	[tilespmem:s31], [sflag:$0x7] =	stream.indirect.gather [hbm4b:s1+s17], $0x28, s12, s17, $0xb8;
	[tilespmem:$0x14DE8] =	vst v63  }
.Ltmp3:
0xa5: {  	_ = 	snop;
	(pc) =	sbr.rel .LBB2_2-.Ltmp3, $4  }
0xa6: {  	_ =	swait.ge [sflag:s4], $0x1388  }
0xa7: {  	[sflag:s4] =	ssyncset.done $0x0  }
0xa8: {  	s13 =	sadd.s32 $0x1000, s13;
	s15 =	sadd.s32 $0x780, s14;
	[sflag:s4] =	ssyncadd.s32 $0xFFFFEC78  }
0xa9: {  	[tilespmem:s0], [sflag:$0x8] =	stream.indirect.gather [hbm4b:s1+s17], $0x28, s15, s17, $0xb8;
	[tilespmem:$0x14DE8] =	vst v63  }
.LBB2_5:
0xaa: {  	_ =	sfence.sel $0x180000  }
0xab: {  	[bflag:$0x0] =	sbarrier.arrive $0xFFFF  }
0xac: {  	_ =	strace $0x9000004A  }
0xad: {  	s0 =	stileid.u32;
	[bflag:$0x2] =	sbarrier.arrive $0xFFFF  }
0xae: {  	p0 =	sne.s32 s0, $0x0;
	s0 =	rddreg [dreg:$0x3]  }
0xaf: {  	s0 =	sadd.s32 @!p0 $0x100000, s0  }
0xb0: {  	[sflag:s0] =	ssyncadd.tile.s32 @!p0 $0x1;
	_ =	shalt  }
.Lfunc_end2:
_tile_overlayer_lowered:
.L_overlay_start_2:
0xb1: {  	(tag) =	ssettag $0x2  }
0xb2: {  	s0 =	rddreg [dreg:$0x0];
	s2 =	stileid.u32  }
0xb3: {  	s1 =	rddreg [dreg:$0x1];
	p0 =	sne.s32 s2, $0x0  }
0xb4: {  	s3 =	rddreg [dreg:$0x2];
	[bflag:$0x3] =	sbarrier.arrive $0xFFFF;
	s2 =	simm.s32 @!p0 $0x1C11  }
0xb5: {  	[timem:s3], [sflag:s2] =	dma.local @!p0 [hbm:s0], s1  }
0xb6: {  	s0 =	simm.s32 @!p0 $0x11  }
0xb7: {  	_ =	swait.ge @!p0 [sflag:s0], s1  }
0xb8: {  	s1 =	ssub.s32 @!p0 $0x0, s1;
	[sflag:s0] =	ssyncset.done @!p0 $0x0  }
0xb9: {  	[sflag:s0] =	ssyncadd.s32 @!p0 s1  }
0xba: {  	[bflag:$0x3] =	sbarrier.arrive $0xFFFF  }
0xbb: {  	_ =	shalt  }

// kernel: kernel.14.cloned.1.call-start
scs
__scs_entry_jumppad:
0x0: {  	(pc) =	sbr.rel $0x88, $3  }
0x1: {  	(tag) =	ssettag $0x0;
	lr =	simm.s32 $0x1  }
0x2: {  	[smem:$0x3F9D] =	sst lr;
	_ =	strace $0xD0000000  }
0x3: {  	_ = 	snop  }
0x4: {  	_ = 	snop  }
0x5: {  	_ = 	snop  }
0x6: {  	_ = 	snop  }
0x7: {  	_ = 	snop  }
__scs_overlays_trampoline_lowered:
0x8: {  	[smem:$0x3FAC] =	sst s0  }
0x9: {  	[smem:$0x3FAD] =	sst s1  }
0xa: {  	[smem:$0x3FAE] =	sst s2  }
0xb: {  	[smem:$0x3FAF] =	sst s3  }
0xc: {  	[smem:$0x3FB0] =	sst s4  }
0xd: {  	[smem:$0x3FB1] =	sst s5  }
0xe: {  	[smem:$0x3FB2] =	sst s6  }
0xf: {  	[smem:$0x3FB3] =	sst s7  }
0x10: {  	[smem:$0x3FB4] =	sst s8  }
0x11: {  	[smem:$0x3FB5] =	sst s9;
	s0 =	simm.s32 @!p0 $0x0  }
0x12: {  	s1 =	sld [smem:$0x3F9B];
	s0 =	simm.s32 @p0 $0x1  }
0x13: {  	[smem:$0x3FB6] =	sst s0;
	s0 =	simm.s32 @!p1 $0x0  }
0x14: {  	s2 =	sld [smem:$0x3F9A];
	s0 =	simm.s32 @p1 $0x1  }
0x15: {  	[smem:$0x3FB7] =	sst s0;
	s0 =	simm.s32 @!p2 $0x0  }
0x16: {  	s3 =	sld [smem:$0x3FDB];
	s0 =	simm.s32 @p2 $0x1  }
0x17: {  	s4 =	simm.s32 $0x1BF5;
	[smem:$0x3FB9] =	sst s0  }
0x18: {  	s0 =	sld [smem:$0x3F9C];
	_ =	swait.ge [sflag:s4], $0x0  }
0x19: {  	s7 =	sld [smem:$0x3F9D]  }
0x1a: {  	s8 =	sadd.s32 $0xFFFFE003, lr  }
0x1b: {  	s9 =	sadd.s32 $0xFFFFFEF7, lr;
	s5 =	simm.s32 $0xFFFFFFFF;
	p2 =	slt.u32 s8, $0xFFFFF086  }
0x1c: {  	p1 =	slt.u32 s9, $0xF7A;
	s5 =	simm.s32 @!p2 $0x0  }
0x1d: {  	s5 =	simm.s32 @p1 $0x1;
	p0 =	seq.s32 s7, s2  }
0x1e: {  	s7 =	smul.u32 @!p0 $0xF7A, s2;
	p2 =	seq.s32 @!p0 s5, $0x0  }
0x1f: {  	s9 =	smul.u32 $0xF7A, s1;
	s8 =	simm.s32 @!p0 $0x1BF5;
	p2 =	por !p2, p0  }
0x20: {  	[sflag:s8] =	ssyncset.s32 @!p0 $0xFFFFF086;
	s6 =	sadd.s32 @!p0 s3, s7;
	s7 =	simm.s32 @!p0 $0x108  }
0x21: {  	s3 =	sadd.s32 s3, s9;
	s6 =	sadd.s32 @!p0 $0x88, s6;
	s7 =	simm.s32 @p2 $0x1082  }
0x22: {  	[simem:s7], [sflag:s8] =	dma.local @!p0 [hbm:s6], $0xF7A  }
0x23: {  	s9 =	sor.u32 $0xD0000000, s2;
	s6 =	simm.s32 $0x108;
	_ =	swait.ge @!p0 [sflag:s8], $0x0  }
0x24: {  	s3 =	sadd.s32 $0x88, s3;
	s6 =	simm.s32 @!p1 $0x1082;
	[sflag:s4] =	ssyncset.s32 $0xFFFFF086  }
0x25: {  	[simem:s6], [sflag:s4] =	dma.local [hbm:s3], $0xF7A  }
0x26: {  	[smem:$0x3F9D] =	sst s1;
	(tag) =	ssettag s2;
	_ =	strace s9  }
0x27: {  	s1 =	sld [smem:$0x3FAD]  }
0x28: {  	s2 =	sld [smem:$0x3FAE]  }
0x29: {  	s4 =	sld [smem:$0x3FB0]  }
0x2a: {  	p0 =	seq.s32 s5, $0x0;
	s5 =	sld [smem:$0x3FB1]  }
0x2b: {  	s6 =	sld [smem:$0x3FB2]  }
0x2c: {  	s7 =	sld [smem:$0x3FB3]  }
0x2d: {  	s3 =	simm.s32 $0x108;
	s8 =	sld [smem:$0x3FB4]  }
0x2e: {  	s3 =	simm.s32 @!p0 $0x1082;
	s9 =	sld [smem:$0x3FB5]  }
0x2f: {  	lr =	sadd.s32 s0, s3;
	s0 =	sld [smem:$0x3FAC]  }
0x30: {  	s3 =	sld [smem:$0x3FAF]  }
0x31: {  	[smem:$0x3FB8] =	sst s10  }
0x32: {  	s10 =	sld [smem:$0x3FB6];
	_ =	sdelay $0x3  }
0x33: {  	p0 =	seq.s32 s10, $0x1;
	s10 =	sld [smem:$0x3FB8];
	_ =	sdelay $0x3  }
0x34: {  	[smem:$0x3FB8] =	sst s10  }
0x35: {  	s10 =	sld [smem:$0x3FB7];
	_ =	sdelay $0x3  }
0x36: {  	p1 =	seq.s32 s10, $0x1;
	s10 =	sld [smem:$0x3FB8];
	_ =	sdelay $0x3  }
0x37: {  	[smem:$0x3FB8] =	sst s10  }
0x38: {  	s10 =	sld [smem:$0x3FB9]  }
0x39: {  	_ = 	snop;
	(pc) =	sbr.ind lr, $3  }
0x3a: {  	_ = 	snop  }
0x3b: {  	_ = 	snop  }
0x3c: {  	p2 =	seq.s32 s10, $0x1;
	s10 =	sld [smem:$0x3FB8]  }
0x3d: {  	_ =	shalt  }
0x3e: {  	_ =	shalt  }
0x3f: {  	_ =	shalt  }
0x40: {  	_ =	shalt  }
0x41: {  	_ =	shalt  }
0x42: {  	_ =	shalt  }
0x43: {  	_ =	shalt  }
0x44: {  	_ =	shalt  }
0x45: {  	_ =	shalt  }
0x46: {  	_ =	shalt  }
0x47: {  	_ =	shalt  }
0x48: {  	_ =	shalt  }
0x49: {  	_ =	shalt  }
0x4a: {  	_ =	shalt  }
0x4b: {  	_ =	shalt  }
0x4c: {  	_ =	shalt  }
0x4d: {  	_ =	shalt  }
0x4e: {  	_ =	shalt  }
0x4f: {  	_ =	shalt  }
0x50: {  	_ =	shalt  }
0x51: {  	_ =	shalt  }
0x52: {  	_ =	shalt  }
0x53: {  	_ =	shalt  }
0x54: {  	_ =	shalt  }
0x55: {  	_ =	shalt  }
0x56: {  	_ =	shalt  }
0x57: {  	_ =	shalt  }
0x58: {  	_ =	shalt  }
0x59: {  	_ =	shalt  }
0x5a: {  	_ =	shalt  }
0x5b: {  	_ =	shalt  }
0x5c: {  	_ =	shalt  }
0x5d: {  	_ =	shalt  }
0x5e: {  	_ =	shalt  }
0x5f: {  	_ =	shalt  }
0x60: {  	_ =	shalt  }
0x61: {  	_ =	shalt  }
0x62: {  	_ =	shalt  }
0x63: {  	_ =	shalt  }
0x64: {  	_ =	shalt  }
0x65: {  	_ =	shalt  }
0x66: {  	_ =	shalt  }
0x67: {  	_ =	shalt  }
0x68: {  	_ =	shalt  }
0x69: {  	_ =	shalt  }
0x6a: {  	_ =	shalt  }
0x6b: {  	_ =	shalt  }
0x6c: {  	_ =	shalt  }
0x6d: {  	_ =	shalt  }
0x6e: {  	_ =	shalt  }
0x6f: {  	_ =	shalt  }
0x70: {  	_ =	shalt  }
0x71: {  	_ =	shalt  }
0x72: {  	_ =	shalt  }
0x73: {  	_ =	shalt  }
0x74: {  	_ =	shalt  }
0x75: {  	_ =	shalt  }
0x76: {  	_ =	shalt  }
0x77: {  	_ =	shalt  }
0x78: {  	_ =	shalt  }
0x79: {  	_ =	shalt  }
0x7a: {  	_ =	shalt  }
0x7b: {  	_ =	shalt  }
0x7c: {  	_ =	shalt  }
0x7d: {  	_ =	shalt  }
0x7e: {  	_ =	shalt  }
0x7f: {  	_ =	shalt  }
0x80: {  	_ =	shalt  }
0x81: {  	_ =	shalt  }
0x82: {  	_ =	shalt  }
0x83: {  	_ =	shalt  }
0x84: {  	_ =	shalt  }
0x85: {  	_ =	shalt  }
0x86: {  	_ =	shalt  }
0x87: {  	_ =	shalt  }
.Lfunc_end0:
.L_simem_size_0:
called_computation.2_lowered:
.L_overlay_start_0:
0x88: {  	s2 =	sld [smem:$0x3FD9]  }
0x89: {  	s3 =	sld [smem:$0x3FFE];
	_ =	sdelay $0x1  }
0x8a: {  	s1 =	srdreg.scid  }
0x8b: {  	s0 =	sand.u32 $0x1, s1  }
0x8c: {  	s17 =	sshll.u32 s0, $0xA;
	s2 =	sadd.s32 s3, s2  }
0x8d: {  	s2 =	sadd.s32 s2, s17  }
0x8e: {  	[smem:$0x3FC4] =	sst s2  }
0x8f: {  	_ = 	snop  }
0x90: {  	s2 =	sld [smem:$0x3FD0];
	(tm) =	ssettm $0x1  }
0x91: {  	s18 =	sld [smem:$0x3FFB];
	_ =	sdelay $0x3  }
0x92: {  	_ =	strace s18  }
0x93: {  	s3 =	sld [smem:$0x3FFC];
	_ =	sdelay $0x3  }
0x94: {  	_ =	strace s3  }
0x95: {  	s3 =	sld [smem:$0x3FFD];
	_ =	sdelay $0x3  }
0x96: {  	_ =	strace s3  }
0x97: {  	_ =	strace $0x8FFFFFFF  }
0x98: {  	s19 =	sld [smem:$0x3FDB];
	_ =	sdelay $0x1  }
0x99: {  	s4 =	simm.s32 $_scs_section_size  }
0x9a: {  	s5 =	simm.s32 $_size__tile_overlayer_lowered;
	s6 =	simm.s32 $_tile_overlayer_lowered  }
0x9b: {  	s22 =	simm.s32 $0x1BFF;
	s21 =	sshll.u32 s6, $0x1;
	s3 =	sadd.s32 s4, s19  }
0x9c: {  	s7 =	simm.s32 $0x0;
	s20 =	sshll.u32 s5, $0x1;
	s5 =	sadd.s32 s21, s3  }
0x9d: {  	[timem:s7], [sflag:s22] =	dma.local [hbm:s5], s20  }
0x9e: {  	_ =	swait.ge [sflag:s22], s20  }
0x9f: {  	s4 =	ssub.s32 $0x0, s20;
	[sflag:s22] =	ssyncset.done $0x0  }
0xa0: {  	[sflag:s22] =	ssyncadd.s32 s4;
	_ =	sdelay $0x1  }
0xa1: {  	s23 =	simm.s32 $0x1B8B  }
0xa2: {  	_ =	swait.ge [sflag:s23], $0x1  }
0xa3: {  	[sflag:s23] =	ssyncset.done $0x0  }
0xa4: {  	s25 =	simm.s32 $0x1B8E;
	s24 =	sld [smem:$0x3FFE];
	[sflag:s23] =	ssyncadd.s32 $0xFFFFFFFF  }
0xa5: {  	s26 =	simm.s32 $execute0_lowered;
	[smem:$0x3FD2] =	sst s25  }
0xa6: {  	s5 =	sshll.u32 s26, $0x1;
	_ =	strace $0x8000004C;
	[dreg:$0x1] =	wrdreg $0xFFFFFFFF  }
0xa7: {  	s28 =	simm.s32 $_size_execute0_lowered;
	s3 =	sadd.s32 s3, s5;
	[dreg:$0x0] =	wrdreg $0x0  }
0xa8: {  	s5 =	sshll.u32 s28, $0x1;
	[dreg:$0x2] =	wrdreg s3  }
0xa9: {  	[dreg:$0x3] =	wrdreg s5  }
0xaa: {  	[dreg:$0x4] =	wrdreg $0xC0  }
0xab: {  	_ =	task [dreg:s7], $0x5FFFF  }
0xac: {  	[dreg:$0x1] =	wrdreg $0xFFFFFFFF  }
0xad: {  	[dreg:$0x0] =	wrdreg $0x60  }
0xae: {  	[dreg:$0x2] =	wrdreg s2  }
0xaf: {  	[dreg:$0x3] =	wrdreg s24  }
0xb0: {  	[dreg:$0x4] =	wrdreg $0xEC400  }
0xb1: {  	[dreg:$0x5] =	wrdreg $0x9  }
0xb2: {  	_ =	task.clear_ibuf [dreg:s7], $0x6FFFF;
	_ =	strace $0x9000004C  }
0xb3: {  	s29 =	simm.s32 $0x9;
	_ =	strace $0x8000004E  }
0xb4: {  	_ =	swait.ge [sflag:s29], $0x1  }
0xb5: {  	[sflag:s29] =	ssyncadd.s32 $0xFFFFFFFF  }
0xb6: {  	_ =	strace $0x9000004E  }
0xb7: {  	_ =	sfence  }
0xb8: {  	s30 =	sld [smem:$0x0];
	_ =	sdelay $0x2  }
0xb9: {  	s31 =	sshll.u32 s1, $0xD;
	s1 =	sshrl.u32 s1, $0x2  }
0xba: {  	s3 =	sand.u32 $0x4000, s31;
	s1 =	sadd.s32 s1, s30  }
0xbb: {  	s0 =	sor.u32 s3, s0;
	s1 =	sshll.u32 s1, $0x11  }
0xbc: {  	s0 =	sor.u32 s1, s0  }
0xbd: {  	s0 =	sadd.s32 $0x8F2B, s0  }
0xbe: {  	[sflag:s0] =	ssyncadd.remote.s32 $0x1  }
0xbf: {  	_ =	sfence.sel $0xFFFF  }
0xc0: {  	[dreg:$0x0] =	wrdreg $0xFFFFFFFF;
	(pc) =	sbr.abs _section_cstart, $3  }
0xc1: {  	[dreg:$0x1] =	wrdreg $0xFFFFFFFF  }
0xc2: {  	_ =	task.clear_ibuf [dreg:s7], $0x2FFFF;
	_ =	strace $0x9FFFFFFF  }
0xc3: {  	(tm) =	ssettm $0x7FFFFFFF  }
tec
execute0_lowered:
.L_overlay_start_1:
0x0: {  	(tag) =	ssettag $0x1  }
0x1: {  	s1 =	rddreg [dreg:$0x0]  }
0x2: {  	s0 =	srdreg.scid;
	s2 =	rddreg [dreg:$0x1]  }
0x3: {  	s10 =	stileid.u32;
	s3 =	rddreg [dreg:$0x2]  }
0x4: {  	s5 =	simm.s32 $0x0;
	s17 =	simm.s32 $0x7D;
	s18 =	simm.s32 $0x5000  }
0x5: {  	s20 =	simm.s32 $0x6388;
	s29 =	simm.s32 $0xB1A8;
	s31 =	simm.s32 $0xC530  }
0x6: {  	s16 =	simm.s32 $0x1;
	s19 =	simm.s32 $0x2;
	s21 =	simm.s32 $0x3  }
0x7: {  	s28 =	simm.s32 $0x6;
	s30 =	simm.s32 $0x7;
	s11 =	simm.s32 $0xF  }
0x8: {  	s13 =	simm.s32 $0x0;
	s0 =	sand.u32 $0x1, s0;
	[smem:$0x7FF] =	sst s5  }
0x9: {  	s22 =	smul.u32 $0x6400, s10;
	s9 =	sadd.s32 $0x2B400, s2;
	p0 =	seq.s32 s10, $0xF  }
0xa: {  	s5 =	simm.s32 $0x9;
	s4 =	sshll.u32 s0, $0x4;
	_ =	strace $0x8000004D  }
0xb: {  	s6 =	ssub.s32 $0x2, s0;
	s0 =	smul.u32 $0x61A80, s0;
	[dreg:$0xd] =	wrdreg s13  }
0xc: {  	s4 =	sor.u32 s10, s4;
	s7 =	sshrl.u32 s22, $0x3;
	s8 =	sshrl.u32 s6, $0x1  }
0xd: {  	s4 =	smul.u32 $0x500, s4;
	s7 =	sadd.s32 s7, s2;
	s6 =	ssub.s32 s6, s8  }
0xe: {  	s8 =	sadd.s32 s22, s3;
	s25 =	sadd.s32 s22, s0;
	s0 =	sshrl.u32 s0, $0x3  }
0xf: {  	s22 =	simm.s32 $0x7710;
	s7 =	sadd.s32 $0x1F000, s7;
	s0 =	sadd.s32 s9, s0  }
0x10: {  	s26 =	smax.u32 s6, $0x1;
	s6 =	simm.s32 $0xA;
	s4 =	sadd.s32 s4, s2  }
0x11: {  	[dreg:$0x4] =	wrdreg s7;
	s7 =	sadd.s32 $0x5DC00, s3;
	s2 =	sadd.s32 $0x2AB80, s2  }
0x12: {  	s0 =	sadd.s32 $0xBB80, s0;
	[dreg:$0xa] =	wrdreg s26;
	s26 =	simm.s32 $0x9E20  }
0x13: {  	[dreg:$0x5] =	wrdreg s2;
	s23 =	sadd.s32 $0xB000, s4;
	s24 =	sadd.s32 $0x15000, s4  }
0x14: {  	s2 =	sshrl.u32 s25, $0x3;
	[dreg:$0x9] =	wrdreg s0;
	s0 =	sshll.u32 @!p0 s10, $0x6  }
0x15: {  	s15 =	sshrl.u32 @p0 s7, $0x3;
	s25 =	simm.s32 $0x5;
	s7 =	simm.s32 $0xB  }
0x16: {  	s10 =	simm.s32 $0xE;
	s4 =	simm.s32 $0x10;
	[dreg:$0x6] =	wrdreg s23  }
.Ltmp0:
0x17: {  	[dreg:$0x7] =	wrdreg s24;
	s2 =	sadd.s32 s9, s2;
	(pc) =	sbr.rel .LBB2_1-.Ltmp0, $4  }
0x18: {  	s12 =	sor.u32 @!p0 $0x1C11, s0;
	s0 =	sshrl.u32 @!p0 s8, $0x3;
	[dreg:$0xb] =	wrdreg s15  }
0x19: {  	s24 =	simm.s32 $0x8A98;
	s23 =	simm.s32 $0x4;
	[dreg:$0x8] =	wrdreg s2  }
0x1a: {  	s8 =	simm.s32 $0xC;
	s9 =	simm.s32 $0xD;
	[dreg:$0xe] =	wrdreg s0  }
0x1b: {  	s0 =	simm.s32 $0xD8B8;
	s2 =	simm.s32 $0x8;
	[dreg:$0xc] =	wrdreg s12  }
.LBB2_4:
0x1c: {  	_ =	swait.ge [sflag:s6], $0x1388  }
0x1d: {  	[sflag:s6] =	ssyncset.done $0x0  }
0x1e: {  	[sflag:s6] =	ssyncadd.s32 $0xFFFFEC78  }
0x1f: {  	_ =	swait.ge [sflag:s7], $0x1388  }
0x20: {  	[sflag:s7] =	ssyncset.done $0x0  }
0x21: {  	[sflag:s7] =	ssyncadd.s32 $0xFFFFEC78  }
0x22: {  	_ =	swait.ge [sflag:s8], $0x1388  }
0x23: {  	[sflag:s8] =	ssyncset.done $0x0  }
0x24: {  	[sflag:s8] =	ssyncadd.s32 $0xFFFFEC78  }
0x25: {  	_ =	swait.ge [sflag:s9], $0x1388  }
0x26: {  	[sflag:s9] =	ssyncset.done $0x0  }
0x27: {  	[sflag:s9] =	ssyncadd.s32 $0xFFFFEC78  }
0x28: {  	_ =	swait.ge [sflag:s10], $0x1388  }
0x29: {  	[sflag:s10] =	ssyncset.done $0x0  }
0x2a: {  	[sflag:s10] =	ssyncadd.s32 $0xFFFFEC78  }
0x2b: {  	_ =	swait.ge [sflag:s11], $0x1388  }
0x2c: {  	[sflag:s11] =	ssyncset.done $0x0  }
0x2d: {  	[sflag:s11] =	ssyncadd.s32 $0xFFFFEC78  }
0x2e: {  	_ =	swait.ge [sflag:s4], $0x1388  }
0x2f: {  	[sflag:s4] =	ssyncset.done $0x0  }
0x30: {  	[sflag:s4] =	ssyncadd.s32 $0xFFFFEC78  }
0x31: {  	[bflag:$0x0] =	sbarrier.arrive $0xFFFF  }
0x32: {  	s14 =	rddreg [dreg:$0x9]  }
0x33: {  	s13 =	simm.s32 @p0 $0x1FD1;
	s12 =	rddreg [dreg:$0xb]  }
0x34: {  	[hbm:s14], [sflag:s13] =	dma.local @p0 [spmem:s12], $0x7D0  }
0x35: {  	s13 =	simm.s32 @p0 $0x11  }
0x36: {  	_ =	swait.ge @p0 [sflag:s13], $0x7D0  }
0x37: {  	s14 =	rddreg [dreg:$0xe]  }
0x38: {  	[sflag:s13] =	ssyncset.done @p0 $0x0;
	s12 =	rddreg [dreg:$0xc]  }
0x39: {  	[sflag:s13] =	ssyncadd.s32 @p0 $0xFFFFF830;
	s13 =	rddreg [dreg:$0x8]  }
0x3a: {  	[hbm:s13], [sflag:s12] =	dma.local @!p0 [spmem:s14], $0xC80  }
0x3b: {  	s13 =	simm.s32 @!p0 $0x11  }
0x3c: {  	_ =	swait.ge @!p0 [sflag:s13], $0xC80  }
0x3d: {  	s15 =	rddreg [dreg:$0xd]  }
0x3e: {  	s14 =	rddreg [dreg:$0xa];
	s15 =	sadd.s32 $0x1, s15  }
0x3f: {  	p1 =	sne.s32 s15, s14  }
.Ltmp1:
0x40: {  	_ = 	snop;
	(pc) =	sbr.rel @!p1 .LBB2_5-.Ltmp1, $3  }
0x41: {  	_ =	sdelay $0x1  }
0x42: {  	[sflag:s13] =	ssyncset.done @!p0 $0x0;
	[dreg:$0xd] =	wrdreg s15  }
0x43: {  	[sflag:s13] =	ssyncadd.s32 @!p0 $0xFFFFF380;
	s15 =	rddreg [dreg:$0xb]  }
.LBB2_1:
0x44: {  	s13 =	simm.s32 @p0 $0x1FD1;
	s14 =	rddreg [dreg:$0x5]  }
0x45: {  	[spmem:s15], [sflag:s13] =	dma.local @p0 [hbm:s14], $0x7D0  }
0x46: {  	s13 =	simm.s32 @p0 $0x11  }
0x47: {  	_ =	swait.ge @p0 [sflag:s13], $0x7D0  }
0x48: {  	[sflag:s13] =	ssyncset.done @p0 $0x0;
	s14 =	rddreg [dreg:$0xe]  }
0x49: {  	[sflag:s13] =	ssyncadd.s32 @p0 $0xFFFFF830;
	s13 =	rddreg [dreg:$0x4]  }
0x4a: {  	[spmem:s14], [sflag:s12] =	dma.local @!p0 [hbm:s13], $0xC80  }
0x4b: {  	s13 =	simm.s32 @!p0 $0x11  }
0x4c: {  	_ =	swait.ge @!p0 [sflag:s13], $0xC80  }
0x4d: {  	[sflag:s13] =	ssyncset.done @!p0 $0x0  }
0x4e: {  	s12 =	rddreg [dreg:$0x6];
	[sflag:s13] =	ssyncadd.s32 @!p0 $0xFFFFF380;
	s13 =	simm.s32 $0x0  }
0x4f: {  	[tilespmem:s13], [sflag:$0x11] =	stream.linear.gather [hbm4b:s12+s13], $0x2800, $0x38;
	[tilespmem:$0x14DE8] =	vst v63  }
0x50: {  	s12 =	simm.s32 $0x11  }
0x51: {  	_ =	swait.ge [sflag:s12], $0x2800  }
0x52: {  	[sflag:s12] =	ssyncset.done $0x0  }
0x53: {  	s15 =	simm.s32 $0x2800;
	s14 =	rddreg [dreg:$0x7];
	[sflag:s12] =	ssyncadd.s32 $0xFFFFD800  }
0x54: {  	[tilespmem:s15], [sflag:$0x11] =	stream.linear.gather [hbm4b:s14+s13], $0x2800, $0x38;
	[tilespmem:$0x14DE8] =	vst v63  }
0x55: {  	_ =	swait.ge [sflag:s12], $0x2800  }
0x56: {  	[sflag:s12] =	ssyncset.done $0x0  }
0x57: {  	[sflag:s12] =	ssyncadd.s32 $0xFFFFD800  }
0x58: {  	[bflag:$0x0] =	sbarrier.arrive $0xFFFF  }
0x59: {  	[tilespmem:s18], [sflag:$0x1] =	stream.indirect.gather [hbm4b:s1+s17], $0x28, s13, s17, $0xb8;
	[tilespmem:$0x14DE8] =	vst v63  }
0x5a: {  	s15 =	simm.s32 $0x80  }
0x5b: {  	[tilespmem:s20], [sflag:$0x2] =	stream.indirect.gather [hbm4b:s1+s17], $0x28, s15, s17, $0xb8;
	[tilespmem:$0x14DE8] =	vst v63  }
0x5c: {  	s13 =	simm.s32 $0x100  }
0x5d: {  	[tilespmem:s22], [sflag:$0x3] =	stream.indirect.gather [hbm4b:s1+s17], $0x28, s13, s17, $0xb8;
	[tilespmem:$0x14DE8] =	vst v63  }
0x5e: {  	s14 =	simm.s32 $0x180  }
0x5f: {  	[tilespmem:s24], [sflag:$0x4] =	stream.indirect.gather [hbm4b:s1+s17], $0x28, s14, s17, $0xb8;
	[tilespmem:$0x14DE8] =	vst v63  }
0x60: {  	s15 =	simm.s32 $0x200  }
0x61: {  	[tilespmem:s26], [sflag:$0x5] =	stream.indirect.gather [hbm4b:s1+s17], $0x28, s15, s17, $0xb8;
	[tilespmem:$0x14DE8] =	vst v63  }
0x62: {  	s13 =	simm.s32 $0x280  }
0x63: {  	[tilespmem:s29], [sflag:$0x6] =	stream.indirect.gather [hbm4b:s1+s17], $0x28, s13, s17, $0xb8;
	[tilespmem:$0x14DE8] =	vst v63  }
0x64: {  	s14 =	simm.s32 $0x300  }
0x65: {  	[tilespmem:s31], [sflag:$0x7] =	stream.indirect.gather [hbm4b:s1+s17], $0x28, s14, s17, $0xb8;
	[tilespmem:$0x14DE8] =	vst v63  }
0x66: {  	s15 =	simm.s32 $0x380;
	s13 =	simm.s32 $0x0  }
0x67: {  	[tilespmem:s0], [sflag:$0x8] =	stream.indirect.gather [hbm4b:s1+s17], $0x28, s15, s17, $0xb8;
	[tilespmem:$0x14DE8] =	vst v63  }
.LBB2_2:
0x68: {  	_ =	swait.ge [sflag:s16], $0x1388  }
0x69: {  	s14 =	sshra.s32 s13, $0x2;
	[sflag:s16] =	ssyncset.done $0x0  }
0x6a: {  	s15 =	sadd.s32 $0x2800, s14;
	[sflag:s16] =	ssyncadd.s32 $0xFFFFEC78  }
0x6b: {  	[spmem:s3] =	stream.indirect.scatter.add.f32 [tilespmem:s18], [sflag:$0x9], $0x28, s15, s17, $0xb8;
	[tilespmem:$0x14DE8] =	vst v63  }
0x6c: {  	_ =	swait.ge [sflag:s19], $0x1388  }
0x6d: {  	[sflag:s19] =	ssyncset.done $0x0  }
0x6e: {  	s12 =	sadd.s32 $0x2880, s14;
	[sflag:s19] =	ssyncadd.s32 $0xFFFFEC78  }
0x6f: {  	[spmem:s3] =	stream.indirect.scatter.add.f32 [tilespmem:s20], [sflag:$0xA], $0x28, s12, s17, $0xb8;
	[tilespmem:$0x14DE8] =	vst v63  }
0x70: {  	_ =	swait.ge [sflag:s21], $0x1388  }
0x71: {  	[sflag:s21] =	ssyncset.done $0x0  }
0x72: {  	s12 =	sadd.s32 $0x2900, s14;
	[sflag:s21] =	ssyncadd.s32 $0xFFFFEC78  }
0x73: {  	[spmem:s3] =	stream.indirect.scatter.add.f32 [tilespmem:s22], [sflag:$0xB], $0x28, s12, s17, $0xb8;
	[tilespmem:$0x14DE8] =	vst v63  }
0x74: {  	_ =	swait.ge [sflag:s23], $0x1388  }
0x75: {  	[sflag:s23] =	ssyncset.done $0x0  }
0x76: {  	s12 =	sadd.s32 $0x2980, s14;
	[sflag:s23] =	ssyncadd.s32 $0xFFFFEC78  }
0x77: {  	[spmem:s3] =	stream.indirect.scatter.add.f32 [tilespmem:s24], [sflag:$0xC], $0x28, s12, s17, $0xb8;
	[tilespmem:$0x14DE8] =	vst v63  }
0x78: {  	_ =	swait.ge [sflag:s25], $0x1388  }
0x79: {  	[sflag:s25] =	ssyncset.done $0x0  }
0x7a: {  	s12 =	sadd.s32 $0x2A00, s14;
	[sflag:s25] =	ssyncadd.s32 $0xFFFFEC78  }
0x7b: {  	[spmem:s3] =	stream.indirect.scatter.add.f32 [tilespmem:s26], [sflag:$0xD], $0x28, s12, s17, $0xb8;
	[tilespmem:$0x14DE8] =	vst v63  }
0x7c: {  	_ =	swait.ge [sflag:s28], $0x1388  }
0x7d: {  	[sflag:s28] =	ssyncset.done $0x0  }
0x7e: {  	s12 =	sadd.s32 $0x2A80, s14;
	[sflag:s28] =	ssyncadd.s32 $0xFFFFEC78  }
0x7f: {  	[spmem:s3] =	stream.indirect.scatter.add.f32 [tilespmem:s29], [sflag:$0xE], $0x28, s12, s17, $0xb8;
	[tilespmem:$0x14DE8] =	vst v63  }
0x80: {  	_ =	swait.ge [sflag:s30], $0x1388  }
0x81: {  	[sflag:s30] =	ssyncset.done $0x0  }
0x82: {  	s12 =	sadd.s32 $0x2B00, s14;
	[sflag:s30] =	ssyncadd.s32 $0xFFFFEC78  }
0x83: {  	[spmem:s3] =	stream.indirect.scatter.add.f32 [tilespmem:s31], [sflag:$0xF], $0x28, s12, s17, $0xb8;
	[tilespmem:$0x14DE8] =	vst v63  }
0x84: {  	_ =	swait.ge [sflag:s2], $0x1388  }
0x85: {  	p1 =	seq.s32 s13, $0x9000;
	[sflag:s2] =	ssyncset.done $0x0  }
.Ltmp2:
0x86: {  	s12 =	sadd.s32 $0x2B80, s14;
	[sflag:s2] =	ssyncadd.s32 $0xFFFFEC78;
	(pc) =	sbr.rel @p1 .LBB2_4-.Ltmp2, $4  }
0x87: {  	[spmem:s3] =	stream.indirect.scatter.add.f32 [tilespmem:s0], [sflag:$0x10], $0x28, s12, s17, $0xb8;
	[tilespmem:$0x14DE8] =	vst v63  }
0x88: {  	_ =	swait.ge [sflag:s5], $0x1388  }
0x89: {  	[sflag:s5] =	ssyncset.done $0x0  }
0x8a: {  	[sflag:s5] =	ssyncadd.s32 $0xFFFFEC78  }
0x8b: {  	s15 =	sadd.s32 $0x400, s14  }
0x8c: {  	[tilespmem:s18], [sflag:$0x1] =	stream.indirect.gather [hbm4b:s1+s17], $0x28, s15, s17, $0xb8;
	[tilespmem:$0x14DE8] =	vst v63  }
0x8d: {  	_ =	swait.ge [sflag:s6], $0x1388  }
0x8e: {  	[sflag:s6] =	ssyncset.done $0x0  }
0x8f: {  	s12 =	sadd.s32 $0x480, s14;
	[sflag:s6] =	ssyncadd.s32 $0xFFFFEC78  }
0x90: {  	[tilespmem:s20], [sflag:$0x2] =	stream.indirect.gather [hbm4b:s1+s17], $0x28, s12, s17, $0xb8;
	[tilespmem:$0x14DE8] =	vst v63  }
0x91: {  	_ =	swait.ge [sflag:s7], $0x1388  }
0x92: {  	[sflag:s7] =	ssyncset.done $0x0  }
0x93: {  	s12 =	sadd.s32 $0x500, s14;
	[sflag:s7] =	ssyncadd.s32 $0xFFFFEC78  }
0x94: {  	[tilespmem:s22], [sflag:$0x3] =	stream.indirect.gather [hbm4b:s1+s17], $0x28, s12, s17, $0xb8;
	[tilespmem:$0x14DE8] =	vst v63  }
0x95: {  	_ =	swait.ge [sflag:s8], $0x1388  }
0x96: {  	[sflag:s8] =	ssyncset.done $0x0  }
0x97: {  	s12 =	sadd.s32 $0x580, s14;
	[sflag:s8] =	ssyncadd.s32 $0xFFFFEC78  }
0x98: {  	[tilespmem:s24], [sflag:$0x4] =	stream.indirect.gather [hbm4b:s1+s17], $0x28, s12, s17, $0xb8;
	[tilespmem:$0x14DE8] =	vst v63  }
0x99: {  	_ =	swait.ge [sflag:s9], $0x1388  }
0x9a: {  	[sflag:s9] =	ssyncset.done $0x0  }
0x9b: {  	s12 =	sadd.s32 $0x600, s14;
	[sflag:s9] =	ssyncadd.s32 $0xFFFFEC78  }
0x9c: {  	[tilespmem:s26], [sflag:$0x5] =	stream.indirect.gather [hbm4b:s1+s17], $0x28, s12, s17, $0xb8;
	[tilespmem:$0x14DE8] =	vst v63  }
0x9d: {  	_ =	swait.ge [sflag:s10], $0x1388  }
0x9e: {  	[sflag:s10] =	ssyncset.done $0x0  }
0x9f: {  	s12 =	sadd.s32 $0x680, s14;
	[sflag:s10] =	ssyncadd.s32 $0xFFFFEC78  }
0xa0: {  	[tilespmem:s29], [sflag:$0x6] =	stream.indirect.gather [hbm4b:s1+s17], $0x28, s12, s17, $0xb8;
	[tilespmem:$0x14DE8] =	vst v63  }
0xa1: {  	_ =	swait.ge [sflag:s11], $0x1388  }
0xa2: {  	[sflag:s11] =	ssyncset.done $0x0  }
0xa3: {  	s12 =	sadd.s32 $0x700, s14;
	[sflag:s11] =	ssyncadd.s32 $0xFFFFEC78  }
0xa4: {  	[tilespmem:s31], [sflag:$0x7] =	stream.indirect.gather [hbm4b:s1+s17], $0x28, s12, s17, $0xb8;
	[tilespmem:$0x14DE8] =	vst v63  }
.Ltmp3:
0xa5: {  	_ = 	snop;
	(pc) =	sbr.rel .LBB2_2-.Ltmp3, $4  }
0xa6: {  	_ =	swait.ge [sflag:s4], $0x1388  }
0xa7: {  	[sflag:s4] =	ssyncset.done $0x0  }
0xa8: {  	s13 =	sadd.s32 $0x1000, s13;
	s15 =	sadd.s32 $0x780, s14;
	[sflag:s4] =	ssyncadd.s32 $0xFFFFEC78  }
0xa9: {  	[tilespmem:s0], [sflag:$0x8] =	stream.indirect.gather [hbm4b:s1+s17], $0x28, s15, s17, $0xb8;
	[tilespmem:$0x14DE8] =	vst v63  }
.LBB2_5:
0xaa: {  	_ =	sfence.sel $0x180000  }
0xab: {  	[bflag:$0x0] =	sbarrier.arrive $0xFFFF  }
0xac: {  	_ =	strace $0x9000004D  }
0xad: {  	s0 =	stileid.u32;
	[bflag:$0x2] =	sbarrier.arrive $0xFFFF  }
0xae: {  	p0 =	sne.s32 s0, $0x0;
	s0 =	rddreg [dreg:$0x3]  }
0xaf: {  	s0 =	sadd.s32 @!p0 $0x100000, s0  }
0xb0: {  	[sflag:s0] =	ssyncadd.tile.s32 @!p0 $0x1;
	_ =	shalt  }
.Lfunc_end2:
_tile_overlayer_lowered:
.L_overlay_start_2:
0xb1: {  	(tag) =	ssettag $0x2  }
0xb2: {  	s0 =	rddreg [dreg:$0x0];
	s2 =	stileid.u32  }
0xb3: {  	s1 =	rddreg [dreg:$0x1];
	p0 =	sne.s32 s2, $0x0  }
0xb4: {  	s3 =	rddreg [dreg:$0x2];
	[bflag:$0x3] =	sbarrier.arrive $0xFFFF;
	s2 =	simm.s32 @!p0 $0x1C11  }
0xb5: {  	[timem:s3], [sflag:s2] =	dma.local @!p0 [hbm:s0], s1  }
0xb6: {  	s0 =	simm.s32 @!p0 $0x11  }
0xb7: {  	_ =	swait.ge @!p0 [sflag:s0], s1  }
0xb8: {  	s1 =	ssub.s32 @!p0 $0x0, s1;
	[sflag:s0] =	ssyncset.done @!p0 $0x0  }
0xb9: {  	[sflag:s0] =	ssyncadd.s32 @!p0 s1  }
0xba: {  	[bflag:$0x3] =	sbarrier.arrive $0xFFFF  }
0xbb: {  	_ =	shalt  }

// kernel: kernel.8.cloned.1.call-start
scs
__scs_entry_jumppad:
0x0: {  	(pc) =	sbr.rel $0x88, $3  }
0x1: {  	(tag) =	ssettag $0x0;
	lr =	simm.s32 $0x1  }
0x2: {  	[smem:$0x3F9D] =	sst lr;
	_ =	strace $0xD0000000  }
0x3: {  	_ = 	snop  }
0x4: {  	_ = 	snop  }
0x5: {  	_ = 	snop  }
0x6: {  	_ = 	snop  }
0x7: {  	_ = 	snop  }
__scs_overlays_trampoline_lowered:
0x8: {  	[smem:$0x3FAC] =	sst s0  }
0x9: {  	[smem:$0x3FAD] =	sst s1  }
0xa: {  	[smem:$0x3FAE] =	sst s2  }
0xb: {  	[smem:$0x3FAF] =	sst s3  }
0xc: {  	[smem:$0x3FB0] =	sst s4  }
0xd: {  	[smem:$0x3FB1] =	sst s5  }
0xe: {  	[smem:$0x3FB2] =	sst s6  }
0xf: {  	[smem:$0x3FB3] =	sst s7  }
0x10: {  	[smem:$0x3FB4] =	sst s8  }
0x11: {  	[smem:$0x3FB5] =	sst s9;
	s0 =	simm.s32 @!p0 $0x0  }
0x12: {  	s1 =	sld [smem:$0x3F9B];
	s0 =	simm.s32 @p0 $0x1  }
0x13: {  	[smem:$0x3FB6] =	sst s0;
	s0 =	simm.s32 @!p1 $0x0  }
0x14: {  	s2 =	sld [smem:$0x3F9A];
	s0 =	simm.s32 @p1 $0x1  }
0x15: {  	[smem:$0x3FB7] =	sst s0;
	s0 =	simm.s32 @!p2 $0x0  }
0x16: {  	s3 =	sld [smem:$0x3FDB];
	s0 =	simm.s32 @p2 $0x1  }
0x17: {  	s4 =	simm.s32 $0x1BF5;
	[smem:$0x3FB9] =	sst s0  }
0x18: {  	s0 =	sld [smem:$0x3F9C];
	_ =	swait.ge [sflag:s4], $0x0  }
0x19: {  	s7 =	sld [smem:$0x3F9D]  }
0x1a: {  	s8 =	sadd.s32 $0xFFFFE003, lr  }
0x1b: {  	s9 =	sadd.s32 $0xFFFFFEF7, lr;
	s5 =	simm.s32 $0xFFFFFFFF;
	p2 =	slt.u32 s8, $0xFFFFF086  }
0x1c: {  	p1 =	slt.u32 s9, $0xF7A;
	s5 =	simm.s32 @!p2 $0x0  }
0x1d: {  	s5 =	simm.s32 @p1 $0x1;
	p0 =	seq.s32 s7, s2  }
0x1e: {  	s7 =	smul.u32 @!p0 $0xF7A, s2;
	p2 =	seq.s32 @!p0 s5, $0x0  }
0x1f: {  	s9 =	smul.u32 $0xF7A, s1;
	s8 =	simm.s32 @!p0 $0x1BF5;
	p2 =	por !p2, p0  }
0x20: {  	[sflag:s8] =	ssyncset.s32 @!p0 $0xFFFFF086;
	s6 =	sadd.s32 @!p0 s3, s7;
	s7 =	simm.s32 @!p0 $0x108  }
0x21: {  	s3 =	sadd.s32 s3, s9;
	s6 =	sadd.s32 @!p0 $0x88, s6;
	s7 =	simm.s32 @p2 $0x1082  }
0x22: {  	[simem:s7], [sflag:s8] =	dma.local @!p0 [hbm:s6], $0xF7A  }
0x23: {  	s9 =	sor.u32 $0xD0000000, s2;
	s6 =	simm.s32 $0x108;
	_ =	swait.ge @!p0 [sflag:s8], $0x0  }
0x24: {  	s3 =	sadd.s32 $0x88, s3;
	s6 =	simm.s32 @!p1 $0x1082;
	[sflag:s4] =	ssyncset.s32 $0xFFFFF086  }
0x25: {  	[simem:s6], [sflag:s4] =	dma.local [hbm:s3], $0xF7A  }
0x26: {  	[smem:$0x3F9D] =	sst s1;
	(tag) =	ssettag s2;
	_ =	strace s9  }
0x27: {  	s1 =	sld [smem:$0x3FAD]  }
0x28: {  	s2 =	sld [smem:$0x3FAE]  }
0x29: {  	s4 =	sld [smem:$0x3FB0]  }
0x2a: {  	p0 =	seq.s32 s5, $0x0;
	s5 =	sld [smem:$0x3FB1]  }
0x2b: {  	s6 =	sld [smem:$0x3FB2]  }
0x2c: {  	s7 =	sld [smem:$0x3FB3]  }
0x2d: {  	s3 =	simm.s32 $0x108;
	s8 =	sld [smem:$0x3FB4]  }
0x2e: {  	s3 =	simm.s32 @!p0 $0x1082;
	s9 =	sld [smem:$0x3FB5]  }
0x2f: {  	lr =	sadd.s32 s0, s3;
	s0 =	sld [smem:$0x3FAC]  }
0x30: {  	s3 =	sld [smem:$0x3FAF]  }
0x31: {  	[smem:$0x3FB8] =	sst s10  }
0x32: {  	s10 =	sld [smem:$0x3FB6];
	_ =	sdelay $0x3  }
0x33: {  	p0 =	seq.s32 s10, $0x1;
	s10 =	sld [smem:$0x3FB8];
	_ =	sdelay $0x3  }
0x34: {  	[smem:$0x3FB8] =	sst s10  }
0x35: {  	s10 =	sld [smem:$0x3FB7];
	_ =	sdelay $0x3  }
0x36: {  	p1 =	seq.s32 s10, $0x1;
	s10 =	sld [smem:$0x3FB8];
	_ =	sdelay $0x3  }
0x37: {  	[smem:$0x3FB8] =	sst s10  }
0x38: {  	s10 =	sld [smem:$0x3FB9]  }
0x39: {  	_ = 	snop;
	(pc) =	sbr.ind lr, $3  }
0x3a: {  	_ = 	snop  }
0x3b: {  	_ = 	snop  }
0x3c: {  	p2 =	seq.s32 s10, $0x1;
	s10 =	sld [smem:$0x3FB8]  }
0x3d: {  	_ =	shalt  }
0x3e: {  	_ =	shalt  }
0x3f: {  	_ =	shalt  }
0x40: {  	_ =	shalt  }
0x41: {  	_ =	shalt  }
0x42: {  	_ =	shalt  }
0x43: {  	_ =	shalt  }
0x44: {  	_ =	shalt  }
0x45: {  	_ =	shalt  }
0x46: {  	_ =	shalt  }
0x47: {  	_ =	shalt  }
0x48: {  	_ =	shalt  }
0x49: {  	_ =	shalt  }
0x4a: {  	_ =	shalt  }
0x4b: {  	_ =	shalt  }
0x4c: {  	_ =	shalt  }
0x4d: {  	_ =	shalt  }
0x4e: {  	_ =	shalt  }
0x4f: {  	_ =	shalt  }
0x50: {  	_ =	shalt  }
0x51: {  	_ =	shalt  }
0x52: {  	_ =	shalt  }
0x53: {  	_ =	shalt  }
0x54: {  	_ =	shalt  }
0x55: {  	_ =	shalt  }
0x56: {  	_ =	shalt  }
0x57: {  	_ =	shalt  }
0x58: {  	_ =	shalt  }
0x59: {  	_ =	shalt  }
0x5a: {  	_ =	shalt  }
0x5b: {  	_ =	shalt  }
0x5c: {  	_ =	shalt  }
0x5d: {  	_ =	shalt  }
0x5e: {  	_ =	shalt  }
0x5f: {  	_ =	shalt  }
0x60: {  	_ =	shalt  }
0x61: {  	_ =	shalt  }
0x62: {  	_ =	shalt  }
0x63: {  	_ =	shalt  }
0x64: {  	_ =	shalt  }
0x65: {  	_ =	shalt  }
0x66: {  	_ =	shalt  }
0x67: {  	_ =	shalt  }
0x68: {  	_ =	shalt  }
0x69: {  	_ =	shalt  }
0x6a: {  	_ =	shalt  }
0x6b: {  	_ =	shalt  }
0x6c: {  	_ =	shalt  }
0x6d: {  	_ =	shalt  }
0x6e: {  	_ =	shalt  }
0x6f: {  	_ =	shalt  }
0x70: {  	_ =	shalt  }
0x71: {  	_ =	shalt  }
0x72: {  	_ =	shalt  }
0x73: {  	_ =	shalt  }
0x74: {  	_ =	shalt  }
0x75: {  	_ =	shalt  }
0x76: {  	_ =	shalt  }
0x77: {  	_ =	shalt  }
0x78: {  	_ =	shalt  }
0x79: {  	_ =	shalt  }
0x7a: {  	_ =	shalt  }
0x7b: {  	_ =	shalt  }
0x7c: {  	_ =	shalt  }
0x7d: {  	_ =	shalt  }
0x7e: {  	_ =	shalt  }
0x7f: {  	_ =	shalt  }
0x80: {  	_ =	shalt  }
0x81: {  	_ =	shalt  }
0x82: {  	_ =	shalt  }
0x83: {  	_ =	shalt  }
0x84: {  	_ =	shalt  }
0x85: {  	_ =	shalt  }
0x86: {  	_ =	shalt  }
0x87: {  	_ =	shalt  }
.Lfunc_end0:
.L_simem_size_0:
called_computation_lowered:
.L_overlay_start_0:
0x88: {  	s2 =	sld [smem:$0x3FD9]  }
0x89: {  	s3 =	sld [smem:$0x3FFE];
	_ =	sdelay $0x1  }
0x8a: {  	s1 =	srdreg.scid  }
0x8b: {  	s0 =	sand.u32 $0x1, s1  }
0x8c: {  	s17 =	sshll.u32 s0, $0xA;
	s2 =	sadd.s32 s3, s2  }
0x8d: {  	s2 =	sadd.s32 s2, s17  }
0x8e: {  	[smem:$0x3FC4] =	sst s2  }
0x8f: {  	_ = 	snop  }
0x90: {  	s2 =	sld [smem:$0x3FD0];
	(tm) =	ssettm $0x1  }
0x91: {  	s18 =	sld [smem:$0x3FFB];
	_ =	sdelay $0x3  }
0x92: {  	_ =	strace s18  }
0x93: {  	s3 =	sld [smem:$0x3FFC];
	_ =	sdelay $0x3  }
0x94: {  	_ =	strace s3  }
0x95: {  	s3 =	sld [smem:$0x3FFD];
	_ =	sdelay $0x3  }
0x96: {  	_ =	strace s3  }
0x97: {  	_ =	strace $0x8FFFFFFF  }
0x98: {  	s19 =	sld [smem:$0x3FDB];
	_ =	sdelay $0x1  }
0x99: {  	s4 =	simm.s32 $_scs_section_size  }
0x9a: {  	s5 =	simm.s32 $_size__tile_overlayer_lowered;
	s6 =	simm.s32 $_tile_overlayer_lowered  }
0x9b: {  	s22 =	simm.s32 $0x1BFF;
	s21 =	sshll.u32 s6, $0x1;
	s3 =	sadd.s32 s4, s19  }
0x9c: {  	s7 =	simm.s32 $0x0;
	s20 =	sshll.u32 s5, $0x1;
	s5 =	sadd.s32 s21, s3  }
0x9d: {  	[timem:s7], [sflag:s22] =	dma.local [hbm:s5], s20  }
0x9e: {  	_ =	swait.ge [sflag:s22], s20  }
0x9f: {  	s4 =	ssub.s32 $0x0, s20;
	[sflag:s22] =	ssyncset.done $0x0  }
0xa0: {  	[sflag:s22] =	ssyncadd.s32 s4;
	_ =	sdelay $0x1  }
0xa1: {  	s23 =	simm.s32 $0x1B8B  }
0xa2: {  	_ =	swait.ge [sflag:s23], $0x1  }
0xa3: {  	[sflag:s23] =	ssyncset.done $0x0  }
0xa4: {  	s25 =	simm.s32 $0x1B8E;
	s24 =	sld [smem:$0x3FFE];
	[sflag:s23] =	ssyncadd.s32 $0xFFFFFFFF  }
0xa5: {  	s26 =	simm.s32 $execute0_lowered;
	[smem:$0x3FD2] =	sst s25  }
0xa6: {  	s5 =	sshll.u32 s26, $0x1;
	_ =	strace $0x80000046;
	[dreg:$0x1] =	wrdreg $0xFFFFFFFF  }
0xa7: {  	s28 =	simm.s32 $_size_execute0_lowered;
	s3 =	sadd.s32 s3, s5;
	[dreg:$0x0] =	wrdreg $0x0  }
0xa8: {  	s5 =	sshll.u32 s28, $0x1;
	[dreg:$0x2] =	wrdreg s3  }
0xa9: {  	[dreg:$0x3] =	wrdreg s5  }
0xaa: {  	[dreg:$0x4] =	wrdreg $0xC0  }
0xab: {  	_ =	task [dreg:s7], $0x5FFFF  }
0xac: {  	[dreg:$0x1] =	wrdreg $0xFFFFFFFF  }
0xad: {  	[dreg:$0x0] =	wrdreg $0x60  }
0xae: {  	[dreg:$0x2] =	wrdreg s2  }
0xaf: {  	[dreg:$0x3] =	wrdreg s24  }
0xb0: {  	[dreg:$0x4] =	wrdreg $0x9  }
0xb1: {  	_ =	task.clear_ibuf [dreg:s7], $0x5FFFF;
	_ =	strace $0x90000046  }
0xb2: {  	s29 =	simm.s32 $0x9;
	_ =	strace $0x80000048  }
0xb3: {  	_ =	swait.ge [sflag:s29], $0x1  }
0xb4: {  	[sflag:s29] =	ssyncadd.s32 $0xFFFFFFFF  }
0xb5: {  	_ =	strace $0x90000048  }
0xb6: {  	_ =	sfence  }
0xb7: {  	s30 =	sld [smem:$0x0];
	_ =	sdelay $0x2  }
0xb8: {  	s31 =	sshll.u32 s1, $0xD;
	s1 =	sshrl.u32 s1, $0x2  }
0xb9: {  	s3 =	sand.u32 $0x4000, s31;
	s1 =	sadd.s32 s1, s30  }
0xba: {  	s0 =	sor.u32 s3, s0;
	s1 =	sshll.u32 s1, $0x11  }
0xbb: {  	s0 =	sor.u32 s1, s0  }
0xbc: {  	s0 =	sadd.s32 $0x8F2B, s0  }
0xbd: {  	[sflag:s0] =	ssyncadd.remote.s32 $0x1  }
0xbe: {  	_ =	sfence.sel $0xFFFF  }
0xbf: {  	[dreg:$0x0] =	wrdreg $0xFFFFFFFF;
	(pc) =	sbr.abs _section_cstart, $3  }
0xc0: {  	[dreg:$0x1] =	wrdreg $0xFFFFFFFF  }
0xc1: {  	_ =	task.clear_ibuf [dreg:s7], $0x2FFFF;
	_ =	strace $0x9FFFFFFF  }
0xc2: {  	(tm) =	ssettm $0x7FFFFFFF  }
0xc3: {  	_ =	shalt  }
tec
execute0_lowered:
.L_overlay_start_1:
0x0: {  	(tag) =	ssettag $0x1  }
0x1: {  	s0 =	srdreg.scid;
	s3 =	rddreg [dreg:$0x0]  }
0x2: {  	s5 =	rddreg [dreg:$0x1];
	s4 =	sand.u32 $0x1, s0  }
0x3: {  	s1 =	stileid.u32;
	s8 =	simm.s32 $0x0;
	s2 =	sshll.u32 s4, $0x4  }
0x4: {  	s4 =	ssub.s32 $0x2, s4;
	s6 =	sor.u32 s1, s2;
	s2 =	simm.s32 $0x0  }
0x5: {  	s7 =	sshrl.u32 s4, $0x1;
	s6 =	smul.u32 $0x4E2, s6;
	[smem:$0x7FF] =	sst s2  }
0x6: {  	s0 =	rddreg [dreg:$0x2];
	s7 =	ssub.s32 s4, s7;
	_ =	strace $0x80000047  }
0x7: {  	s5 =	sadd.s32 s6, s5;
	s3 =	sadd.s32 s3, s6;
	s6 =	simm.s32 $0x1  }
0x8: {  	v0 =	vimm.f32 $0.0e+00;
	v1 =	vimm.f32 $1.000000000e+00;
	s4 =	sadd.s32 $0x1200, s5;
	s5 =	smax.u32 s7, $0x1;
	s7 =	simm.s32 $0x2710  }
.LBB2_1:
0x9: {  	s9 =	simm.s32 $0x2750  }
0xa: {  	[tilespmem:s9+$0xFFFFFFC0] =	vst v0  }
0xb: {  	[tilespmem:s9+$0x30] =	vst v0  }
0xc: {  	[tilespmem:s9+$0x20] =	vst v0  }
0xd: {  	[tilespmem:s9+$0x10] =	vst v0  }
0xe: {  	[tilespmem:s9+$0x0] =	vst v0  }
0xf: {  	[tilespmem:s9+$0xFFFFFFF0] =	vst v0  }
0x10: {  	s10 =	simm.s32 $0x0;
	[tilespmem:s9+$0xFFFFFFE0] =	vst v0  }
.LBB2_2:
0x11: {  	s10 =	sadd.s32 $0x8, s10;
	[tilespmem:s9+$0xFFFFFFD0] =	vst v0;
	s9 =	sadd.s32 $0x80, s9  }
0x12: {  	[tilespmem:s9+$0xFFFFFFC0] =	vst v0;
	p0 =	slt.u32 s10, $0x268  }
0x13: {  	[tilespmem:s9+$0x30] =	vst v0  }
.Ltmp0:
0x14: {  	[tilespmem:s9+$0x20] =	vst v0;
	(pc) =	sbr.rel @p0 .LBB2_2-.Ltmp0, $4  }
0x15: {  	[tilespmem:s9+$0x10] =	vst v0  }
0x16: {  	[tilespmem:s9+$0x0] =	vst v0  }
0x17: {  	[tilespmem:s9+$0xFFFFFFF0] =	vst v0  }
0x18: {  	[tilespmem:s9+$0xFFFFFFE0] =	vst v0  }
0x19: {  	[tilespmem:s9+$0xFFFFFFD0] =	vst v0  }
0x1a: {  	[tilespmem:$0x4E10] =	vst v0  }
0x1b: {  	[tilespmem:s2], [sflag:$0x1] =	stream.linear.gather [hbm4b:s3+s2], $0x2710, $0x38;
	[tilespmem:$0x4E20] =	vst v63  }
0x1c: {  	_ =	swait.ge [sflag:s6], $0x2710  }
0x1d: {  	[sflag:s6] =	ssyncset.done $0x0  }
0x1e: {  	s9 =	simm.s32 $0xFFFFFFFC;
	s10 =	simm.s32 $0x20;
	[sflag:s6] =	ssyncadd.s32 $0xFFFFD8F0  }
.LBB2_4:
0x1f: {  	v2 =	vld [tilespmem:s10+$0xFFFFFFE0];
	_ =	sdelay $0x7  }
0x20: {  	[tilespmem:v2+s7+$0x0] =	vst.idx.add.f32.msk $0xffff, v1  }
0x21: {  	v2 =	vld [tilespmem:s10+$0xFFFFFFF0];
	_ =	sdelay $0x7  }
0x22: {  	[tilespmem:v2+s7+$0x0] =	vst.idx.add.f32.msk $0xffff, v1  }
0x23: {  	v2 =	vld [tilespmem:s10+$0x0];
	_ =	sdelay $0x7  }
0x24: {  	[tilespmem:v2+s7+$0x0] =	vst.idx.add.f32.msk $0xffff, v1  }
0x25: {  	v2 =	vld [tilespmem:s10+$0x10];
	_ =	sdelay $0x1  }
0x26: {  	s9 =	sadd.s32 $0x4, s9  }
0x27: {  	p0 =	slt.u32 s9, $0x26C  }
.Ltmp1:
0x28: {  	_ = 	snop;
	(pc) =	sbr.rel @p0 .LBB2_4-.Ltmp1, $2  }
0x29: {  	_ =	sdelay $0x2  }
0x2a: {  	s10 =	sadd.s32 $0x40, s10;
	[tilespmem:v2+s7+$0x0] =	vst.idx.add.f32.msk $0xffff, v1  }
0x2b: {  	v2 =	vld [tilespmem:$0x2700];
	_ =	sdelay $0x5  }
0x2c: {  	s8 =	sadd.s32 $0x1, s8  }
0x2d: {  	p0 =	sne.s32 s8, s5  }
.Ltmp2:
0x2e: {  	[tilespmem:v2+s7+$0x0] =	vst.idx.add.f32.msk $0xffff, v1;
	(pc) =	sbr.rel @p0 .LBB2_1-.Ltmp2, $4  }
0x2f: {  	[hbm4b:s4+s2] =	stream.linear.scatter [tilespmem:s7], [sflag:$0x1], $0x2710, $0x38;
	[tilespmem:$0x4E20] =	vst v63  }
0x30: {  	_ =	swait.ge [sflag:s6], $0x2710  }
0x31: {  	[sflag:s6] =	ssyncset.done $0x0  }
0x32: {  	[sflag:s6] =	ssyncadd.s32 $0xFFFFD8F0  }
0x33: {  	_ =	sfence.sel $0x180000  }
0x34: {  	[bflag:$0x0] =	sbarrier.arrive $0xFFFF  }
0x35: {  	p0 =	sne.s32 s1, $0x0;
	_ =	strace $0x90000047  }
0x36: {  	s0 =	sadd.s32 @!p0 $0x100000, s0;
	[bflag:$0x2] =	sbarrier.arrive $0xFFFF  }
0x37: {  	[sflag:s0] =	ssyncadd.tile.s32 @!p0 $0x1;
	_ =	shalt  }
.Lfunc_end2:
_tile_overlayer_lowered:
.L_overlay_start_2:
0x38: {  	(tag) =	ssettag $0x2  }
0x39: {  	s0 =	rddreg [dreg:$0x0];
	s2 =	stileid.u32  }
0x3a: {  	s1 =	rddreg [dreg:$0x1];
	p0 =	sne.s32 s2, $0x0  }
0x3b: {  	s3 =	rddreg [dreg:$0x2];
	[bflag:$0x3] =	sbarrier.arrive $0xFFFF;
	s2 =	simm.s32 @!p0 $0x1C01  }
0x3c: {  	[timem:s3], [sflag:s2] =	dma.local @!p0 [hbm:s0], s1  }
0x3d: {  	s0 =	simm.s32 @!p0 $0x1  }
0x3e: {  	_ =	swait.ge @!p0 [sflag:s0], s1  }
0x3f: {  	s1 =	ssub.s32 @!p0 $0x0, s1;
	[sflag:s0] =	ssyncset.done @!p0 $0x0  }
0x40: {  	[sflag:s0] =	ssyncadd.s32 @!p0 s1  }
0x41: {  	[bflag:$0x3] =	sbarrier.arrive $0xFFFF  }
0x42: {  	_ =	shalt  }

</sc_bundles>
